<compile_context>
chip_gen: v7x
topology: tpu7x:2x2x1
jax: 0.10.2.dev20260603
libtpu: 0.0.44.dev20260713+nightly
codegen_flags: <defaults>
</compile_context>

<pallas_src>
import jax
import jax.numpy as jnp
from jax.experimental import pallas as pl
from jax.experimental.pallas import tpu as pltpu
from jax.experimental.pallas import tpu_sc as plsc


def _gelu_exact(v):
    return 0.5 * v * (1.0 + jax.lax.erf(v * (2.0 ** -0.5)))


def _bc_to_i32(a):
    n, m = a.shape
    return jax.lax.bitcast_convert_type(
        a.reshape(n, m // 2, 2), jnp.int32)


def _bc_to_bf16(a):
    n, m = a.shape
    return jax.lax.bitcast_convert_type(a, jnp.bfloat16).reshape(n, 2 * m)


def _cumsum_rows(a):
    n = a.shape[0]
    s = 1
    while s < n:
        shifted = jnp.concatenate(
            [jnp.zeros((s, a.shape[1]), a.dtype), a[:-s]], axis=0)
        a = a + shifted
        s *= 2
    return a


B, P, D = 1, 2048, 768
E, K, H = 8, 2, 768
BT = 256
T = (P * K) // BT + E - 1
S = T * BT
SCW = 128


def _gating_body(x_ref, wg_ref, gates_ref, pos0_ref, pos1_ref, eot_ref,
                 loss_ref):
    logits = jnp.dot(x_ref[...], wg_ref[...],
                     preferred_element_type=jnp.float32)
    p = jax.nn.softmax(logits, axis=1)
    iota = jax.lax.broadcasted_iota(jnp.int32, (P, E), 1)
    a1 = jnp.argmax(p, axis=1)
    oh1 = iota == a1[:, None]
    pm = jnp.where(oh1, -1.0, p)
    a2 = jnp.argmax(pm, axis=1)
    oh2 = iota == a2[:, None]
    m1 = jnp.max(p, axis=1, keepdims=True)
    m2 = jnp.max(pm, axis=1, keepdims=True)
    den = m1 + m2 + 1e-6
    g1 = m1 / den
    g2 = m2 / den
    gates_ref[...] = jnp.concatenate([g1, g2], axis=1)

    wmat = jnp.where(oh1, g1, 0.0) + jnp.where(oh2, g2, 0.0)
    imp = jnp.sum(wmat, axis=0)
    load = jnp.sum((wmat > 0).astype(jnp.float32), axis=0)

    def cv_sq(v):
        mean = jnp.sum(v) / E
        var = jnp.sum((v - mean) ** 2) / (E - 1)
        return var / (mean * mean + 1e-10)

    loss_ref[...] = (cv_sq(imp) + cv_sq(load)).reshape(1, 1)

    cnt = oh1.astype(jnp.float32) + oh2.astype(jnp.float32)
    cum = _cumsum_rows(cnt) - cnt
    counts = jnp.sum(cnt, axis=0, keepdims=True)
    padded = jnp.ceil(counts / BT) * BT
    tri = (jax.lax.broadcasted_iota(jnp.int32, (E, E), 0)
           <= jax.lax.broadcasted_iota(jnp.int32, (E, E), 1)
           ).astype(jnp.float32)
    cpad = jnp.dot(padded, tri)
    offs = cpad - padded
    posmat = cum + offs
    pos0 = jnp.sum(jnp.where(oh1, posmat, 0.0), axis=1).astype(jnp.int32)
    pos1 = jnp.sum(jnp.where(oh2, posmat, 0.0), axis=1).astype(jnp.int32)
    pos0_ref[...] = pos0.reshape(1, P)
    pos1_ref[...] = pos1.reshape(1, P)

    tstart = jax.lax.broadcasted_iota(jnp.int32, (T, E), 0).astype(
        jnp.float32) * BT
    eot = jnp.sum((tstart >= cpad).astype(jnp.int32), axis=1)
    total = jnp.max(cpad)
    valid = (tstart[:, 0] < total).astype(jnp.int32)
    eot_ref[...] = jnp.concatenate(
        [jnp.minimum(eot, E - 1).reshape(1, T), valid.reshape(1, T)], axis=0)


def _gating_call(x_flat, w_gate):
    return pl.pallas_call(
        _gating_body,
        out_shape=[
            jax.ShapeDtypeStruct((P, K), jnp.float32),
            jax.ShapeDtypeStruct((1, P), jnp.int32),
            jax.ShapeDtypeStruct((1, P), jnp.int32),
            jax.ShapeDtypeStruct((2, T), jnp.int32),
            jax.ShapeDtypeStruct((1, 1), jnp.float32),
        ],
    )(x_flat, w_gate)


def _dispatch_call(x_flat, pos0, pos1):
    mesh = plsc.VectorSubcoreMesh(core_axis_name="c", subcore_axis_name="s")
    DW = D // 2

    @pl.kernel(out_type=jax.ShapeDtypeStruct((2 * S, DW), jnp.float32),
               mesh=mesh)
    def disp(x_hbm, p0_hbm, p1_hbm, o_hbm):
        def body(x_vmem, p0_vmem, p1_vmem):
            pltpu.sync_copy(x_vmem, o_hbm.at[p0_vmem.at[0]])
            pltpu.sync_copy(x_vmem, o_hbm.at[p1_vmem.at[0]])

        pltpu.emit_pipeline(
            body,
            grid=(2 * P // SCW,),
            in_specs=[
                pl.BlockSpec((SCW, DW), lambda i: (i, 0)),
                pl.BlockSpec((1, SCW), lambda i: (0, i)),
                pl.BlockSpec((1, SCW), lambda i: (0, i)),
            ],
            out_specs=[],
            core_axis_name=("c", "s"),
            dimension_semantics=(pltpu.PARALLEL,),
        )(x_hbm, p0_hbm, p1_hbm)

    return disp(x_flat.reshape(2 * P, DW), pos0, pos1)


def _gmm_body(eot_ref, xs_ref, w1_ref, b1_ref, w2_ref, b2_ref, out_ref):
    t = pl.program_id(0)

    @pl.when(eot_ref[1, t] == 1)
    def _():
        h = jnp.dot(xs_ref[...].astype(jnp.bfloat16), w1_ref[0],
                    preferred_element_type=jnp.float32)
        h = _gelu_exact(h + b1_ref[0])
        o = jnp.dot(h.astype(jnp.bfloat16), w2_ref[0],
                    preferred_element_type=jnp.float32)
        out_ref[...] = o + b2_ref[0]


def _gmm_call(xs, w1b, b1, w2b, b2, eot):
    grid_spec = pltpu.PrefetchScalarGridSpec(
        num_scalar_prefetch=1,
        grid=(T,),
        in_specs=[
            pl.BlockSpec((BT, D), lambda t, eot: (t, 0)),
            pl.BlockSpec((1, D, H), lambda t, eot: (eot[0, t], 0, 0)),
            pl.BlockSpec((1, 1, H), lambda t, eot: (eot[0, t], 0, 0)),
            pl.BlockSpec((1, H, D), lambda t, eot: (eot[0, t], 0, 0)),
            pl.BlockSpec((1, 1, D), lambda t, eot: (eot[0, t], 0, 0)),
        ],
        out_specs=pl.BlockSpec((BT, D), lambda t, eot: (t, 0)),
    )
    return pl.pallas_call(
        _gmm_body,
        grid_spec=grid_spec,
        out_shape=jax.ShapeDtypeStruct((S, D), jnp.float32),
    )(eot, xs, w1b, b1.reshape(E, 1, H), w2b, b2.reshape(E, 1, D))


def _gather_rows(out_sorted, pos):
    mesh = plsc.VectorSubcoreMesh(core_axis_name="c", subcore_axis_name="s")
    DW = D // 2

    @pl.kernel(out_type=jax.ShapeDtypeStruct((2 * P, DW), jnp.float32),
               mesh=mesh)
    def comb(os_hbm, p_hbm, c_hbm):
        def body(p_vmem, c_vmem):
            pltpu.sync_copy(os_hbm.at[p_vmem.at[0]], c_vmem)

        pltpu.emit_pipeline(
            body,
            grid=(2 * P // SCW,),
            in_specs=[pl.BlockSpec((1, SCW), lambda i: (0, i))],
            out_specs=[pl.BlockSpec((SCW, DW), lambda i: (i, 0))],
            core_axis_name=("c", "s"),
            dimension_semantics=(pltpu.PARALLEL,),
        )(p_hbm, c_hbm)

    return comb(out_sorted.reshape(2 * S, DW), pos).reshape(P, D)


def _combine_call(out_sorted, q0, q1):
    return _gather_rows(out_sorted, q0), _gather_rows(out_sorted, q1)


FBT = 256


def _final_body(x_ref, c0_ref, c1_ref, g_ref, gamma_ref, y_ref):
    g0 = g_ref[:, 0][:, None]
    g1 = g_ref[:, 1][:, None]
    y = x_ref[...] + g0 * c0_ref[...] + g1 * c1_ref[...]
    norm = jnp.sqrt(jnp.sum(y * y, axis=1, keepdims=True))
    y = y / jnp.maximum(norm, 1e-12) * gamma_ref[...] * (float(D) ** 0.5)
    y_ref[...] = _gelu_exact(y)


def _final_call(x_flat, c0, c1, gates, gamma):
    return pl.pallas_call(
        _final_body,
        grid=(P // FBT,),
        in_specs=[
            pl.BlockSpec((FBT, D), lambda t: (t, 0)),
            pl.BlockSpec((FBT, D), lambda t: (t, 0)),
            pl.BlockSpec((FBT, D), lambda t: (t, 0)),
            pl.BlockSpec((FBT, K), lambda t: (t, 0)),
            pl.BlockSpec((1, D), lambda t: (0, 0)),
        ],
        out_specs=pl.BlockSpec((FBT, D), lambda t: (t, 0)),
        out_shape=jax.ShapeDtypeStruct((P, D), jnp.float32),
    )(x_flat, c0, c1, gates, gamma.reshape(1, D))


@jax.jit
def kernel(x, w_gate, W1, b1, W2, b2, gamma):
    x_flat = x.reshape(P, D)
    x16 = x_flat.astype(jnp.bfloat16)
    w1b = W1.astype(jnp.bfloat16)
    w2b = W2.astype(jnp.bfloat16)
    gates, pos0, pos1, eot, loss = _gating_call(x_flat, w_gate)
    q0 = jnp.stack([2 * pos0, 2 * pos0 + 1], axis=2).reshape(1, 2 * P)
    q1 = jnp.stack([2 * pos1, 2 * pos1 + 1], axis=2).reshape(1, 2 * P)
    xs = _dispatch_call(x_flat, q0, q1).reshape(S, D)
    out_sorted = _gmm_call(xs, w1b, b1, w2b, b2, eot)
    c0, c1 = _combine_call(out_sorted, q0, q1)
    y = _final_call(x_flat, c0, c1, gates, gamma)
    return y.reshape(B, P, D), loss[0, 0]

# --- scband reference (transcript-rebuilt; emitter-appended) ---
"""Pipeline reference for scband-soft-shape-net-9251359556181 (READ-ONLY COPY).

The authoritative reference and input builder live on the scoring server;
editing this copy changes nothing except your own understanding.
"""

import jax, jax.numpy as jnp
import numpy as np

B, P, D = 1, 2048, 768
E, K, H = 8, 2, 768


def setup_inputs(seed: int = 0) -> dict:
    key = jax.random.key(seed)
    ks = jax.random.split(key, 8)
    x = jax.random.normal(ks[0], (B, P, D), dtype=jnp.float32)
    # torch init is w_gate=zeros which makes routing degenerate; use small noise for a meaningful benchmark
    w_gate = jax.random.normal(ks[1], (D, E), dtype=jnp.float32) * 0.02
    W1 = jax.random.normal(ks[2], (E, D, H), dtype=jnp.float32) * (1.0 / np.sqrt(D))
    b1 = jnp.zeros((E, H), dtype=jnp.float32)
    W2 = jax.random.normal(ks[3], (E, H, D), dtype=jnp.float32) * (1.0 / np.sqrt(H))
    b2 = jnp.zeros((E, D), dtype=jnp.float32)
    gamma = jnp.ones((D,), dtype=jnp.float32)
    return {"x": x, "w_gate": w_gate, "W1": W1, "b1": b1, "W2": W2, "b2": b2, "gamma": gamma}


def _cv_squared(v):
    eps = 1e-10
    v = v.astype(jnp.float32)
    return jnp.var(v, ddof=1) / (jnp.mean(v) ** 2 + eps)


def reference(x, w_gate, W1, b1, W2, b2, gamma):
    Bb, Pp, Dd = x.shape
    N = Bb * Pp
    x_flat = x.reshape(N, Dd)
    # top_k_gating
    logits = jax.nn.softmax(x_flat @ w_gate, axis=1)
    kk = min(K + 1, E)
    top_logits, top_indices = jax.lax.top_k(logits, kk)
    top_k_logits = top_logits[:, :K]
    top_k_indices = top_indices[:, :K]
    top_k_gates = top_k_logits / (jnp.sum(top_k_logits, axis=1, keepdims=True) + 1e-6)
    gates = jnp.zeros_like(logits).at[jnp.arange(N)[:, None], top_k_indices].set(top_k_gates)
    load = jnp.sum((gates > 0).astype(jnp.float32), axis=0)
    importance = jnp.sum(gates, axis=0)
    loss = _cv_squared(importance) + _cv_squared(load)
    # expert MLPs (dropout is identity in eval). Dense-per-expert compute weighted by sparse
    # gates is mathematically identical to SparseDispatcher dispatch/combine (zero gates -> zero weight).
    h = jax.nn.gelu(jnp.einsum('nd,edh->neh', x_flat, W1) + b1[None, :, :], approximate=False)
    expert_out = jnp.einsum('neh,ehd->ned', h, W2) + b2[None, :, :]
    combined = jnp.einsum('ned,ne->nd', expert_out, gates)
    y = x_flat + combined
    y = y.reshape(Bb, Pp, Dd)
    # RMSNorm: F.normalize(y, dim=-1) * gamma * sqrt(dim)
    norm = jnp.maximum(jnp.linalg.norm(y, axis=-1, keepdims=True), 1e-12)
    y = y / norm * gamma * (float(Dd) ** 0.5)
    return jax.nn.gelu(y, approximate=False), loss

if __name__ == "__main__":
    import jax
    _d = setup_inputs()
    print(jax.jit(kernel)(*tuple(_d.values())))

</pallas_src>

<mosaic_0001>
#map = affine_map<(d0, d1) -> (0, 0)>
module attributes {stable_mosaic.version = 14 : i64} {
  func.func @disp(%arg0: i32, %arg1: i32, %arg2: memref<4096x384xf32, #tpu.memory_space<hbm>>, %arg3: memref<1x4096xi32, #tpu.memory_space<hbm>>, %arg4: memref<1x4096xi32, #tpu.memory_space<hbm>>, %arg5: memref<11776x384xf32, #tpu.memory_space<hbm>>) attributes {dimension_semantics = [#tpu.dimension_semantics<core_parallel>, #tpu.dimension_semantics<subcore_parallel>], iteration_bounds = array<i64: 2, 16>, scalar_prefetch = 0 : i64, scratch_operands = 0 : i64, tpu.core_type = #tpu.core_type<sc_vector_subcore>, window_params = [{transform_indices = #map}, {transform_indices = #map}, {transform_indices = #map}, {transform_indices = #map}]} {
    %mul3A = arith.constant 1 : i32
    %mul3A_0 = arith.muli %arg1, %mul3A : i32
    %add3A = arith.constant 0 : i32
    %add3A_1 = arith.addi %add3A, %mul3A_0 : i32
    %mul3A_2 = arith.constant 16 : i32
    %mul3A_3 = arith.muli %arg0, %mul3A_2 : i32
    %add3A_4 = arith.addi %add3A_1, %mul3A_3 : i32
    %mul3A_5 = arith.constant 1 : i32
    %mul3A_6 = arith.muli %add3A_4, %mul3A_5 : i32
    "tpu.region"() ({
      %run_scoped3A = memref.alloca() : memref<2x128x384xf32, #tpu.memory_space<vmem>>
      %run_scoped3A_7 = tpu.sem_alloc : memref<2x!tpu.dma_semaphore, #tpu.memory_space<semaphore_mem>>
      %run_scoped3A_8 = memref.alloca() : memref<2x1x128xi32, #tpu.memory_space<vmem>>
      %run_scoped3A_9 = tpu.sem_alloc : memref<2x!tpu.dma_semaphore, #tpu.memory_space<semaphore_mem>>
      %run_scoped3A_10 = memref.alloca() : memref<2x1x128xi32, #tpu.memory_space<vmem>>
      %run_scoped3A_11 = tpu.sem_alloc : memref<2x!tpu.dma_semaphore, #tpu.memory_space<semaphore_mem>>
      %add3A_12 = arith.constant 0 : i32
      %add3A_13 = arith.addi %add3A_12, %mul3A_6 : i32
      %select_n3A = arith.constant true
      %select_n3A_14 = arith.constant 0 : i32
      %select_n3A_15 = arith.constant -1 : i32
      %select_n3A_16 = arith.select %select_n3A, %select_n3A_15, %select_n3A_14 : i32
      %eq3A = arith.constant -1 : i32
      %eq3A_17 = arith.cmpi eq, %select_n3A_16, %eq3A : i32
      %select_n3A_18 = arith.constant 0 : i32
      %select_n3A_19 = arith.select %eq3A_17, %select_n3A_18, %select_n3A_16 : i32
      %add3A_20 = arith.constant 0 : i32
      %add3A_21 = arith.addi %add3A_20, %mul3A_6 : i32
      %select_n3A_22 = arith.constant true
      %select_n3A_23 = arith.constant 0 : i32
      %select_n3A_24 = arith.constant 1 : i32
      %select_n3A_25 = arith.select %select_n3A_22, %select_n3A_24, %select_n3A_23 : i32
      %eq3A_26 = arith.constant 1 : i32
      %eq3A_27 = arith.cmpi eq, %select_n3A_25, %eq3A_26 : i32
      %select_n3A_28 = arith.constant 0 : i32
      %select_n3A_29 = arith.select %eq3A_27, %select_n3A_28, %select_n3A_25 : i32
      %add3A_30 = arith.constant 0 : i32
      %add3A_31 = arith.addi %add3A_30, %mul3A_6 : i32
      %select_n3A_32 = arith.constant true
      %select_n3A_33 = arith.constant 0 : i32
      %select_n3A_34 = arith.constant 1 : i32
      %select_n3A_35 = arith.select %select_n3A_32, %select_n3A_34, %select_n3A_33 : i32
      %eq3A_36 = arith.constant 1 : i32
      %eq3A_37 = arith.cmpi eq, %select_n3A_35, %eq3A_36 : i32
      %select_n3A_38 = arith.constant 0 : i32
      %select_n3A_39 = arith.select %eq3A_37, %select_n3A_38, %select_n3A_35 : i32
      %add3A_40 = arith.constant 0 : i32
      %add3A_41 = arith.addi %add3A_40, %mul3A_6 : i32
      "tpu.trace_start"() <{level = 10 : i32, message = "ep_initialize_0"}> : () -> ()
      %rem3A = arith.constant 0 : i32
      %rem3A_42 = arith.constant 2 : i32
      %rem3A_43 = arith.remui %rem3A, %rem3A_42 : i32
      %mul3A_44 = arith.constant 128 : i32
      %mul3A_45 = arith.muli %mul3A_44, %add3A_13 : i32
      %dma_start3A = arith.constant 0 : i32
      %dma_start3A_46 = arith.constant 0 : i32
      %dma_start3A_47 = tpu.memref_slice %run_scoped3A[%rem3A_43, %dma_start3A, %dma_start3A_46] : memref<2x128x384xf32, #tpu.memory_space<vmem>> -> memref<1x128x384xf32, #tpu.memory_space<vmem>>
      %dma_start3A_48 = tpu.memref_squeeze %dma_start3A_47 : memref<1x128x384xf32, #tpu.memory_space<vmem>> -> memref<128x384xf32, #tpu.memory_space<vmem>>
      %dma_start3A_49 = arith.constant 0 : i32
      %dma_start3A_50 = tpu.memref_slice %arg2[%mul3A_45, %dma_start3A_49] : memref<4096x384xf32, #tpu.memory_space<hbm>> -> memref<128x384xf32, #tpu.memory_space<hbm>>
      %dma_start3A_51 = tpu.memref_slice %run_scoped3A_7[%rem3A_43] : memref<2x!tpu.dma_semaphore, #tpu.memory_space<semaphore_mem>> -> memref<1x!tpu.dma_semaphore, #tpu.memory_space<semaphore_mem>>
      %dma_start3A_52 = tpu.memref_squeeze %dma_start3A_51 : memref<1x!tpu.dma_semaphore, #tpu.memory_space<semaphore_mem>> -> memref<!tpu.dma_semaphore, #tpu.memory_space<semaphore_mem>>
      %dma_start3A_53 = arith.constant 0 : i32
      %dma_start3A_54 = arith.constant 0 : i32
      %dma_start3A_55 = tpu.memref_slice %run_scoped3A[%rem3A_43, %dma_start3A_53, %dma_start3A_54] : memref<2x128x384xf32, #tpu.memory_space<vmem>> -> memref<1x128x384xf32, #tpu.memory_space<vmem>>
      %dma_start3A_56 = tpu.memref_squeeze %dma_start3A_55 : memref<1x128x384xf32, #tpu.memory_space<vmem>> -> memref<128x384xf32, #tpu.memory_space<vmem>>
      %dma_start3A_57 = arith.constant 0 : i32
      %dma_start3A_58 = tpu.memref_slice %arg2[%mul3A_45, %dma_start3A_57] : memref<4096x384xf32, #tpu.memory_space<hbm>> -> memref<128x384xf32, #tpu.memory_space<hbm>>
      tpu.enqueue_dma source(%dma_start3A_58 : memref<128x384xf32, #tpu.memory_space<hbm>>) target(%dma_start3A_56 : memref<128x384xf32, #tpu.memory_space<vmem>>) target_semaphore(%dma_start3A_52 : memref<!tpu.dma_semaphore, #tpu.memory_space<semaphore_mem>>)
      %add3A_59 = arith.constant 0 : i32
      %add3A_60 = arith.constant 1 : i32
      %add3A_61 = arith.addi %add3A_59, %add3A_60 : i32
      %select_n3A_62 = arith.constant true
      %select_n3A_63 = arith.constant 0 : i32
      %select_n3A_64 = arith.select %select_n3A_62, %add3A_61, %select_n3A_63 : i32
      %rem3A_65 = arith.constant 0 : i32
      %rem3A_66 = arith.constant 2 : i32
      %rem3A_67 = arith.remui %rem3A_65, %rem3A_66 : i32
      %mul3A_68 = arith.constant 128 : i32
      %mul3A_69 = arith.muli %mul3A_68, %add3A_13 : i32
      %dma_start3A_70 = arith.constant 0 : i32
      %dma_start3A_71 = arith.constant 0 : i32
      %dma_start3A_72 = tpu.memref_slice %run_scoped3A_8[%rem3A_67, %dma_start3A_70, %dma_start3A_71] : memref<2x1x128xi32, #tpu.memory_space<vmem>> -> memref<1x1x128xi32, #tpu.memory_space<vmem>>
      %dma_start3A_73 = tpu.memref_squeeze %dma_start3A_72 : memref<1x1x128xi32, #tpu.memory_space<vmem>> -> memref<1x128xi32, #tpu.memory_space<vmem>>
      %dma_start3A_74 = arith.constant 0 : i32
      %dma_start3A_75 = tpu.memref_slice %arg3[%dma_start3A_74, %mul3A_69] : memref<1x4096xi32, #tpu.memory_space<hbm>> -> memref<1x128xi32, #tpu.memory_space<hbm>>
      %dma_start3A_76 = tpu.memref_slice %run_scoped3A_9[%rem3A_67] : memref<2x!tpu.dma_semaphore, #tpu.memory_space<semaphore_mem>> -> memref<1x!tpu.dma_semaphore, #tpu.memory_space<semaphore_mem>>
      %dma_start3A_77 = tpu.memref_squeeze %dma_start3A_76 : memref<1x!tpu.dma_semaphore, #tpu.memory_space<semaphore_mem>> -> memref<!tpu.dma_semaphore, #tpu.memory_space<semaphore_mem>>
      %dma_start3A_78 = arith.constant 0 : i32
      %dma_start3A_79 = arith.constant 0 : i32
      %dma_start3A_80 = tpu.memref_slice %run_scoped3A_8[%rem3A_67, %dma_start3A_78, %dma_start3A_79] : memref<2x1x128xi32, #tpu.memory_space<vmem>> -> memref<1x1x128xi32, #tpu.memory_space<vmem>>
      %dma_start3A_81 = tpu.memref_squeeze %dma_start3A_80 : memref<1x1x128xi32, #tpu.memory_space<vmem>> -> memref<1x128xi32, #tpu.memory_space<vmem>>
      %dma_start3A_82 = arith.constant 0 : i32
      %dma_start3A_83 = tpu.memref_slice %arg3[%dma_start3A_82, %mul3A_69] : memref<1x4096xi32, #tpu.memory_space<hbm>> -> memref<1x128xi32, #tpu.memory_space<hbm>>
      tpu.enqueue_dma source(%dma_start3A_83 : memref<1x128xi32, #tpu.memory_space<hbm>>) target(%dma_start3A_81 : memref<1x128xi32, #tpu.memory_space<vmem>>) target_semaphore(%dma_start3A_77 : memref<!tpu.dma_semaphore, #tpu.memory_space<semaphore_mem>>)
      %add3A_84 = arith.constant 0 : i32
      %add3A_85 = arith.constant 1 : i32
      %add3A_86 = arith.addi %add3A_84, %add3A_85 : i32
      %select_n3A_87 = arith.constant true
      %select_n3A_88 = arith.constant 0 : i32
      %select_n3A_89 = arith.select %select_n3A_87, %add3A_86, %select_n3A_88 : i32
      %rem3A_90 = arith.constant 0 : i32
      %rem3A_91 = arith.constant 2 : i32
      %rem3A_92 = arith.remui %rem3A_90, %rem3A_91 : i32
      %mul3A_93 = arith.constant 128 : i32
      %mul3A_94 = arith.muli %mul3A_93, %add3A_13 : i32
      %dma_start3A_95 = arith.constant 0 : i32
      %dma_start3A_96 = arith.constant 0 : i32
      %dma_start3A_97 = tpu.memref_slice %run_scoped3A_10[%rem3A_92, %dma_start3A_95, %dma_start3A_96] : memref<2x1x128xi32, #tpu.memory_space<vmem>> -> memref<1x1x128xi32, #tpu.memory_space<vmem>>
      %dma_start3A_98 = tpu.memref_squeeze %dma_start3A_97 : memref<1x1x128xi32, #tpu.memory_space<vmem>> -> memref<1x128xi32, #tpu.memory_space<vmem>>
      %dma_start3A_99 = arith.constant 0 : i32
      %dma_start3A_100 = tpu.memref_slice %arg4[%dma_start3A_99, %mul3A_94] : memref<1x4096xi32, #tpu.memory_space<hbm>> -> memref<1x128xi32, #tpu.memory_space<hbm>>
      %dma_start3A_101 = tpu.memref_slice %run_scoped3A_11[%rem3A_92] : memref<2x!tpu.dma_semaphore, #tpu.memory_space<semaphore_mem>> -> memref<1x!tpu.dma_semaphore, #tpu.memory_space<semaphore_mem>>
      %dma_start3A_102 = tpu.memref_squeeze %dma_start3A_101 : memref<1x!tpu.dma_semaphore, #tpu.memory_space<semaphore_mem>> -> memref<!tpu.dma_semaphore, #tpu.memory_space<semaphore_mem>>
      %dma_start3A_103 = arith.constant 0 : i32
      %dma_start3A_104 = arith.constant 0 : i32
      %dma_start3A_105 = tpu.memref_slice %run_scoped3A_10[%rem3A_92, %dma_start3A_103, %dma_start3A_104] : memref<2x1x128xi32, #tpu.memory_space<vmem>> -> memref<1x1x128xi32, #tpu.memory_space<vmem>>
      %dma_start3A_106 = tpu.memref_squeeze %dma_start3A_105 : memref<1x1x128xi32, #tpu.memory_space<vmem>> -> memref<1x128xi32, #tpu.memory_space<vmem>>
      %dma_start3A_107 = arith.constant 0 : i32
      %dma_start3A_108 = tpu.memref_slice %arg4[%dma_start3A_107, %mul3A_94] : memref<1x4096xi32, #tpu.memory_space<hbm>> -> memref<1x128xi32, #tpu.memory_space<hbm>>
      tpu.enqueue_dma source(%dma_start3A_108 : memref<1x128xi32, #tpu.memory_space<hbm>>) target(%dma_start3A_106 : memref<1x128xi32, #tpu.memory_space<vmem>>) target_semaphore(%dma_start3A_102 : memref<!tpu.dma_semaphore, #tpu.memory_space<semaphore_mem>>)
      %add3A_109 = arith.constant 0 : i32
      %add3A_110 = arith.constant 1 : i32
      %add3A_111 = arith.addi %add3A_109, %add3A_110 : i32
      %select_n3A_112 = arith.constant true
      %select_n3A_113 = arith.constant 0 : i32
      %select_n3A_114 = arith.select %select_n3A_112, %add3A_111, %select_n3A_113 : i32
      "tpu.trace_stop"() : () -> ()
      %scan3A = arith.constant 0 : i32
      %scan3A_115 = arith.constant 0 : i32
      %scan3A_116 = arith.constant 0 : i32
      %scan3A_117 = arith.constant 0 : i32
      %scan3A_118 = arith.constant 0 : i32
      %eq3A_119 = arith.constant 0 : i32
      %eq3A_120 = arith.cmpi eq, %scan3A_118, %eq3A_119 : i32
      %eq3A_121 = arith.constant 0 : i32
      %eq3A_122 = arith.cmpi eq, %scan3A_118, %eq3A_121 : i32
      %add3A_123 = arith.constant 0 : i32
      %add3A_124 = arith.addi %add3A_123, %mul3A_6 : i32
      %select_n3A_125 = arith.constant true
      %select_n3A_126 = arith.constant 0 : i32
      %select_n3A_127 = arith.constant -1 : i32
      %select_n3A_128 = arith.select %select_n3A_125, %select_n3A_127, %select_n3A_126 : i32
      %eq3A_129 = arith.constant -1 : i32
      %eq3A_130 = arith.cmpi eq, %select_n3A_128, %eq3A_129 : i32
      %select_n3A_131 = arith.constant 0 : i32
      %select_n3A_132 = arith.select %eq3A_130, %select_n3A_131, %select_n3A_128 : i32
      %add3A_133 = arith.constant 0 : i32
      %add3A_134 = arith.addi %add3A_133, %mul3A_6 : i32
      %select_n3A_135 = arith.constant true
      %select_n3A_136 = arith.constant 0 : i32
      %select_n3A_137 = arith.constant 1 : i32
      %select_n3A_138 = arith.select %select_n3A_135, %select_n3A_137, %select_n3A_136 : i32
      %eq3A_139 = arith.constant 1 : i32
      %eq3A_140 = arith.cmpi eq, %select_n3A_138, %eq3A_139 : i32
      %select_n3A_141 = arith.constant 0 : i32
      %select_n3A_142 = arith.select %eq3A_140, %select_n3A_141, %select_n3A_138 : i32
      %add3A_143 = arith.constant 0 : i32
      %add3A_144 = arith.addi %add3A_143, %mul3A_6 : i32
      %select_n3A_145 = arith.constant true
      %select_n3A_146 = arith.constant 0 : i32
      %select_n3A_147 = arith.constant 1 : i32
      %select_n3A_148 = arith.select %select_n3A_145, %select_n3A_147, %select_n3A_146 : i32
      %eq3A_149 = arith.constant 1 : i32
      %eq3A_150 = arith.cmpi eq, %select_n3A_148, %eq3A_149 : i32
      %select_n3A_151 = arith.constant 0 : i32
      %select_n3A_152 = arith.select %eq3A_150, %select_n3A_151, %select_n3A_148 : i32
      %add3A_153 = arith.constant 0 : i32
      %add3A_154 = arith.addi %add3A_153, %mul3A_6 : i32
      %ne3A = arith.cmpi ne, %add3A_124, %add3A_144 : i32
      %or3A = arith.constant false
      %or3A_155 = arith.ori %or3A, %ne3A : i1
      %or3A_156 = arith.constant false
      %or3A_157 = arith.ori %or3A_155, %or3A_156 : i1
      %ge3A = arith.constant 0 : i32
      %ge3A_158 = arith.cmpi sge, %scan3A_118, %ge3A : i32
      %not3A = arith.constant true
      %not3A_159 = arith.xori %ge3A_158, %not3A : i1
      %and3A = arith.andi %or3A_157, %not3A_159 : i1
      %convert_element_type3A = arith.extui %and3A : i1 to i32
      %cond3A = arith.constant 0 : i32
      %cond3A_160 = arith.cmpi ne, %convert_element_type3A, %cond3A : i32
      scf.if %cond3A_160 {
        "tpu.trace_start"() <{level = 10 : i32, message = "ep_copy_in"}> : () -> ()
        %rem3A_365 = arith.constant 2 : i32
        %rem3A_366 = arith.remui %select_n3A_64, %rem3A_365 : i32
        %mul3A_367 = arith.constant 128 : i32
        %mul3A_368 = arith.muli %mul3A_367, %add3A_144 : i32
        %dma_start3A_369 = arith.constant 0 : i32
        %dma_start3A_370 = arith.constant 0 : i32
        %dma_start3A_371 = tpu.memref_slice %run_scoped3A[%rem3A_366, %dma_start3A_369, %dma_start3A_370] : memref<2x128x384xf32, #tpu.memory_space<vmem>> -> memref<1x128x384xf32, #tpu.memory_space<vmem>>
        %dma_start3A_372 = tpu.memref_squeeze %dma_start3A_371 : memref<1x128x384xf32, #tpu.memory_space<vmem>> -> memref<128x384xf32, #tpu.memory_space<vmem>>
        %dma_start3A_373 = arith.constant 0 : i32
        %dma_start3A_374 = tpu.memref_slice %arg2[%mul3A_368, %dma_start3A_373] : memref<4096x384xf32, #tpu.memory_space<hbm>> -> memref<128x384xf32, #tpu.memory_space<hbm>>
        %dma_start3A_375 = tpu.memref_slice %run_scoped3A_7[%rem3A_366] : memref<2x!tpu.dma_semaphore, #tpu.memory_space<semaphore_mem>> -> memref<1x!tpu.dma_semaphore, #tpu.memory_space<semaphore_mem>>
        %dma_start3A_376 = tpu.memref_squeeze %dma_start3A_375 : memref<1x!tpu.dma_semaphore, #tpu.memory_space<semaphore_mem>> -> memref<!tpu.dma_semaphore, #tpu.memory_space<semaphore_mem>>
        %dma_start3A_377 = arith.constant 0 : i32
        %dma_start3A_378 = arith.constant 0 : i32
        %dma_start3A_379 = tpu.memref_slice %run_scoped3A[%rem3A_366, %dma_start3A_377, %dma_start3A_378] : memref<2x128x384xf32, #tpu.memory_space<vmem>> -> memref<1x128x384xf32, #tpu.memory_space<vmem>>
        %dma_start3A_380 = tpu.memref_squeeze %dma_start3A_379 : memref<1x128x384xf32, #tpu.memory_space<vmem>> -> memref<128x384xf32, #tpu.memory_space<vmem>>
        %dma_start3A_381 = arith.constant 0 : i32
        %dma_start3A_382 = tpu.memref_slice %arg2[%mul3A_368, %dma_start3A_381] : memref<4096x384xf32, #tpu.memory_space<hbm>> -> memref<128x384xf32, #tpu.memory_space<hbm>>
        tpu.enqueue_dma source(%dma_start3A_382 : memref<128x384xf32, #tpu.memory_space<hbm>>) target(%dma_start3A_380 : memref<128x384xf32, #tpu.memory_space<vmem>>) target_semaphore(%dma_start3A_376 : memref<!tpu.dma_semaphore, #tpu.memory_space<semaphore_mem>>)
        "tpu.trace_stop"() : () -> ()
      } else {
      }
      %and3A_161 = arith.constant true
      %and3A_162 = arith.andi %and3A, %and3A_161 : i1
      %add3A_163 = arith.constant 1 : i32
      %add3A_164 = arith.addi %select_n3A_64, %add3A_163 : i32
      %select_n3A_165 = arith.select %and3A_162, %add3A_164, %select_n3A_64 : i32
      %ne3A_166 = arith.cmpi ne, %add3A_124, %add3A_144 : i32
      %or3A_167 = arith.constant false
      %or3A_168 = arith.ori %or3A_167, %ne3A_166 : i1
      %ge3A_169 = arith.constant 0 : i32
      %ge3A_170 = arith.cmpi sge, %scan3A_118, %ge3A_169 : i32
      %not3A_171 = arith.constant true
      %not3A_172 = arith.xori %ge3A_170, %not3A_171 : i1
      %and3A_173 = arith.andi %or3A_168, %not3A_172 : i1
      %convert_element_type3A_174 = arith.extui %and3A_173 : i1 to i32
      %cond3A_175 = arith.constant 0 : i32
      %cond3A_176 = arith.cmpi ne, %convert_element_type3A_174, %cond3A_175 : i32
      scf.if %cond3A_176 {
        "tpu.trace_start"() <{level = 10 : i32, message = "ep_copy_in"}> : () -> ()
        %rem3A_365 = arith.constant 2 : i32
        %rem3A_366 = arith.remui %select_n3A_89, %rem3A_365 : i32
        %mul3A_367 = arith.constant 128 : i32
        %mul3A_368 = arith.muli %mul3A_367, %add3A_144 : i32
        %dma_start3A_369 = arith.constant 0 : i32
        %dma_start3A_370 = arith.constant 0 : i32
        %dma_start3A_371 = tpu.memref_slice %run_scoped3A_8[%rem3A_366, %dma_start3A_369, %dma_start3A_370] : memref<2x1x128xi32, #tpu.memory_space<vmem>> -> memref<1x1x128xi32, #tpu.memory_space<vmem>>
        %dma_start3A_372 = tpu.memref_squeeze %dma_start3A_371 : memref<1x1x128xi32, #tpu.memory_space<vmem>> -> memref<1x128xi32, #tpu.memory_space<vmem>>
        %dma_start3A_373 = arith.constant 0 : i32
        %dma_start3A_374 = tpu.memref_slice %arg3[%dma_start3A_373, %mul3A_368] : memref<1x4096xi32, #tpu.memory_space<hbm>> -> memref<1x128xi32, #tpu.memory_space<hbm>>
        %dma_start3A_375 = tpu.memref_slice %run_scoped3A_9[%rem3A_366] : memref<2x!tpu.dma_semaphore, #tpu.memory_space<semaphore_mem>> -> memref<1x!tpu.dma_semaphore, #tpu.memory_space<semaphore_mem>>
        %dma_start3A_376 = tpu.memref_squeeze %dma_start3A_375 : memref<1x!tpu.dma_semaphore, #tpu.memory_space<semaphore_mem>> -> memref<!tpu.dma_semaphore, #tpu.memory_space<semaphore_mem>>
        %dma_start3A_377 = arith.constant 0 : i32
        %dma_start3A_378 = arith.constant 0 : i32
        %dma_start3A_379 = tpu.memref_slice %run_scoped3A_8[%rem3A_366, %dma_start3A_377, %dma_start3A_378] : memref<2x1x128xi32, #tpu.memory_space<vmem>> -> memref<1x1x128xi32, #tpu.memory_space<vmem>>
        %dma_start3A_380 = tpu.memref_squeeze %dma_start3A_379 : memref<1x1x128xi32, #tpu.memory_space<vmem>> -> memref<1x128xi32, #tpu.memory_space<vmem>>
        %dma_start3A_381 = arith.constant 0 : i32
        %dma_start3A_382 = tpu.memref_slice %arg3[%dma_start3A_381, %mul3A_368] : memref<1x4096xi32, #tpu.memory_space<hbm>> -> memref<1x128xi32, #tpu.memory_space<hbm>>
        tpu.enqueue_dma source(%dma_start3A_382 : memref<1x128xi32, #tpu.memory_space<hbm>>) target(%dma_start3A_380 : memref<1x128xi32, #tpu.memory_space<vmem>>) target_semaphore(%dma_start3A_376 : memref<!tpu.dma_semaphore, #tpu.memory_space<semaphore_mem>>)
        "tpu.trace_stop"() : () -> ()
      } else {
      }
      %and3A_177 = arith.constant true
      %and3A_178 = arith.andi %and3A_173, %and3A_177 : i1
      %add3A_179 = arith.constant 1 : i32
      %add3A_180 = arith.addi %select_n3A_89, %add3A_179 : i32
      %select_n3A_181 = arith.select %and3A_178, %add3A_180, %select_n3A_89 : i32
      %ne3A_182 = arith.cmpi ne, %add3A_124, %add3A_144 : i32
      %or3A_183 = arith.constant false
      %or3A_184 = arith.ori %or3A_183, %ne3A_182 : i1
      %ge3A_185 = arith.constant 0 : i32
      %ge3A_186 = arith.cmpi sge, %scan3A_118, %ge3A_185 : i32
      %not3A_187 = arith.constant true
      %not3A_188 = arith.xori %ge3A_186, %not3A_187 : i1
      %and3A_189 = arith.andi %or3A_184, %not3A_188 : i1
      %convert_element_type3A_190 = arith.extui %and3A_189 : i1 to i32
      %cond3A_191 = arith.constant 0 : i32
      %cond3A_192 = arith.cmpi ne, %convert_element_type3A_190, %cond3A_191 : i32
      scf.if %cond3A_192 {
        "tpu.trace_start"() <{level = 10 : i32, message = "ep_copy_in"}> : () -> ()
        %rem3A_365 = arith.constant 2 : i32
        %rem3A_366 = arith.remui %select_n3A_114, %rem3A_365 : i32
        %mul3A_367 = arith.constant 128 : i32
        %mul3A_368 = arith.muli %mul3A_367, %add3A_144 : i32
        %dma_start3A_369 = arith.constant 0 : i32
        %dma_start3A_370 = arith.constant 0 : i32
        %dma_start3A_371 = tpu.memref_slice %run_scoped3A_10[%rem3A_366, %dma_start3A_369, %dma_start3A_370] : memref<2x1x128xi32, #tpu.memory_space<vmem>> -> memref<1x1x128xi32, #tpu.memory_space<vmem>>
        %dma_start3A_372 = tpu.memref_squeeze %dma_start3A_371 : memref<1x1x128xi32, #tpu.memory_space<vmem>> -> memref<1x128xi32, #tpu.memory_space<vmem>>
        %dma_start3A_373 = arith.constant 0 : i32
        %dma_start3A_374 = tpu.memref_slice %arg4[%dma_start3A_373, %mul3A_368] : memref<1x4096xi32, #tpu.memory_space<hbm>> -> memref<1x128xi32, #tpu.memory_space<hbm>>
        %dma_start3A_375 = tpu.memref_slice %run_scoped3A_11[%rem3A_366] : memref<2x!tpu.dma_semaphore, #tpu.memory_space<semaphore_mem>> -> memref<1x!tpu.dma_semaphore, #tpu.memory_space<semaphore_mem>>
        %dma_start3A_376 = tpu.memref_squeeze %dma_start3A_375 : memref<1x!tpu.dma_semaphore, #tpu.memory_space<semaphore_mem>> -> memref<!tpu.dma_semaphore, #tpu.memory_space<semaphore_mem>>
        %dma_start3A_377 = arith.constant 0 : i32
        %dma_start3A_378 = arith.constant 0 : i32
        %dma_start3A_379 = tpu.memref_slice %run_scoped3A_10[%rem3A_366, %dma_start3A_377, %dma_start3A_378] : memref<2x1x128xi32, #tpu.memory_space<vmem>> -> memref<1x1x128xi32, #tpu.memory_space<vmem>>
        %dma_start3A_380 = tpu.memref_squeeze %dma_start3A_379 : memref<1x1x128xi32, #tpu.memory_space<vmem>> -> memref<1x128xi32, #tpu.memory_space<vmem>>
        %dma_start3A_381 = arith.constant 0 : i32
        %dma_start3A_382 = tpu.memref_slice %arg4[%dma_start3A_381, %mul3A_368] : memref<1x4096xi32, #tpu.memory_space<hbm>> -> memref<1x128xi32, #tpu.memory_space<hbm>>
        tpu.enqueue_dma source(%dma_start3A_382 : memref<1x128xi32, #tpu.memory_space<hbm>>) target(%dma_start3A_380 : memref<1x128xi32, #tpu.memory_space<vmem>>) target_semaphore(%dma_start3A_376 : memref<!tpu.dma_semaphore, #tpu.memory_space<semaphore_mem>>)
        "tpu.trace_stop"() : () -> ()
      } else {
      }
      %and3A_193 = arith.constant true
      %and3A_194 = arith.andi %and3A_189, %and3A_193 : i1
      %add3A_195 = arith.constant 1 : i32
      %add3A_196 = arith.addi %select_n3A_114, %add3A_195 : i32
      %select_n3A_197 = arith.select %and3A_194, %add3A_196, %select_n3A_114 : i32
      %ne3A_198 = arith.cmpi ne, %add3A_124, %add3A_134 : i32
      %or3A_199 = arith.constant false
      %or3A_200 = arith.ori %or3A_199, %ne3A_198 : i1
      %or3A_201 = arith.constant false
      %or3A_202 = arith.ori %or3A_200, %or3A_201 : i1
      %or3A_203 = arith.ori %or3A_202, %eq3A_120 : i1
      %convert_element_type3A_204 = arith.extui %or3A_203 : i1 to i32
      %cond3A_205 = arith.constant 0 : i32
      %cond3A_206 = arith.cmpi ne, %convert_element_type3A_204, %cond3A_205 : i32
      scf.if %cond3A_206 {
        "tpu.trace_start"() <{level = 10 : i32, message = "ep_wait_in"}> : () -> ()
        %mul3A_365 = arith.constant 128 : i32
        %mul3A_366 = arith.muli %mul3A_365, %add3A_124 : i32
        %rem3A_367 = arith.constant 2 : i32
        %rem3A_368 = arith.remui %scan3A, %rem3A_367 : i32
        %dma_wait3A = arith.constant 0 : i32
        %dma_wait3A_369 = arith.constant 0 : i32
        %dma_wait3A_370 = tpu.memref_slice %run_scoped3A[%rem3A_368, %dma_wait3A, %dma_wait3A_369] : memref<2x128x384xf32, #tpu.memory_space<vmem>> -> memref<1x128x384xf32, #tpu.memory_space<vmem>>
        %dma_wait3A_371 = tpu.memref_squeeze %dma_wait3A_370 : memref<1x128x384xf32, #tpu.memory_space<vmem>> -> memref<128x384xf32, #tpu.memory_space<vmem>>
        %dma_wait3A_372 = arith.constant 0 : i32
        %dma_wait3A_373 = tpu.memref_slice %arg2[%mul3A_366, %dma_wait3A_372] : memref<4096x384xf32, #tpu.memory_space<hbm>> -> memref<128x384xf32, #tpu.memory_space<hbm>>
        %dma_wait3A_374 = tpu.memref_slice %run_scoped3A_7[%rem3A_368] : memref<2x!tpu.dma_semaphore, #tpu.memory_space<semaphore_mem>> -> memref<1x!tpu.dma_semaphore, #tpu.memory_space<semaphore_mem>>
        %dma_wait3A_375 = tpu.memref_squeeze %dma_wait3A_374 : memref<1x!tpu.dma_semaphore, #tpu.memory_space<semaphore_mem>> -> memref<!tpu.dma_semaphore, #tpu.memory_space<semaphore_mem>>
        %dma_wait3A_376 = arith.constant 0 : i32
        %dma_wait3A_377 = arith.constant 0 : i32
        %dma_wait3A_378 = tpu.memref_slice %run_scoped3A[%rem3A_368, %dma_wait3A_376, %dma_wait3A_377] : memref<2x128x384xf32, #tpu.memory_space<vmem>> -> memref<1x128x384xf32, #tpu.memory_space<vmem>>
        %dma_wait3A_379 = tpu.memref_squeeze %dma_wait3A_378 : memref<1x128x384xf32, #tpu.memory_space<vmem>> -> memref<128x384xf32, #tpu.memory_space<vmem>>
        %dma_wait3A_380 = arith.constant 0 : i32
        %dma_wait3A_381 = tpu.memref_slice %arg2[%mul3A_366, %dma_wait3A_380] : memref<4096x384xf32, #tpu.memory_space<hbm>> -> memref<128x384xf32, #tpu.memory_space<hbm>>
        tpu.wait_dma2 semaphore(%dma_wait3A_375 : memref<!tpu.dma_semaphore, #tpu.memory_space<semaphore_mem>>) src(%dma_wait3A_381 : memref<128x384xf32, #tpu.memory_space<hbm>>) dst(%dma_wait3A_379 : memref<128x384xf32, #tpu.memory_space<vmem>>)
        "tpu.trace_stop"() : () -> ()
      } else {
      }
      %ne3A_207 = arith.cmpi ne, %add3A_124, %add3A_134 : i32
      %or3A_208 = arith.constant false
      %or3A_209 = arith.ori %or3A_208, %ne3A_207 : i1
      %or3A_210 = arith.ori %or3A_209, %eq3A_120 : i1
      %convert_element_type3A_211 = arith.extui %or3A_210 : i1 to i32
      %cond3A_212 = arith.constant 0 : i32
      %cond3A_213 = arith.cmpi ne, %convert_element_type3A_211, %cond3A_212 : i32
      scf.if %cond3A_213 {
        "tpu.trace_start"() <{level = 10 : i32, message = "ep_wait_in"}> : () -> ()
        %mul3A_365 = arith.constant 128 : i32
        %mul3A_366 = arith.muli %mul3A_365, %add3A_124 : i32
        %rem3A_367 = arith.constant 2 : i32
        %rem3A_368 = arith.remui %scan3A_115, %rem3A_367 : i32
        %dma_wait3A = arith.constant 0 : i32
        %dma_wait3A_369 = arith.constant 0 : i32
        %dma_wait3A_370 = tpu.memref_slice %run_scoped3A_8[%rem3A_368, %dma_wait3A, %dma_wait3A_369] : memref<2x1x128xi32, #tpu.memory_space<vmem>> -> memref<1x1x128xi32, #tpu.memory_space<vmem>>
        %dma_wait3A_371 = tpu.memref_squeeze %dma_wait3A_370 : memref<1x1x128xi32, #tpu.memory_space<vmem>> -> memref<1x128xi32, #tpu.memory_space<vmem>>
        %dma_wait3A_372 = arith.constant 0 : i32
        %dma_wait3A_373 = tpu.memref_slice %arg3[%dma_wait3A_372, %mul3A_366] : memref<1x4096xi32, #tpu.memory_space<hbm>> -> memref<1x128xi32, #tpu.memory_space<hbm>>
        %dma_wait3A_374 = tpu.memref_slice %run_scoped3A_9[%rem3A_368] : memref<2x!tpu.dma_semaphore, #tpu.memory_space<semaphore_mem>> -> memref<1x!tpu.dma_semaphore, #tpu.memory_space<semaphore_mem>>
        %dma_wait3A_375 = tpu.memref_squeeze %dma_wait3A_374 : memref<1x!tpu.dma_semaphore, #tpu.memory_space<semaphore_mem>> -> memref<!tpu.dma_semaphore, #tpu.memory_space<semaphore_mem>>
        %dma_wait3A_376 = arith.constant 0 : i32
        %dma_wait3A_377 = arith.constant 0 : i32
        %dma_wait3A_378 = tpu.memref_slice %run_scoped3A_8[%rem3A_368, %dma_wait3A_376, %dma_wait3A_377] : memref<2x1x128xi32, #tpu.memory_space<vmem>> -> memref<1x1x128xi32, #tpu.memory_space<vmem>>
        %dma_wait3A_379 = tpu.memref_squeeze %dma_wait3A_378 : memref<1x1x128xi32, #tpu.memory_space<vmem>> -> memref<1x128xi32, #tpu.memory_space<vmem>>
        %dma_wait3A_380 = arith.constant 0 : i32
        %dma_wait3A_381 = tpu.memref_slice %arg3[%dma_wait3A_380, %mul3A_366] : memref<1x4096xi32, #tpu.memory_space<hbm>> -> memref<1x128xi32, #tpu.memory_space<hbm>>
        tpu.wait_dma2 semaphore(%dma_wait3A_375 : memref<!tpu.dma_semaphore, #tpu.memory_space<semaphore_mem>>) src(%dma_wait3A_381 : memref<1x128xi32, #tpu.memory_space<hbm>>) dst(%dma_wait3A_379 : memref<1x128xi32, #tpu.memory_space<vmem>>)
        "tpu.trace_stop"() : () -> ()
      } else {
      }
      %ne3A_214 = arith.cmpi ne, %add3A_124, %add3A_134 : i32
      %or3A_215 = arith.constant false
      %or3A_216 = arith.ori %or3A_215, %ne3A_214 : i1
      %or3A_217 = arith.ori %or3A_216, %eq3A_120 : i1
      %convert_element_type3A_218 = arith.extui %or3A_217 : i1 to i32
      %cond3A_219 = arith.constant 0 : i32
      %cond3A_220 = arith.cmpi ne, %convert_element_type3A_218, %cond3A_219 : i32
      scf.if %cond3A_220 {
        "tpu.trace_start"() <{level = 10 : i32, message = "ep_wait_in"}> : () -> ()
        %mul3A_365 = arith.constant 128 : i32
        %mul3A_366 = arith.muli %mul3A_365, %add3A_124 : i32
        %rem3A_367 = arith.constant 2 : i32
        %rem3A_368 = arith.remui %scan3A_116, %rem3A_367 : i32
        %dma_wait3A = arith.constant 0 : i32
        %dma_wait3A_369 = arith.constant 0 : i32
        %dma_wait3A_370 = tpu.memref_slice %run_scoped3A_10[%rem3A_368, %dma_wait3A, %dma_wait3A_369] : memref<2x1x128xi32, #tpu.memory_space<vmem>> -> memref<1x1x128xi32, #tpu.memory_space<vmem>>
        %dma_wait3A_371 = tpu.memref_squeeze %dma_wait3A_370 : memref<1x1x128xi32, #tpu.memory_space<vmem>> -> memref<1x128xi32, #tpu.memory_space<vmem>>
        %dma_wait3A_372 = arith.constant 0 : i32
        %dma_wait3A_373 = tpu.memref_slice %arg4[%dma_wait3A_372, %mul3A_366] : memref<1x4096xi32, #tpu.memory_space<hbm>> -> memref<1x128xi32, #tpu.memory_space<hbm>>
        %dma_wait3A_374 = tpu.memref_slice %run_scoped3A_11[%rem3A_368] : memref<2x!tpu.dma_semaphore, #tpu.memory_space<semaphore_mem>> -> memref<1x!tpu.dma_semaphore, #tpu.memory_space<semaphore_mem>>
        %dma_wait3A_375 = tpu.memref_squeeze %dma_wait3A_374 : memref<1x!tpu.dma_semaphore, #tpu.memory_space<semaphore_mem>> -> memref<!tpu.dma_semaphore, #tpu.memory_space<semaphore_mem>>
        %dma_wait3A_376 = arith.constant 0 : i32
        %dma_wait3A_377 = arith.constant 0 : i32
        %dma_wait3A_378 = tpu.memref_slice %run_scoped3A_10[%rem3A_368, %dma_wait3A_376, %dma_wait3A_377] : memref<2x1x128xi32, #tpu.memory_space<vmem>> -> memref<1x1x128xi32, #tpu.memory_space<vmem>>
        %dma_wait3A_379 = tpu.memref_squeeze %dma_wait3A_378 : memref<1x1x128xi32, #tpu.memory_space<vmem>> -> memref<1x128xi32, #tpu.memory_space<vmem>>
        %dma_wait3A_380 = arith.constant 0 : i32
        %dma_wait3A_381 = tpu.memref_slice %arg4[%dma_wait3A_380, %mul3A_366] : memref<1x4096xi32, #tpu.memory_space<hbm>> -> memref<1x128xi32, #tpu.memory_space<hbm>>
        tpu.wait_dma2 semaphore(%dma_wait3A_375 : memref<!tpu.dma_semaphore, #tpu.memory_space<semaphore_mem>>) src(%dma_wait3A_381 : memref<1x128xi32, #tpu.memory_space<hbm>>) dst(%dma_wait3A_379 : memref<1x128xi32, #tpu.memory_space<vmem>>)
        "tpu.trace_stop"() : () -> ()
      } else {
      }
      %rem3A_221 = arith.constant 2 : i32
      %rem3A_222 = arith.remui %scan3A, %rem3A_221 : i32
      %rem3A_223 = arith.constant 2 : i32
      %rem3A_224 = arith.remui %scan3A_115, %rem3A_223 : i32
      %rem3A_225 = arith.constant 2 : i32
      %rem3A_226 = arith.remui %scan3A_116, %rem3A_225 : i32
      %run_scoped3A_227 = arith.constant 0 : i32
      "tpu.trace_start"() <{level = 10 : i32, message = "ep_run_kernel"}> : () -> ()
      "tpu.region"() ({
        %run_scoped3A_365 = tpu.sem_alloc : memref<!tpu.dma_semaphore, #tpu.memory_space<semaphore_mem>>
        %dma_start3A_366 = arith.constant 0 : i32
        %dma_start3A_367 = arith.constant 0 : i32
        %dma_start3A_368 = tpu.memref_slice %run_scoped3A[%rem3A_222, %dma_start3A_366, %dma_start3A_367] : memref<2x128x384xf32, #tpu.memory_space<vmem>> -> memref<1x128x384xf32, #tpu.memory_space<vmem>>
        %dma_start3A_369 = tpu.memref_squeeze %dma_start3A_368 : memref<1x128x384xf32, #tpu.memory_space<vmem>> -> memref<128x384xf32, #tpu.memory_space<vmem>>
        %dma_start3A_370 = arith.constant 0 : i32
        %dma_start3A_371 = arith.constant 0 : i32
        %dma_start3A_372 = tpu.memref_slice %run_scoped3A_8[%rem3A_224, %dma_start3A_370, %dma_start3A_371] : memref<2x1x128xi32, #tpu.memory_space<vmem>> -> memref<1x1x128xi32, #tpu.memory_space<vmem>>
        %dma_start3A_373 = tpu.memref_squeeze %dma_start3A_372 : memref<1x1x128xi32, #tpu.memory_space<vmem>> -> memref<1x128xi32, #tpu.memory_space<vmem>>
        %dma_start3A_374 = arith.constant 0 : i32
        %dma_start3A_375 = tpu.memref_slice %dma_start3A_373[%run_scoped3A_227, %dma_start3A_374] : memref<1x128xi32, #tpu.memory_space<vmem>> -> memref<1x128xi32, #tpu.memory_space<vmem>>
        %dma_start3A_376 = tpu.memref_squeeze %dma_start3A_375 : memref<1x128xi32, #tpu.memory_space<vmem>> -> memref<128xi32, #tpu.memory_space<vmem>>
        %dma_start3A_377 = arith.constant 0 : i32
        %dma_start3A_378 = arith.constant 0 : i32
        %dma_start3A_379 = tpu.memref_slice %arg5[%dma_start3A_377, %dma_start3A_378] : memref<11776x384xf32, #tpu.memory_space<hbm>> -> memref<11776x384xf32, #tpu.memory_space<hbm>>
        tpu.enqueue_indirect_dma source(%dma_start3A_369 : memref<128x384xf32, #tpu.memory_space<vmem>>) target(%dma_start3A_379 : memref<11776x384xf32, #tpu.memory_space<hbm>>) offsets(%dma_start3A_376 : memref<128xi32, #tpu.memory_space<vmem>>) semaphore(%run_scoped3A_365 : memref<!tpu.dma_semaphore, #tpu.memory_space<semaphore_mem>>)
        %dma_wait3A = arith.constant 0 : i32
        %dma_wait3A_380 = arith.constant 0 : i32
        %dma_wait3A_381 = tpu.memref_slice %run_scoped3A[%rem3A_222, %dma_wait3A, %dma_wait3A_380] : memref<2x128x384xf32, #tpu.memory_space<vmem>> -> memref<1x128x384xf32, #tpu.memory_space<vmem>>
        %dma_wait3A_382 = tpu.memref_squeeze %dma_wait3A_381 : memref<1x128x384xf32, #tpu.memory_space<vmem>> -> memref<128x384xf32, #tpu.memory_space<vmem>>
        %dma_wait3A_383 = arith.constant 0 : i32
        %dma_wait3A_384 = arith.constant 0 : i32
        %dma_wait3A_385 = tpu.memref_slice %run_scoped3A_8[%rem3A_224, %dma_wait3A_383, %dma_wait3A_384] : memref<2x1x128xi32, #tpu.memory_space<vmem>> -> memref<1x1x128xi32, #tpu.memory_space<vmem>>
        %dma_wait3A_386 = tpu.memref_squeeze %dma_wait3A_385 : memref<1x1x128xi32, #tpu.memory_space<vmem>> -> memref<1x128xi32, #tpu.memory_space<vmem>>
        %dma_wait3A_387 = arith.constant 0 : i32
        %dma_wait3A_388 = tpu.memref_slice %dma_wait3A_386[%run_scoped3A_227, %dma_wait3A_387] : memref<1x128xi32, #tpu.memory_space<vmem>> -> memref<1x128xi32, #tpu.memory_space<vmem>>
        %dma_wait3A_389 = tpu.memref_squeeze %dma_wait3A_388 : memref<1x128xi32, #tpu.memory_space<vmem>> -> memref<128xi32, #tpu.memory_space<vmem>>
        %dma_wait3A_390 = arith.constant 0 : i32
        %dma_wait3A_391 = arith.constant 0 : i32
        %dma_wait3A_392 = tpu.memref_slice %arg5[%dma_wait3A_390, %dma_wait3A_391] : memref<11776x384xf32, #tpu.memory_space<hbm>> -> memref<11776x384xf32, #tpu.memory_space<hbm>>
        tpu.wait_indirect_dma semaphore(%run_scoped3A_365 : memref<!tpu.dma_semaphore, #tpu.memory_space<semaphore_mem>>) src(%dma_wait3A_382 : memref<128x384xf32, #tpu.memory_space<vmem>>) dst(%dma_wait3A_392 : memref<11776x384xf32, #tpu.memory_space<hbm>>)
        tpu.yield
      }) : () -> ()
      %run_scoped3A_228 = arith.constant 0 : i32
      "tpu.region"() ({
        %run_scoped3A_365 = tpu.sem_alloc : memref<!tpu.dma_semaphore, #tpu.memory_space<semaphore_mem>>
        %dma_start3A_366 = arith.constant 0 : i32
        %dma_start3A_367 = arith.constant 0 : i32
        %dma_start3A_368 = tpu.memref_slice %run_scoped3A[%rem3A_222, %dma_start3A_366, %dma_start3A_367] : memref<2x128x384xf32, #tpu.memory_space<vmem>> -> memref<1x128x384xf32, #tpu.memory_space<vmem>>
        %dma_start3A_369 = tpu.memref_squeeze %dma_start3A_368 : memref<1x128x384xf32, #tpu.memory_space<vmem>> -> memref<128x384xf32, #tpu.memory_space<vmem>>
        %dma_start3A_370 = arith.constant 0 : i32
        %dma_start3A_371 = arith.constant 0 : i32
        %dma_start3A_372 = tpu.memref_slice %run_scoped3A_10[%rem3A_226, %dma_start3A_370, %dma_start3A_371] : memref<2x1x128xi32, #tpu.memory_space<vmem>> -> memref<1x1x128xi32, #tpu.memory_space<vmem>>
        %dma_start3A_373 = tpu.memref_squeeze %dma_start3A_372 : memref<1x1x128xi32, #tpu.memory_space<vmem>> -> memref<1x128xi32, #tpu.memory_space<vmem>>
        %dma_start3A_374 = arith.constant 0 : i32
        %dma_start3A_375 = tpu.memref_slice %dma_start3A_373[%run_scoped3A_228, %dma_start3A_374] : memref<1x128xi32, #tpu.memory_space<vmem>> -> memref<1x128xi32, #tpu.memory_space<vmem>>
        %dma_start3A_376 = tpu.memref_squeeze %dma_start3A_375 : memref<1x128xi32, #tpu.memory_space<vmem>> -> memref<128xi32, #tpu.memory_space<vmem>>
        %dma_start3A_377 = arith.constant 0 : i32
        %dma_start3A_378 = arith.constant 0 : i32
        %dma_start3A_379 = tpu.memref_slice %arg5[%dma_start3A_377, %dma_start3A_378] : memref<11776x384xf32, #tpu.memory_space<hbm>> -> memref<11776x384xf32, #tpu.memory_space<hbm>>
        tpu.enqueue_indirect_dma source(%dma_start3A_369 : memref<128x384xf32, #tpu.memory_space<vmem>>) target(%dma_start3A_379 : memref<11776x384xf32, #tpu.memory_space<hbm>>) offsets(%dma_start3A_376 : memref<128xi32, #tpu.memory_space<vmem>>) semaphore(%run_scoped3A_365 : memref<!tpu.dma_semaphore, #tpu.memory_space<semaphore_mem>>)
        %dma_wait3A = arith.constant 0 : i32
        %dma_wait3A_380 = arith.constant 0 : i32
        %dma_wait3A_381 = tpu.memref_slice %run_scoped3A[%rem3A_222, %dma_wait3A, %dma_wait3A_380] : memref<2x128x384xf32, #tpu.memory_space<vmem>> -> memref<1x128x384xf32, #tpu.memory_space<vmem>>
        %dma_wait3A_382 = tpu.memref_squeeze %dma_wait3A_381 : memref<1x128x384xf32, #tpu.memory_space<vmem>> -> memref<128x384xf32, #tpu.memory_space<vmem>>
        %dma_wait3A_383 = arith.constant 0 : i32
        %dma_wait3A_384 = arith.constant 0 : i32
        %dma_wait3A_385 = tpu.memref_slice %run_scoped3A_10[%rem3A_226, %dma_wait3A_383, %dma_wait3A_384] : memref<2x1x128xi32, #tpu.memory_space<vmem>> -> memref<1x1x128xi32, #tpu.memory_space<vmem>>
        %dma_wait3A_386 = tpu.memref_squeeze %dma_wait3A_385 : memref<1x1x128xi32, #tpu.memory_space<vmem>> -> memref<1x128xi32, #tpu.memory_space<vmem>>
        %dma_wait3A_387 = arith.constant 0 : i32
        %dma_wait3A_388 = tpu.memref_slice %dma_wait3A_386[%run_scoped3A_228, %dma_wait3A_387] : memref<1x128xi32, #tpu.memory_space<vmem>> -> memref<1x128xi32, #tpu.memory_space<vmem>>
        %dma_wait3A_389 = tpu.memref_squeeze %dma_wait3A_388 : memref<1x128xi32, #tpu.memory_space<vmem>> -> memref<128xi32, #tpu.memory_space<vmem>>
        %dma_wait3A_390 = arith.constant 0 : i32
        %dma_wait3A_391 = arith.constant 0 : i32
        %dma_wait3A_392 = tpu.memref_slice %arg5[%dma_wait3A_390, %dma_wait3A_391] : memref<11776x384xf32, #tpu.memory_space<hbm>> -> memref<11776x384xf32, #tpu.memory_space<hbm>>
        tpu.wait_indirect_dma semaphore(%run_scoped3A_365 : memref<!tpu.dma_semaphore, #tpu.memory_space<semaphore_mem>>) src(%dma_wait3A_382 : memref<128x384xf32, #tpu.memory_space<vmem>>) dst(%dma_wait3A_392 : memref<11776x384xf32, #tpu.memory_space<hbm>>)
        tpu.yield
      }) : () -> ()
      "tpu.trace_stop"() : () -> ()
      %ne3A_229 = arith.cmpi ne, %add3A_124, %add3A_144 : i32
      %or3A_230 = arith.constant false
      %or3A_231 = arith.ori %or3A_230, %ne3A_229 : i1
      %or3A_232 = arith.constant false
      %or3A_233 = arith.ori %or3A_231, %or3A_232 : i1
      %or3A_234 = arith.ori %or3A_233, %eq3A_122 : i1
      %convert_element_type3A_235 = arith.extui %or3A_234 : i1 to i32
      %cond3A_236 = arith.constant 0 : i32
      %cond3A_237 = arith.cmpi ne, %convert_element_type3A_235, %cond3A_236 : i32
      scf.if %cond3A_237 {
      } else {
      }
      %and3A_238 = arith.constant false
      %and3A_239 = arith.andi %or3A_234, %and3A_238 : i1
      %ne3A_240 = arith.cmpi ne, %add3A_124, %add3A_144 : i32
      %or3A_241 = arith.constant false
      %or3A_242 = arith.ori %or3A_241, %ne3A_240 : i1
      %or3A_243 = arith.ori %or3A_242, %eq3A_122 : i1
      %convert_element_type3A_244 = arith.extui %or3A_243 : i1 to i32
      %cond3A_245 = arith.constant 0 : i32
      %cond3A_246 = arith.cmpi ne, %convert_element_type3A_244, %cond3A_245 : i32
      scf.if %cond3A_246 {
      } else {
      }
      %and3A_247 = arith.constant false
      %and3A_248 = arith.andi %or3A_243, %and3A_247 : i1
      %ne3A_249 = arith.cmpi ne, %add3A_124, %add3A_144 : i32
      %or3A_250 = arith.constant false
      %or3A_251 = arith.ori %or3A_250, %ne3A_249 : i1
      %or3A_252 = arith.ori %or3A_251, %eq3A_122 : i1
      %convert_element_type3A_253 = arith.extui %or3A_252 : i1 to i32
      %cond3A_254 = arith.constant 0 : i32
      %cond3A_255 = arith.cmpi ne, %convert_element_type3A_253, %cond3A_254 : i32
      scf.if %cond3A_255 {
      } else {
      }
      %and3A_256 = arith.constant false
      %and3A_257 = arith.andi %or3A_252, %and3A_256 : i1
      %ne3A_258 = arith.cmpi ne, %add3A_124, %add3A_134 : i32
      %or3A_259 = arith.constant false
      %or3A_260 = arith.ori %or3A_259, %ne3A_258 : i1
      %or3A_261 = arith.constant false
      %or3A_262 = arith.ori %or3A_260, %or3A_261 : i1
      %not3A_263 = arith.constant true
      %not3A_264 = arith.xori %eq3A_120, %not3A_263 : i1
      %and3A_265 = arith.andi %or3A_262, %not3A_264 : i1
      %convert_element_type3A_266 = arith.extui %and3A_265 : i1 to i32
      %cond3A_267 = arith.constant 0 : i32
      %cond3A_268 = arith.cmpi ne, %convert_element_type3A_266, %cond3A_267 : i32
      scf.if %cond3A_268 {
      } else {
      }
      %and3A_269 = arith.constant false
      %and3A_270 = arith.andi %and3A_265, %and3A_269 : i1
      %ne3A_271 = arith.cmpi ne, %add3A_124, %add3A_134 : i32
      %or3A_272 = arith.constant false
      %or3A_273 = arith.ori %or3A_272, %ne3A_271 : i1
      %not3A_274 = arith.constant true
      %not3A_275 = arith.xori %eq3A_120, %not3A_274 : i1
      %and3A_276 = arith.andi %or3A_273, %not3A_275 : i1
      %convert_element_type3A_277 = arith.extui %and3A_276 : i1 to i32
      %cond3A_278 = arith.constant 0 : i32
      %cond3A_279 = arith.cmpi ne, %convert_element_type3A_277, %cond3A_278 : i32
      scf.if %cond3A_279 {
      } else {
      }
      %and3A_280 = arith.constant false
      %and3A_281 = arith.andi %and3A_276, %and3A_280 : i1
      %ne3A_282 = arith.cmpi ne, %add3A_124, %add3A_134 : i32
      %or3A_283 = arith.constant false
      %or3A_284 = arith.ori %or3A_283, %ne3A_282 : i1
      %not3A_285 = arith.constant true
      %not3A_286 = arith.xori %eq3A_120, %not3A_285 : i1
      %and3A_287 = arith.andi %or3A_284, %not3A_286 : i1
      %convert_element_type3A_288 = arith.extui %and3A_287 : i1 to i32
      %cond3A_289 = arith.constant 0 : i32
      %cond3A_290 = arith.cmpi ne, %convert_element_type3A_288, %cond3A_289 : i32
      scf.if %cond3A_290 {
      } else {
      }
      %and3A_291 = arith.constant false
      %and3A_292 = arith.andi %and3A_287, %and3A_291 : i1
      %ne3A_293 = arith.cmpi ne, %add3A_124, %add3A_144 : i32
      %or3A_294 = arith.constant false
      %or3A_295 = arith.ori %or3A_294, %ne3A_293 : i1
      %or3A_296 = arith.constant false
      %or3A_297 = arith.ori %or3A_295, %or3A_296 : i1
      %or3A_298 = arith.ori %or3A_297, %eq3A_122 : i1
      %add3A_299 = arith.constant 1 : i32
      %add3A_300 = arith.addi %scan3A, %add3A_299 : i32
      %select_n3A_301 = arith.select %or3A_298, %add3A_300, %scan3A : i32
      %ne3A_302 = arith.cmpi ne, %add3A_124, %add3A_144 : i32
      %or3A_303 = arith.constant false
      %or3A_304 = arith.ori %or3A_303, %ne3A_302 : i1
      %or3A_305 = arith.ori %or3A_304, %eq3A_122 : i1
      %add3A_306 = arith.constant 1 : i32
      %add3A_307 = arith.addi %scan3A_115, %add3A_306 : i32
      %select_n3A_308 = arith.select %or3A_305, %add3A_307, %scan3A_115 : i32
      %ne3A_309 = arith.cmpi ne, %add3A_124, %add3A_144 : i32
      %or3A_310 = arith.constant false
      %or3A_311 = arith.ori %or3A_310, %ne3A_309 : i1
      %or3A_312 = arith.ori %or3A_311, %eq3A_122 : i1
      %add3A_313 = arith.constant 1 : i32
      %add3A_314 = arith.addi %scan3A_116, %add3A_313 : i32
      %select_n3A_315 = arith.select %or3A_312, %add3A_314, %scan3A_116 : i32
      %select_n3A_316 = arith.constant true
      %select_n3A_317 = arith.constant 0 : i32
      %select_n3A_318 = arith.constant 1 : i32
      %select_n3A_319 = arith.select %select_n3A_316, %select_n3A_318, %select_n3A_317 : i32
      %eq3A_320 = arith.constant 1 : i32
      %eq3A_321 = arith.cmpi eq, %select_n3A_319, %eq3A_320 : i32
      %select_n3A_322 = arith.constant 0 : i32
      %select_n3A_323 = arith.select %eq3A_321, %select_n3A_322, %select_n3A_319 : i32
      %scan3A_324 = arith.constant 0 : i32
      %scan3A_325 = arith.constant 1 : i32
      %sub3A = arith.constant 1 : i32
      %sub3A_326 = arith.subi %scan3A_324, %sub3A : i32
      %select_n3A_327 = arith.constant true
      %select_n3A_328 = arith.select %select_n3A_327, %sub3A_326, %scan3A_324 : i32
      %eq3A_329 = arith.constant -1 : i32
      %eq3A_330 = arith.cmpi eq, %select_n3A_328, %eq3A_329 : i32
      %select_n3A_331 = arith.constant 0 : i32
      %select_n3A_332 = arith.select %eq3A_330, %select_n3A_331, %select_n3A_328 : i32
      %add3A_333 = arith.constant 0 : i32
      %add3A_334 = arith.addi %add3A_333, %mul3A_6 : i32
      %select_n3A_335 = arith.constant true
      %select_n3A_336 = arith.constant 0 : i32
      %select_n3A_337 = arith.constant -1 : i32
      %select_n3A_338 = arith.select %select_n3A_335, %select_n3A_337, %select_n3A_336 : i32
      %eq3A_339 = arith.constant -1 : i32
      %eq3A_340 = arith.cmpi eq, %select_n3A_338, %eq3A_339 : i32
      %select_n3A_341 = arith.constant 0 : i32
      %select_n3A_342 = arith.select %eq3A_340, %select_n3A_341, %select_n3A_338 : i32
      %add3A_343 = arith.constant 0 : i32
      %add3A_344 = arith.addi %add3A_343, %mul3A_6 : i32
      %select_n3A_345 = arith.constant true
      %select_n3A_346 = arith.constant 0 : i32
      %select_n3A_347 = arith.constant 1 : i32
      %select_n3A_348 = arith.select %select_n3A_345, %select_n3A_347, %select_n3A_346 : i32
      %eq3A_349 = arith.constant 1 : i32
      %eq3A_350 = arith.cmpi eq, %select_n3A_348, %eq3A_349 : i32
      %select_n3A_351 = arith.constant 0 : i32
      %select_n3A_352 = arith.select %eq3A_350, %select_n3A_351, %select_n3A_348 : i32
      %add3A_353 = arith.constant 0 : i32
      %add3A_354 = arith.addi %add3A_353, %mul3A_6 : i32
      %select_n3A_355 = arith.constant true
      %select_n3A_356 = arith.constant 0 : i32
      %select_n3A_357 = arith.constant 1 : i32
      %select_n3A_358 = arith.select %select_n3A_355, %select_n3A_357, %select_n3A_356 : i32
      %eq3A_359 = arith.constant 1 : i32
      %eq3A_360 = arith.cmpi eq, %select_n3A_358, %eq3A_359 : i32
      %select_n3A_361 = arith.constant 0 : i32
      %select_n3A_362 = arith.select %eq3A_360, %select_n3A_361, %select_n3A_358 : i32
      %add3A_363 = arith.constant 0 : i32
      %add3A_364 = arith.addi %add3A_363, %mul3A_6 : i32
      tpu.yield
    }) : () -> ()
    return
  }
}

#map = affine_map<(d0, d1) -> (0, 0)>
module attributes {stable_mosaic.version = 14 : i64} {
  func.func @comb(%arg0: i32, %arg1: i32, %arg2: memref<11776x384xf32, #tpu.memory_space<hbm>>, %arg3: memref<1x4096xi32, #tpu.memory_space<hbm>>, %arg4: memref<4096x384xf32, #tpu.memory_space<hbm>>) attributes {dimension_semantics = [#tpu.dimension_semantics<core_parallel>, #tpu.dimension_semantics<subcore_parallel>], iteration_bounds = array<i64: 2, 16>, scalar_prefetch = 0 : i64, scratch_operands = 0 : i64, tpu.core_type = #tpu.core_type<sc_vector_subcore>, window_params = [{transform_indices = #map}, {transform_indices = #map}, {transform_indices = #map}]} {
    %mul3A = arith.constant 1 : i32
    %mul3A_0 = arith.muli %arg1, %mul3A : i32
    %add3A = arith.constant 0 : i32
    %add3A_1 = arith.addi %add3A, %mul3A_0 : i32
    %mul3A_2 = arith.constant 16 : i32
    %mul3A_3 = arith.muli %arg0, %mul3A_2 : i32
    %add3A_4 = arith.addi %add3A_1, %mul3A_3 : i32
    %mul3A_5 = arith.constant 1 : i32
    %mul3A_6 = arith.muli %add3A_4, %mul3A_5 : i32
    "tpu.region"() ({
      %run_scoped3A = memref.alloca() : memref<2x1x128xi32, #tpu.memory_space<vmem>>
      %run_scoped3A_7 = tpu.sem_alloc : memref<2x!tpu.dma_semaphore, #tpu.memory_space<semaphore_mem>>
      %run_scoped3A_8 = memref.alloca() : memref<2x128x384xf32, #tpu.memory_space<vmem>>
      %run_scoped3A_9 = tpu.sem_alloc : memref<2x!tpu.dma_semaphore, #tpu.memory_space<semaphore_mem>>
      %add3A_10 = arith.constant 0 : i32
      %add3A_11 = arith.addi %add3A_10, %mul3A_6 : i32
      %select_n3A = arith.constant true
      %select_n3A_12 = arith.constant 0 : i32
      %select_n3A_13 = arith.constant -1 : i32
      %select_n3A_14 = arith.select %select_n3A, %select_n3A_13, %select_n3A_12 : i32
      %eq3A = arith.constant -1 : i32
      %eq3A_15 = arith.cmpi eq, %select_n3A_14, %eq3A : i32
      %select_n3A_16 = arith.constant 0 : i32
      %select_n3A_17 = arith.select %eq3A_15, %select_n3A_16, %select_n3A_14 : i32
      %add3A_18 = arith.constant 0 : i32
      %add3A_19 = arith.addi %add3A_18, %mul3A_6 : i32
      %select_n3A_20 = arith.constant true
      %select_n3A_21 = arith.constant 0 : i32
      %select_n3A_22 = arith.constant 1 : i32
      %select_n3A_23 = arith.select %select_n3A_20, %select_n3A_22, %select_n3A_21 : i32
      %eq3A_24 = arith.constant 1 : i32
      %eq3A_25 = arith.cmpi eq, %select_n3A_23, %eq3A_24 : i32
      %select_n3A_26 = arith.constant 0 : i32
      %select_n3A_27 = arith.select %eq3A_25, %select_n3A_26, %select_n3A_23 : i32
      %add3A_28 = arith.constant 0 : i32
      %add3A_29 = arith.addi %add3A_28, %mul3A_6 : i32
      %select_n3A_30 = arith.constant true
      %select_n3A_31 = arith.constant 0 : i32
      %select_n3A_32 = arith.constant 1 : i32
      %select_n3A_33 = arith.select %select_n3A_30, %select_n3A_32, %select_n3A_31 : i32
      %eq3A_34 = arith.constant 1 : i32
      %eq3A_35 = arith.cmpi eq, %select_n3A_33, %eq3A_34 : i32
      %select_n3A_36 = arith.constant 0 : i32
      %select_n3A_37 = arith.select %eq3A_35, %select_n3A_36, %select_n3A_33 : i32
      %add3A_38 = arith.constant 0 : i32
      %add3A_39 = arith.addi %add3A_38, %mul3A_6 : i32
      "tpu.trace_start"() <{level = 10 : i32, message = "ep_initialize_0"}> : () -> ()
      %rem3A = arith.constant 0 : i32
      %rem3A_40 = arith.constant 2 : i32
      %rem3A_41 = arith.remui %rem3A, %rem3A_40 : i32
      %mul3A_42 = arith.constant 128 : i32
      %mul3A_43 = arith.muli %mul3A_42, %add3A_11 : i32
      %dma_start3A = arith.constant 0 : i32
      %dma_start3A_44 = arith.constant 0 : i32
      %dma_start3A_45 = tpu.memref_slice %run_scoped3A[%rem3A_41, %dma_start3A, %dma_start3A_44] : memref<2x1x128xi32, #tpu.memory_space<vmem>> -> memref<1x1x128xi32, #tpu.memory_space<vmem>>
      %dma_start3A_46 = tpu.memref_squeeze %dma_start3A_45 : memref<1x1x128xi32, #tpu.memory_space<vmem>> -> memref<1x128xi32, #tpu.memory_space<vmem>>
      %dma_start3A_47 = arith.constant 0 : i32
      %dma_start3A_48 = tpu.memref_slice %arg3[%dma_start3A_47, %mul3A_43] : memref<1x4096xi32, #tpu.memory_space<hbm>> -> memref<1x128xi32, #tpu.memory_space<hbm>>
      %dma_start3A_49 = tpu.memref_slice %run_scoped3A_7[%rem3A_41] : memref<2x!tpu.dma_semaphore, #tpu.memory_space<semaphore_mem>> -> memref<1x!tpu.dma_semaphore, #tpu.memory_space<semaphore_mem>>
      %dma_start3A_50 = tpu.memref_squeeze %dma_start3A_49 : memref<1x!tpu.dma_semaphore, #tpu.memory_space<semaphore_mem>> -> memref<!tpu.dma_semaphore, #tpu.memory_space<semaphore_mem>>
      %dma_start3A_51 = arith.constant 0 : i32
      %dma_start3A_52 = arith.constant 0 : i32
      %dma_start3A_53 = tpu.memref_slice %run_scoped3A[%rem3A_41, %dma_start3A_51, %dma_start3A_52] : memref<2x1x128xi32, #tpu.memory_space<vmem>> -> memref<1x1x128xi32, #tpu.memory_space<vmem>>
      %dma_start3A_54 = tpu.memref_squeeze %dma_start3A_53 : memref<1x1x128xi32, #tpu.memory_space<vmem>> -> memref<1x128xi32, #tpu.memory_space<vmem>>
      %dma_start3A_55 = arith.constant 0 : i32
      %dma_start3A_56 = tpu.memref_slice %arg3[%dma_start3A_55, %mul3A_43] : memref<1x4096xi32, #tpu.memory_space<hbm>> -> memref<1x128xi32, #tpu.memory_space<hbm>>
      tpu.enqueue_dma source(%dma_start3A_56 : memref<1x128xi32, #tpu.memory_space<hbm>>) target(%dma_start3A_54 : memref<1x128xi32, #tpu.memory_space<vmem>>) target_semaphore(%dma_start3A_50 : memref<!tpu.dma_semaphore, #tpu.memory_space<semaphore_mem>>)
      %add3A_57 = arith.constant 0 : i32
      %add3A_58 = arith.constant 1 : i32
      %add3A_59 = arith.addi %add3A_57, %add3A_58 : i32
      %select_n3A_60 = arith.constant true
      %select_n3A_61 = arith.constant 0 : i32
      %select_n3A_62 = arith.select %select_n3A_60, %add3A_59, %select_n3A_61 : i32
      "tpu.trace_stop"() : () -> ()
      %scan3A = arith.constant 0 : i32
      %scan3A_63 = arith.constant 0 : i32
      %scan3A_64 = arith.constant 0 : i32
      %scan3A_65 = arith.constant 0 : i32
      %scan3A_66 = arith.constant 0 : i32
      %eq3A_67 = arith.constant 0 : i32
      %eq3A_68 = arith.cmpi eq, %scan3A_66, %eq3A_67 : i32
      %eq3A_69 = arith.constant 0 : i32
      %eq3A_70 = arith.cmpi eq, %scan3A_66, %eq3A_69 : i32
      %add3A_71 = arith.constant 0 : i32
      %add3A_72 = arith.addi %add3A_71, %mul3A_6 : i32
      %select_n3A_73 = arith.constant true
      %select_n3A_74 = arith.constant 0 : i32
      %select_n3A_75 = arith.constant -1 : i32
      %select_n3A_76 = arith.select %select_n3A_73, %select_n3A_75, %select_n3A_74 : i32
      %eq3A_77 = arith.constant -1 : i32
      %eq3A_78 = arith.cmpi eq, %select_n3A_76, %eq3A_77 : i32
      %select_n3A_79 = arith.constant 0 : i32
      %select_n3A_80 = arith.select %eq3A_78, %select_n3A_79, %select_n3A_76 : i32
      %add3A_81 = arith.constant 0 : i32
      %add3A_82 = arith.addi %add3A_81, %mul3A_6 : i32
      %select_n3A_83 = arith.constant true
      %select_n3A_84 = arith.constant 0 : i32
      %select_n3A_85 = arith.constant 1 : i32
      %select_n3A_86 = arith.select %select_n3A_83, %select_n3A_85, %select_n3A_84 : i32
      %eq3A_87 = arith.constant 1 : i32
      %eq3A_88 = arith.cmpi eq, %select_n3A_86, %eq3A_87 : i32
      %select_n3A_89 = arith.constant 0 : i32
      %select_n3A_90 = arith.select %eq3A_88, %select_n3A_89, %select_n3A_86 : i32
      %add3A_91 = arith.constant 0 : i32
      %add3A_92 = arith.addi %add3A_91, %mul3A_6 : i32
      %select_n3A_93 = arith.constant true
      %select_n3A_94 = arith.constant 0 : i32
      %select_n3A_95 = arith.constant 1 : i32
      %select_n3A_96 = arith.select %select_n3A_93, %select_n3A_95, %select_n3A_94 : i32
      %eq3A_97 = arith.constant 1 : i32
      %eq3A_98 = arith.cmpi eq, %select_n3A_96, %eq3A_97 : i32
      %select_n3A_99 = arith.constant 0 : i32
      %select_n3A_100 = arith.select %eq3A_98, %select_n3A_99, %select_n3A_96 : i32
      %add3A_101 = arith.constant 0 : i32
      %add3A_102 = arith.addi %add3A_101, %mul3A_6 : i32
      %ne3A = arith.cmpi ne, %add3A_72, %add3A_92 : i32
      %or3A = arith.constant false
      %or3A_103 = arith.ori %or3A, %ne3A : i1
      %ge3A = arith.constant 0 : i32
      %ge3A_104 = arith.cmpi sge, %scan3A_66, %ge3A : i32
      %not3A = arith.constant true
      %not3A_105 = arith.xori %ge3A_104, %not3A : i1
      %and3A = arith.andi %or3A_103, %not3A_105 : i1
      %convert_element_type3A = arith.extui %and3A : i1 to i32
      %cond3A = arith.constant 0 : i32
      %cond3A_106 = arith.cmpi ne, %convert_element_type3A, %cond3A : i32
      scf.if %cond3A_106 {
        "tpu.trace_start"() <{level = 10 : i32, message = "ep_copy_in"}> : () -> ()
        %rem3A_266 = arith.constant 2 : i32
        %rem3A_267 = arith.remui %select_n3A_62, %rem3A_266 : i32
        %mul3A_268 = arith.constant 128 : i32
        %mul3A_269 = arith.muli %mul3A_268, %add3A_92 : i32
        %dma_start3A_270 = arith.constant 0 : i32
        %dma_start3A_271 = arith.constant 0 : i32
        %dma_start3A_272 = tpu.memref_slice %run_scoped3A[%rem3A_267, %dma_start3A_270, %dma_start3A_271] : memref<2x1x128xi32, #tpu.memory_space<vmem>> -> memref<1x1x128xi32, #tpu.memory_space<vmem>>
        %dma_start3A_273 = tpu.memref_squeeze %dma_start3A_272 : memref<1x1x128xi32, #tpu.memory_space<vmem>> -> memref<1x128xi32, #tpu.memory_space<vmem>>
        %dma_start3A_274 = arith.constant 0 : i32
        %dma_start3A_275 = tpu.memref_slice %arg3[%dma_start3A_274, %mul3A_269] : memref<1x4096xi32, #tpu.memory_space<hbm>> -> memref<1x128xi32, #tpu.memory_space<hbm>>
        %dma_start3A_276 = tpu.memref_slice %run_scoped3A_7[%rem3A_267] : memref<2x!tpu.dma_semaphore, #tpu.memory_space<semaphore_mem>> -> memref<1x!tpu.dma_semaphore, #tpu.memory_space<semaphore_mem>>
        %dma_start3A_277 = tpu.memref_squeeze %dma_start3A_276 : memref<1x!tpu.dma_semaphore, #tpu.memory_space<semaphore_mem>> -> memref<!tpu.dma_semaphore, #tpu.memory_space<semaphore_mem>>
        %dma_start3A_278 = arith.constant 0 : i32
        %dma_start3A_279 = arith.constant 0 : i32
        %dma_start3A_280 = tpu.memref_slice %run_scoped3A[%rem3A_267, %dma_start3A_278, %dma_start3A_279] : memref<2x1x128xi32, #tpu.memory_space<vmem>> -> memref<1x1x128xi32, #tpu.memory_space<vmem>>
        %dma_start3A_281 = tpu.memref_squeeze %dma_start3A_280 : memref<1x1x128xi32, #tpu.memory_space<vmem>> -> memref<1x128xi32, #tpu.memory_space<vmem>>
        %dma_start3A_282 = arith.constant 0 : i32
        %dma_start3A_283 = tpu.memref_slice %arg3[%dma_start3A_282, %mul3A_269] : memref<1x4096xi32, #tpu.memory_space<hbm>> -> memref<1x128xi32, #tpu.memory_space<hbm>>
        tpu.enqueue_dma source(%dma_start3A_283 : memref<1x128xi32, #tpu.memory_space<hbm>>) target(%dma_start3A_281 : memref<1x128xi32, #tpu.memory_space<vmem>>) target_semaphore(%dma_start3A_277 : memref<!tpu.dma_semaphore, #tpu.memory_space<semaphore_mem>>)
        "tpu.trace_stop"() : () -> ()
      } else {
      }
      %and3A_107 = arith.constant true
      %and3A_108 = arith.andi %and3A, %and3A_107 : i1
      %add3A_109 = arith.constant 1 : i32
      %add3A_110 = arith.addi %select_n3A_62, %add3A_109 : i32
      %select_n3A_111 = arith.select %and3A_108, %add3A_110, %select_n3A_62 : i32
      %ne3A_112 = arith.cmpi ne, %add3A_72, %add3A_92 : i32
      %or3A_113 = arith.constant false
      %or3A_114 = arith.ori %or3A_113, %ne3A_112 : i1
      %or3A_115 = arith.constant false
      %or3A_116 = arith.ori %or3A_114, %or3A_115 : i1
      %ge3A_117 = arith.constant 0 : i32
      %ge3A_118 = arith.cmpi sge, %scan3A_66, %ge3A_117 : i32
      %not3A_119 = arith.constant true
      %not3A_120 = arith.xori %ge3A_118, %not3A_119 : i1
      %and3A_121 = arith.andi %or3A_116, %not3A_120 : i1
      %ne3A_122 = arith.cmpi ne, %add3A_72, %add3A_82 : i32
      %or3A_123 = arith.constant false
      %or3A_124 = arith.ori %or3A_123, %ne3A_122 : i1
      %or3A_125 = arith.ori %or3A_124, %eq3A_68 : i1
      %convert_element_type3A_126 = arith.extui %or3A_125 : i1 to i32
      %cond3A_127 = arith.constant 0 : i32
      %cond3A_128 = arith.cmpi ne, %convert_element_type3A_126, %cond3A_127 : i32
      scf.if %cond3A_128 {
        "tpu.trace_start"() <{level = 10 : i32, message = "ep_wait_in"}> : () -> ()
        %mul3A_266 = arith.constant 128 : i32
        %mul3A_267 = arith.muli %mul3A_266, %add3A_72 : i32
        %rem3A_268 = arith.constant 2 : i32
        %rem3A_269 = arith.remui %scan3A, %rem3A_268 : i32
        %dma_wait3A_270 = arith.constant 0 : i32
        %dma_wait3A_271 = arith.constant 0 : i32
        %dma_wait3A_272 = tpu.memref_slice %run_scoped3A[%rem3A_269, %dma_wait3A_270, %dma_wait3A_271] : memref<2x1x128xi32, #tpu.memory_space<vmem>> -> memref<1x1x128xi32, #tpu.memory_space<vmem>>
        %dma_wait3A_273 = tpu.memref_squeeze %dma_wait3A_272 : memref<1x1x128xi32, #tpu.memory_space<vmem>> -> memref<1x128xi32, #tpu.memory_space<vmem>>
        %dma_wait3A_274 = arith.constant 0 : i32
        %dma_wait3A_275 = tpu.memref_slice %arg3[%dma_wait3A_274, %mul3A_267] : memref<1x4096xi32, #tpu.memory_space<hbm>> -> memref<1x128xi32, #tpu.memory_space<hbm>>
        %dma_wait3A_276 = tpu.memref_slice %run_scoped3A_7[%rem3A_269] : memref<2x!tpu.dma_semaphore, #tpu.memory_space<semaphore_mem>> -> memref<1x!tpu.dma_semaphore, #tpu.memory_space<semaphore_mem>>
        %dma_wait3A_277 = tpu.memref_squeeze %dma_wait3A_276 : memref<1x!tpu.dma_semaphore, #tpu.memory_space<semaphore_mem>> -> memref<!tpu.dma_semaphore, #tpu.memory_space<semaphore_mem>>
        %dma_wait3A_278 = arith.constant 0 : i32
        %dma_wait3A_279 = arith.constant 0 : i32
        %dma_wait3A_280 = tpu.memref_slice %run_scoped3A[%rem3A_269, %dma_wait3A_278, %dma_wait3A_279] : memref<2x1x128xi32, #tpu.memory_space<vmem>> -> memref<1x1x128xi32, #tpu.memory_space<vmem>>
        %dma_wait3A_281 = tpu.memref_squeeze %dma_wait3A_280 : memref<1x1x128xi32, #tpu.memory_space<vmem>> -> memref<1x128xi32, #tpu.memory_space<vmem>>
        %dma_wait3A_282 = arith.constant 0 : i32
        %dma_wait3A_283 = tpu.memref_slice %arg3[%dma_wait3A_282, %mul3A_267] : memref<1x4096xi32, #tpu.memory_space<hbm>> -> memref<1x128xi32, #tpu.memory_space<hbm>>
        tpu.wait_dma2 semaphore(%dma_wait3A_277 : memref<!tpu.dma_semaphore, #tpu.memory_space<semaphore_mem>>) src(%dma_wait3A_283 : memref<1x128xi32, #tpu.memory_space<hbm>>) dst(%dma_wait3A_281 : memref<1x128xi32, #tpu.memory_space<vmem>>)
        "tpu.trace_stop"() : () -> ()
      } else {
      }
      %ne3A_129 = arith.cmpi ne, %add3A_72, %add3A_82 : i32
      %or3A_130 = arith.constant false
      %or3A_131 = arith.ori %or3A_130, %ne3A_129 : i1
      %or3A_132 = arith.constant false
      %or3A_133 = arith.ori %or3A_131, %or3A_132 : i1
      %or3A_134 = arith.ori %or3A_133, %eq3A_68 : i1
      %convert_element_type3A_135 = arith.extui %or3A_134 : i1 to i32
      %cond3A_136 = arith.constant 0 : i32
      %cond3A_137 = arith.cmpi ne, %convert_element_type3A_135, %cond3A_136 : i32
      scf.if %cond3A_137 {
      } else {
      }
      %rem3A_138 = arith.constant 2 : i32
      %rem3A_139 = arith.remui %scan3A, %rem3A_138 : i32
      %rem3A_140 = arith.constant 2 : i32
      %rem3A_141 = arith.remui %scan3A_63, %rem3A_140 : i32
      %run_scoped3A_142 = arith.constant 0 : i32
      "tpu.trace_start"() <{level = 10 : i32, message = "ep_run_kernel"}> : () -> ()
      "tpu.region"() ({
        %run_scoped3A_266 = tpu.sem_alloc : memref<!tpu.dma_semaphore, #tpu.memory_space<semaphore_mem>>
        %dma_start3A_267 = arith.constant 0 : i32
        %dma_start3A_268 = arith.constant 0 : i32
        %dma_start3A_269 = tpu.memref_slice %run_scoped3A_8[%rem3A_141, %dma_start3A_267, %dma_start3A_268] : memref<2x128x384xf32, #tpu.memory_space<vmem>> -> memref<1x128x384xf32, #tpu.memory_space<vmem>>
        %dma_start3A_270 = tpu.memref_squeeze %dma_start3A_269 : memref<1x128x384xf32, #tpu.memory_space<vmem>> -> memref<128x384xf32, #tpu.memory_space<vmem>>
        %dma_start3A_271 = arith.constant 0 : i32
        %dma_start3A_272 = arith.constant 0 : i32
        %dma_start3A_273 = tpu.memref_slice %run_scoped3A[%rem3A_139, %dma_start3A_271, %dma_start3A_272] : memref<2x1x128xi32, #tpu.memory_space<vmem>> -> memref<1x1x128xi32, #tpu.memory_space<vmem>>
        %dma_start3A_274 = tpu.memref_squeeze %dma_start3A_273 : memref<1x1x128xi32, #tpu.memory_space<vmem>> -> memref<1x128xi32, #tpu.memory_space<vmem>>
        %dma_start3A_275 = arith.constant 0 : i32
        %dma_start3A_276 = tpu.memref_slice %dma_start3A_274[%run_scoped3A_142, %dma_start3A_275] : memref<1x128xi32, #tpu.memory_space<vmem>> -> memref<1x128xi32, #tpu.memory_space<vmem>>
        %dma_start3A_277 = tpu.memref_squeeze %dma_start3A_276 : memref<1x128xi32, #tpu.memory_space<vmem>> -> memref<128xi32, #tpu.memory_space<vmem>>
        %dma_start3A_278 = arith.constant 0 : i32
        %dma_start3A_279 = arith.constant 0 : i32
        %dma_start3A_280 = tpu.memref_slice %arg2[%dma_start3A_278, %dma_start3A_279] : memref<11776x384xf32, #tpu.memory_space<hbm>> -> memref<11776x384xf32, #tpu.memory_space<hbm>>
        tpu.enqueue_indirect_dma source(%dma_start3A_280 : memref<11776x384xf32, #tpu.memory_space<hbm>>) target(%dma_start3A_270 : memref<128x384xf32, #tpu.memory_space<vmem>>) offsets(%dma_start3A_277 : memref<128xi32, #tpu.memory_space<vmem>>) semaphore(%run_scoped3A_266 : memref<!tpu.dma_semaphore, #tpu.memory_space<semaphore_mem>>)
        %dma_wait3A_281 = arith.constant 0 : i32
        %dma_wait3A_282 = arith.constant 0 : i32
        %dma_wait3A_283 = tpu.memref_slice %run_scoped3A_8[%rem3A_141, %dma_wait3A_281, %dma_wait3A_282] : memref<2x128x384xf32, #tpu.memory_space<vmem>> -> memref<1x128x384xf32, #tpu.memory_space<vmem>>
        %dma_wait3A_284 = tpu.memref_squeeze %dma_wait3A_283 : memref<1x128x384xf32, #tpu.memory_space<vmem>> -> memref<128x384xf32, #tpu.memory_space<vmem>>
        %dma_wait3A_285 = arith.constant 0 : i32
        %dma_wait3A_286 = arith.constant 0 : i32
        %dma_wait3A_287 = tpu.memref_slice %run_scoped3A[%rem3A_139, %dma_wait3A_285, %dma_wait3A_286] : memref<2x1x128xi32, #tpu.memory_space<vmem>> -> memref<1x1x128xi32, #tpu.memory_space<vmem>>
        %dma_wait3A_288 = tpu.memref_squeeze %dma_wait3A_287 : memref<1x1x128xi32, #tpu.memory_space<vmem>> -> memref<1x128xi32, #tpu.memory_space<vmem>>
        %dma_wait3A_289 = arith.constant 0 : i32
        %dma_wait3A_290 = tpu.memref_slice %dma_wait3A_288[%run_scoped3A_142, %dma_wait3A_289] : memref<1x128xi32, #tpu.memory_space<vmem>> -> memref<1x128xi32, #tpu.memory_space<vmem>>
        %dma_wait3A_291 = tpu.memref_squeeze %dma_wait3A_290 : memref<1x128xi32, #tpu.memory_space<vmem>> -> memref<128xi32, #tpu.memory_space<vmem>>
        %dma_wait3A_292 = arith.constant 0 : i32
        %dma_wait3A_293 = arith.constant 0 : i32
        %dma_wait3A_294 = tpu.memref_slice %arg2[%dma_wait3A_292, %dma_wait3A_293] : memref<11776x384xf32, #tpu.memory_space<hbm>> -> memref<11776x384xf32, #tpu.memory_space<hbm>>
        tpu.wait_indirect_dma semaphore(%run_scoped3A_266 : memref<!tpu.dma_semaphore, #tpu.memory_space<semaphore_mem>>) src(%dma_wait3A_294 : memref<11776x384xf32, #tpu.memory_space<hbm>>) dst(%dma_wait3A_284 : memref<128x384xf32, #tpu.memory_space<vmem>>)
        tpu.yield
      }) : () -> ()
      "tpu.trace_stop"() : () -> ()
      %ne3A_143 = arith.cmpi ne, %add3A_72, %add3A_92 : i32
      %or3A_144 = arith.constant false
      %or3A_145 = arith.ori %or3A_144, %ne3A_143 : i1
      %or3A_146 = arith.ori %or3A_145, %eq3A_70 : i1
      %convert_element_type3A_147 = arith.extui %or3A_146 : i1 to i32
      %cond3A_148 = arith.constant 0 : i32
      %cond3A_149 = arith.cmpi ne, %convert_element_type3A_147, %cond3A_148 : i32
      scf.if %cond3A_149 {
      } else {
      }
      %and3A_150 = arith.constant false
      %and3A_151 = arith.andi %or3A_146, %and3A_150 : i1
      %ne3A_152 = arith.cmpi ne, %add3A_72, %add3A_92 : i32
      %or3A_153 = arith.constant false
      %or3A_154 = arith.ori %or3A_153, %ne3A_152 : i1
      %or3A_155 = arith.constant false
      %or3A_156 = arith.ori %or3A_154, %or3A_155 : i1
      %or3A_157 = arith.ori %or3A_156, %eq3A_70 : i1
      %convert_element_type3A_158 = arith.extui %or3A_157 : i1 to i32
      %cond3A_159 = arith.constant 0 : i32
      %cond3A_160 = arith.cmpi ne, %convert_element_type3A_158, %cond3A_159 : i32
      scf.if %cond3A_160 {
        "tpu.trace_start"() <{level = 10 : i32, message = "ep_copy_out"}> : () -> ()
        %rem3A_266 = arith.constant 2 : i32
        %rem3A_267 = arith.remui %scan3A_63, %rem3A_266 : i32
        %mul3A_268 = arith.constant 128 : i32
        %mul3A_269 = arith.muli %mul3A_268, %add3A_72 : i32
        %dma_start3A_270 = arith.constant 0 : i32
        %dma_start3A_271 = arith.constant 0 : i32
        %dma_start3A_272 = tpu.memref_slice %run_scoped3A_8[%rem3A_267, %dma_start3A_270, %dma_start3A_271] : memref<2x128x384xf32, #tpu.memory_space<vmem>> -> memref<1x128x384xf32, #tpu.memory_space<vmem>>
        %dma_start3A_273 = tpu.memref_squeeze %dma_start3A_272 : memref<1x128x384xf32, #tpu.memory_space<vmem>> -> memref<128x384xf32, #tpu.memory_space<vmem>>
        %dma_start3A_274 = arith.constant 0 : i32
        %dma_start3A_275 = tpu.memref_slice %arg4[%mul3A_269, %dma_start3A_274] : memref<4096x384xf32, #tpu.memory_space<hbm>> -> memref<128x384xf32, #tpu.memory_space<hbm>>
        %dma_start3A_276 = tpu.memref_slice %run_scoped3A_9[%rem3A_267] : memref<2x!tpu.dma_semaphore, #tpu.memory_space<semaphore_mem>> -> memref<1x!tpu.dma_semaphore, #tpu.memory_space<semaphore_mem>>
        %dma_start3A_277 = tpu.memref_squeeze %dma_start3A_276 : memref<1x!tpu.dma_semaphore, #tpu.memory_space<semaphore_mem>> -> memref<!tpu.dma_semaphore, #tpu.memory_space<semaphore_mem>>
        %dma_start3A_278 = arith.constant 0 : i32
        %dma_start3A_279 = tpu.memref_slice %arg4[%mul3A_269, %dma_start3A_278] : memref<4096x384xf32, #tpu.memory_space<hbm>> -> memref<128x384xf32, #tpu.memory_space<hbm>>
        %dma_start3A_280 = arith.constant 0 : i32
        %dma_start3A_281 = arith.constant 0 : i32
        %dma_start3A_282 = tpu.memref_slice %run_scoped3A_8[%rem3A_267, %dma_start3A_280, %dma_start3A_281] : memref<2x128x384xf32, #tpu.memory_space<vmem>> -> memref<1x128x384xf32, #tpu.memory_space<vmem>>
        %dma_start3A_283 = tpu.memref_squeeze %dma_start3A_282 : memref<1x128x384xf32, #tpu.memory_space<vmem>> -> memref<128x384xf32, #tpu.memory_space<vmem>>
        tpu.enqueue_dma source(%dma_start3A_283 : memref<128x384xf32, #tpu.memory_space<vmem>>) target(%dma_start3A_279 : memref<128x384xf32, #tpu.memory_space<hbm>>) target_semaphore(%dma_start3A_277 : memref<!tpu.dma_semaphore, #tpu.memory_space<semaphore_mem>>)
        "tpu.trace_stop"() : () -> ()
      } else {
      }
      %and3A_161 = arith.constant true
      %and3A_162 = arith.andi %or3A_157, %and3A_161 : i1
      %add3A_163 = arith.constant 1 : i32
      %add3A_164 = arith.addi %scan3A_63, %add3A_163 : i32
      %select_n3A_165 = arith.select %and3A_162, %add3A_164, %scan3A_63 : i32
      %ne3A_166 = arith.cmpi ne, %add3A_72, %add3A_82 : i32
      %or3A_167 = arith.constant false
      %or3A_168 = arith.ori %or3A_167, %ne3A_166 : i1
      %not3A_169 = arith.constant true
      %not3A_170 = arith.xori %eq3A_68, %not3A_169 : i1
      %and3A_171 = arith.andi %or3A_168, %not3A_170 : i1
      %convert_element_type3A_172 = arith.extui %and3A_171 : i1 to i32
      %cond3A_173 = arith.constant 0 : i32
      %cond3A_174 = arith.cmpi ne, %convert_element_type3A_172, %cond3A_173 : i32
      scf.if %cond3A_174 {
      } else {
      }
      %and3A_175 = arith.constant false
      %and3A_176 = arith.andi %and3A_171, %and3A_175 : i1
      %ne3A_177 = arith.cmpi ne, %add3A_72, %add3A_82 : i32
      %or3A_178 = arith.constant false
      %or3A_179 = arith.ori %or3A_178, %ne3A_177 : i1
      %or3A_180 = arith.constant false
      %or3A_181 = arith.ori %or3A_179, %or3A_180 : i1
      %not3A_182 = arith.constant true
      %not3A_183 = arith.xori %eq3A_68, %not3A_182 : i1
      %and3A_184 = arith.andi %or3A_181, %not3A_183 : i1
      %convert_element_type3A_185 = arith.extui %and3A_184 : i1 to i32
      %cond3A_186 = arith.constant 0 : i32
      %cond3A_187 = arith.cmpi ne, %convert_element_type3A_185, %cond3A_186 : i32
      scf.if %cond3A_187 {
        "tpu.trace_start"() <{level = 10 : i32, message = "ep_wait_out"}> : () -> ()
        %rem3A_266 = arith.constant 2 : i32
        %rem3A_267 = arith.remui %scan3A_64, %rem3A_266 : i32
        %mul3A_268 = arith.constant 128 : i32
        %mul3A_269 = arith.muli %mul3A_268, %add3A_82 : i32
        %dma_wait3A_270 = arith.constant 0 : i32
        %dma_wait3A_271 = arith.constant 0 : i32
        %dma_wait3A_272 = tpu.memref_slice %run_scoped3A_8[%rem3A_267, %dma_wait3A_270, %dma_wait3A_271] : memref<2x128x384xf32, #tpu.memory_space<vmem>> -> memref<1x128x384xf32, #tpu.memory_space<vmem>>
        %dma_wait3A_273 = tpu.memref_squeeze %dma_wait3A_272 : memref<1x128x384xf32, #tpu.memory_space<vmem>> -> memref<128x384xf32, #tpu.memory_space<vmem>>
        %dma_wait3A_274 = arith.constant 0 : i32
        %dma_wait3A_275 = tpu.memref_slice %arg4[%mul3A_269, %dma_wait3A_274] : memref<4096x384xf32, #tpu.memory_space<hbm>> -> memref<128x384xf32, #tpu.memory_space<hbm>>
        %dma_wait3A_276 = tpu.memref_slice %run_scoped3A_9[%rem3A_267] : memref<2x!tpu.dma_semaphore, #tpu.memory_space<semaphore_mem>> -> memref<1x!tpu.dma_semaphore, #tpu.memory_space<semaphore_mem>>
        %dma_wait3A_277 = tpu.memref_squeeze %dma_wait3A_276 : memref<1x!tpu.dma_semaphore, #tpu.memory_space<semaphore_mem>> -> memref<!tpu.dma_semaphore, #tpu.memory_space<semaphore_mem>>
        %dma_wait3A_278 = arith.constant 0 : i32
        %dma_wait3A_279 = tpu.memref_slice %arg4[%mul3A_269, %dma_wait3A_278] : memref<4096x384xf32, #tpu.memory_space<hbm>> -> memref<128x384xf32, #tpu.memory_space<hbm>>
        %dma_wait3A_280 = arith.constant 0 : i32
        %dma_wait3A_281 = arith.constant 0 : i32
        %dma_wait3A_282 = tpu.memref_slice %run_scoped3A_8[%rem3A_267, %dma_wait3A_280, %dma_wait3A_281] : memref<2x128x384xf32, #tpu.memory_space<vmem>> -> memref<1x128x384xf32, #tpu.memory_space<vmem>>
        %dma_wait3A_283 = tpu.memref_squeeze %dma_wait3A_282 : memref<1x128x384xf32, #tpu.memory_space<vmem>> -> memref<128x384xf32, #tpu.memory_space<vmem>>
        tpu.wait_dma2 semaphore(%dma_wait3A_277 : memref<!tpu.dma_semaphore, #tpu.memory_space<semaphore_mem>>) src(%dma_wait3A_283 : memref<128x384xf32, #tpu.memory_space<vmem>>) dst(%dma_wait3A_279 : memref<128x384xf32, #tpu.memory_space<hbm>>)
        "tpu.trace_stop"() : () -> ()
      } else {
      }
      %and3A_188 = arith.constant true
      %and3A_189 = arith.andi %and3A_184, %and3A_188 : i1
      %add3A_190 = arith.constant 1 : i32
      %add3A_191 = arith.addi %scan3A_64, %add3A_190 : i32
      %select_n3A_192 = arith.select %and3A_189, %add3A_191, %scan3A_64 : i32
      %ne3A_193 = arith.cmpi ne, %add3A_72, %add3A_92 : i32
      %or3A_194 = arith.constant false
      %or3A_195 = arith.ori %or3A_194, %ne3A_193 : i1
      %or3A_196 = arith.ori %or3A_195, %eq3A_70 : i1
      %add3A_197 = arith.constant 1 : i32
      %add3A_198 = arith.addi %scan3A, %add3A_197 : i32
      %select_n3A_199 = arith.select %or3A_196, %add3A_198, %scan3A : i32
      %select_n3A_200 = arith.constant true
      %select_n3A_201 = arith.constant 0 : i32
      %select_n3A_202 = arith.constant 1 : i32
      %select_n3A_203 = arith.select %select_n3A_200, %select_n3A_202, %select_n3A_201 : i32
      %eq3A_204 = arith.constant 1 : i32
      %eq3A_205 = arith.cmpi eq, %select_n3A_203, %eq3A_204 : i32
      %select_n3A_206 = arith.constant 0 : i32
      %select_n3A_207 = arith.select %eq3A_205, %select_n3A_206, %select_n3A_203 : i32
      %scan3A_208 = arith.constant 0 : i32
      %scan3A_209 = arith.constant 1 : i32
      %sub3A = arith.constant 1 : i32
      %sub3A_210 = arith.subi %scan3A_208, %sub3A : i32
      %select_n3A_211 = arith.constant true
      %select_n3A_212 = arith.select %select_n3A_211, %sub3A_210, %scan3A_208 : i32
      %eq3A_213 = arith.constant -1 : i32
      %eq3A_214 = arith.cmpi eq, %select_n3A_212, %eq3A_213 : i32
      %select_n3A_215 = arith.constant 0 : i32
      %select_n3A_216 = arith.select %eq3A_214, %select_n3A_215, %select_n3A_212 : i32
      %add3A_217 = arith.constant 0 : i32
      %add3A_218 = arith.addi %add3A_217, %mul3A_6 : i32
      %select_n3A_219 = arith.constant true
      %select_n3A_220 = arith.constant 0 : i32
      %select_n3A_221 = arith.constant -1 : i32
      %select_n3A_222 = arith.select %select_n3A_219, %select_n3A_221, %select_n3A_220 : i32
      %eq3A_223 = arith.constant -1 : i32
      %eq3A_224 = arith.cmpi eq, %select_n3A_222, %eq3A_223 : i32
      %select_n3A_225 = arith.constant 0 : i32
      %select_n3A_226 = arith.select %eq3A_224, %select_n3A_225, %select_n3A_222 : i32
      %add3A_227 = arith.constant 0 : i32
      %add3A_228 = arith.addi %add3A_227, %mul3A_6 : i32
      %select_n3A_229 = arith.constant true
      %select_n3A_230 = arith.constant 0 : i32
      %select_n3A_231 = arith.constant 1 : i32
      %select_n3A_232 = arith.select %select_n3A_229, %select_n3A_231, %select_n3A_230 : i32
      %eq3A_233 = arith.constant 1 : i32
      %eq3A_234 = arith.cmpi eq, %select_n3A_232, %eq3A_233 : i32
      %select_n3A_235 = arith.constant 0 : i32
      %select_n3A_236 = arith.select %eq3A_234, %select_n3A_235, %select_n3A_232 : i32
      %add3A_237 = arith.constant 0 : i32
      %add3A_238 = arith.addi %add3A_237, %mul3A_6 : i32
      %select_n3A_239 = arith.constant true
      %select_n3A_240 = arith.constant 0 : i32
      %select_n3A_241 = arith.constant 1 : i32
      %select_n3A_242 = arith.select %select_n3A_239, %select_n3A_241, %select_n3A_240 : i32
      %eq3A_243 = arith.constant 1 : i32
      %eq3A_244 = arith.cmpi eq, %select_n3A_242, %eq3A_243 : i32
      %select_n3A_245 = arith.constant 0 : i32
      %select_n3A_246 = arith.select %eq3A_244, %select_n3A_245, %select_n3A_242 : i32
      %add3A_247 = arith.constant 0 : i32
      %add3A_248 = arith.addi %add3A_247, %mul3A_6 : i32
      "tpu.trace_start"() <{level = 10 : i32, message = "ep_finalize"}> : () -> ()
      %rem3A_249 = arith.constant 2 : i32
      %rem3A_250 = arith.remui %select_n3A_192, %rem3A_249 : i32
      %mul3A_251 = arith.constant 128 : i32
      %mul3A_252 = arith.muli %mul3A_251, %add3A_218 : i32
      %dma_wait3A = arith.constant 0 : i32
      %dma_wait3A_253 = arith.constant 0 : i32
      %dma_wait3A_254 = tpu.memref_slice %run_scoped3A_8[%rem3A_250, %dma_wait3A, %dma_wait3A_253] : memref<2x128x384xf32, #tpu.memory_space<vmem>> -> memref<1x128x384xf32, #tpu.memory_space<vmem>>
      %dma_wait3A_255 = tpu.memref_squeeze %dma_wait3A_254 : memref<1x128x384xf32, #tpu.memory_space<vmem>> -> memref<128x384xf32, #tpu.memory_space<vmem>>
      %dma_wait3A_256 = arith.constant 0 : i32
      %dma_wait3A_257 = tpu.memref_slice %arg4[%mul3A_252, %dma_wait3A_256] : memref<4096x384xf32, #tpu.memory_space<hbm>> -> memref<128x384xf32, #tpu.memory_space<hbm>>
      %dma_wait3A_258 = tpu.memref_slice %run_scoped3A_9[%rem3A_250] : memref<2x!tpu.dma_semaphore, #tpu.memory_space<semaphore_mem>> -> memref<1x!tpu.dma_semaphore, #tpu.memory_space<semaphore_mem>>
      %dma_wait3A_259 = tpu.memref_squeeze %dma_wait3A_258 : memref<1x!tpu.dma_semaphore, #tpu.memory_space<semaphore_mem>> -> memref<!tpu.dma_semaphore, #tpu.memory_space<semaphore_mem>>
      %dma_wait3A_260 = arith.constant 0 : i32
      %dma_wait3A_261 = tpu.memref_slice %arg4[%mul3A_252, %dma_wait3A_260] : memref<4096x384xf32, #tpu.memory_space<hbm>> -> memref<128x384xf32, #tpu.memory_space<hbm>>
      %dma_wait3A_262 = arith.constant 0 : i32
      %dma_wait3A_263 = arith.constant 0 : i32
      %dma_wait3A_264 = tpu.memref_slice %run_scoped3A_8[%rem3A_250, %dma_wait3A_262, %dma_wait3A_263] : memref<2x128x384xf32, #tpu.memory_space<vmem>> -> memref<1x128x384xf32, #tpu.memory_space<vmem>>
      %dma_wait3A_265 = tpu.memref_squeeze %dma_wait3A_264 : memref<1x128x384xf32, #tpu.memory_space<vmem>> -> memref<128x384xf32, #tpu.memory_space<vmem>>
      tpu.wait_dma2 semaphore(%dma_wait3A_259 : memref<!tpu.dma_semaphore, #tpu.memory_space<semaphore_mem>>) src(%dma_wait3A_265 : memref<128x384xf32, #tpu.memory_space<vmem>>) dst(%dma_wait3A_261 : memref<128x384xf32, #tpu.memory_space<hbm>>)
      "tpu.trace_stop"() : () -> ()
      tpu.yield
    }) : () -> ()
    return
  }
}

#map = affine_map<(d0, d1) -> (0, 0)>
module attributes {stable_mosaic.version = 14 : i64} {
  func.func @comb(%arg0: i32, %arg1: i32, %arg2: memref<11776x384xf32, #tpu.memory_space<hbm>>, %arg3: memref<1x4096xi32, #tpu.memory_space<hbm>>, %arg4: memref<4096x384xf32, #tpu.memory_space<hbm>>) attributes {dimension_semantics = [#tpu.dimension_semantics<core_parallel>, #tpu.dimension_semantics<subcore_parallel>], iteration_bounds = array<i64: 2, 16>, scalar_prefetch = 0 : i64, scratch_operands = 0 : i64, tpu.core_type = #tpu.core_type<sc_vector_subcore>, window_params = [{transform_indices = #map}, {transform_indices = #map}, {transform_indices = #map}]} {
    %mul3A = arith.constant 1 : i32
    %mul3A_0 = arith.muli %arg1, %mul3A : i32
    %add3A = arith.constant 0 : i32
    %add3A_1 = arith.addi %add3A, %mul3A_0 : i32
    %mul3A_2 = arith.constant 16 : i32
    %mul3A_3 = arith.muli %arg0, %mul3A_2 : i32
    %add3A_4 = arith.addi %add3A_1, %mul3A_3 : i32
    %mul3A_5 = arith.constant 1 : i32
    %mul3A_6 = arith.muli %add3A_4, %mul3A_5 : i32
    "tpu.region"() ({
      %run_scoped3A = memref.alloca() : memref<2x1x128xi32, #tpu.memory_space<vmem>>
      %run_scoped3A_7 = tpu.sem_alloc : memref<2x!tpu.dma_semaphore, #tpu.memory_space<semaphore_mem>>
      %run_scoped3A_8 = memref.alloca() : memref<2x128x384xf32, #tpu.memory_space<vmem>>
      %run_scoped3A_9 = tpu.sem_alloc : memref<2x!tpu.dma_semaphore, #tpu.memory_space<semaphore_mem>>
      %add3A_10 = arith.constant 0 : i32
      %add3A_11 = arith.addi %add3A_10, %mul3A_6 : i32
      %select_n3A = arith.constant true
      %select_n3A_12 = arith.constant 0 : i32
      %select_n3A_13 = arith.constant -1 : i32
      %select_n3A_14 = arith.select %select_n3A, %select_n3A_13, %select_n3A_12 : i32
      %eq3A = arith.constant -1 : i32
      %eq3A_15 = arith.cmpi eq, %select_n3A_14, %eq3A : i32
      %select_n3A_16 = arith.constant 0 : i32
      %select_n3A_17 = arith.select %eq3A_15, %select_n3A_16, %select_n3A_14 : i32
      %add3A_18 = arith.constant 0 : i32
      %add3A_19 = arith.addi %add3A_18, %mul3A_6 : i32
      %select_n3A_20 = arith.constant true
      %select_n3A_21 = arith.constant 0 : i32
      %select_n3A_22 = arith.constant 1 : i32
      %select_n3A_23 = arith.select %select_n3A_20, %select_n3A_22, %select_n3A_21 : i32
      %eq3A_24 = arith.constant 1 : i32
      %eq3A_25 = arith.cmpi eq, %select_n3A_23, %eq3A_24 : i32
      %select_n3A_26 = arith.constant 0 : i32
      %select_n3A_27 = arith.select %eq3A_25, %select_n3A_26, %select_n3A_23 : i32
      %add3A_28 = arith.constant 0 : i32
      %add3A_29 = arith.addi %add3A_28, %mul3A_6 : i32
      %select_n3A_30 = arith.constant true
      %select_n3A_31 = arith.constant 0 : i32
      %select_n3A_32 = arith.constant 1 : i32
      %select_n3A_33 = arith.select %select_n3A_30, %select_n3A_32, %select_n3A_31 : i32
      %eq3A_34 = arith.constant 1 : i32
      %eq3A_35 = arith.cmpi eq, %select_n3A_33, %eq3A_34 : i32
      %select_n3A_36 = arith.constant 0 : i32
      %select_n3A_37 = arith.select %eq3A_35, %select_n3A_36, %select_n3A_33 : i32
      %add3A_38 = arith.constant 0 : i32
      %add3A_39 = arith.addi %add3A_38, %mul3A_6 : i32
      "tpu.trace_start"() <{level = 10 : i32, message = "ep_initialize_0"}> : () -> ()
      %rem3A = arith.constant 0 : i32
      %rem3A_40 = arith.constant 2 : i32
      %rem3A_41 = arith.remui %rem3A, %rem3A_40 : i32
      %mul3A_42 = arith.constant 128 : i32
      %mul3A_43 = arith.muli %mul3A_42, %add3A_11 : i32
      %dma_start3A = arith.constant 0 : i32
      %dma_start3A_44 = arith.constant 0 : i32
      %dma_start3A_45 = tpu.memref_slice %run_scoped3A[%rem3A_41, %dma_start3A, %dma_start3A_44] : memref<2x1x128xi32, #tpu.memory_space<vmem>> -> memref<1x1x128xi32, #tpu.memory_space<vmem>>
      %dma_start3A_46 = tpu.memref_squeeze %dma_start3A_45 : memref<1x1x128xi32, #tpu.memory_space<vmem>> -> memref<1x128xi32, #tpu.memory_space<vmem>>
      %dma_start3A_47 = arith.constant 0 : i32
      %dma_start3A_48 = tpu.memref_slice %arg3[%dma_start3A_47, %mul3A_43] : memref<1x4096xi32, #tpu.memory_space<hbm>> -> memref<1x128xi32, #tpu.memory_space<hbm>>
      %dma_start3A_49 = tpu.memref_slice %run_scoped3A_7[%rem3A_41] : memref<2x!tpu.dma_semaphore, #tpu.memory_space<semaphore_mem>> -> memref<1x!tpu.dma_semaphore, #tpu.memory_space<semaphore_mem>>
      %dma_start3A_50 = tpu.memref_squeeze %dma_start3A_49 : memref<1x!tpu.dma_semaphore, #tpu.memory_space<semaphore_mem>> -> memref<!tpu.dma_semaphore, #tpu.memory_space<semaphore_mem>>
      %dma_start3A_51 = arith.constant 0 : i32
      %dma_start3A_52 = arith.constant 0 : i32
      %dma_start3A_53 = tpu.memref_slice %run_scoped3A[%rem3A_41, %dma_start3A_51, %dma_start3A_52] : memref<2x1x128xi32, #tpu.memory_space<vmem>> -> memref<1x1x128xi32, #tpu.memory_space<vmem>>
      %dma_start3A_54 = tpu.memref_squeeze %dma_start3A_53 : memref<1x1x128xi32, #tpu.memory_space<vmem>> -> memref<1x128xi32, #tpu.memory_space<vmem>>
      %dma_start3A_55 = arith.constant 0 : i32
      %dma_start3A_56 = tpu.memref_slice %arg3[%dma_start3A_55, %mul3A_43] : memref<1x4096xi32, #tpu.memory_space<hbm>> -> memref<1x128xi32, #tpu.memory_space<hbm>>
      tpu.enqueue_dma source(%dma_start3A_56 : memref<1x128xi32, #tpu.memory_space<hbm>>) target(%dma_start3A_54 : memref<1x128xi32, #tpu.memory_space<vmem>>) target_semaphore(%dma_start3A_50 : memref<!tpu.dma_semaphore, #tpu.memory_space<semaphore_mem>>)
      %add3A_57 = arith.constant 0 : i32
      %add3A_58 = arith.constant 1 : i32
      %add3A_59 = arith.addi %add3A_57, %add3A_58 : i32
      %select_n3A_60 = arith.constant true
      %select_n3A_61 = arith.constant 0 : i32
      %select_n3A_62 = arith.select %select_n3A_60, %add3A_59, %select_n3A_61 : i32
      "tpu.trace_stop"() : () -> ()
      %scan3A = arith.constant 0 : i32
      %scan3A_63 = arith.constant 0 : i32
      %scan3A_64 = arith.constant 0 : i32
      %scan3A_65 = arith.constant 0 : i32
      %scan3A_66 = arith.constant 0 : i32
      %eq3A_67 = arith.constant 0 : i32
      %eq3A_68 = arith.cmpi eq, %scan3A_66, %eq3A_67 : i32
      %eq3A_69 = arith.constant 0 : i32
      %eq3A_70 = arith.cmpi eq, %scan3A_66, %eq3A_69 : i32
      %add3A_71 = arith.constant 0 : i32
      %add3A_72 = arith.addi %add3A_71, %mul3A_6 : i32
      %select_n3A_73 = arith.constant true
      %select_n3A_74 = arith.constant 0 : i32
      %select_n3A_75 = arith.constant -1 : i32
      %select_n3A_76 = arith.select %select_n3A_73, %select_n3A_75, %select_n3A_74 : i32
      %eq3A_77 = arith.constant -1 : i32
      %eq3A_78 = arith.cmpi eq, %select_n3A_76, %eq3A_77 : i32
      %select_n3A_79 = arith.constant 0 : i32
      %select_n3A_80 = arith.select %eq3A_78, %select_n3A_79, %select_n3A_76 : i32
      %add3A_81 = arith.constant 0 : i32
      %add3A_82 = arith.addi %add3A_81, %mul3A_6 : i32
      %select_n3A_83 = arith.constant true
      %select_n3A_84 = arith.constant 0 : i32
      %select_n3A_85 = arith.constant 1 : i32
      %select_n3A_86 = arith.select %select_n3A_83, %select_n3A_85, %select_n3A_84 : i32
      %eq3A_87 = arith.constant 1 : i32
      %eq3A_88 = arith.cmpi eq, %select_n3A_86, %eq3A_87 : i32
      %select_n3A_89 = arith.constant 0 : i32
      %select_n3A_90 = arith.select %eq3A_88, %select_n3A_89, %select_n3A_86 : i32
      %add3A_91 = arith.constant 0 : i32
      %add3A_92 = arith.addi %add3A_91, %mul3A_6 : i32
      %select_n3A_93 = arith.constant true
      %select_n3A_94 = arith.constant 0 : i32
      %select_n3A_95 = arith.constant 1 : i32
      %select_n3A_96 = arith.select %select_n3A_93, %select_n3A_95, %select_n3A_94 : i32
      %eq3A_97 = arith.constant 1 : i32
      %eq3A_98 = arith.cmpi eq, %select_n3A_96, %eq3A_97 : i32
      %select_n3A_99 = arith.constant 0 : i32
      %select_n3A_100 = arith.select %eq3A_98, %select_n3A_99, %select_n3A_96 : i32
      %add3A_101 = arith.constant 0 : i32
      %add3A_102 = arith.addi %add3A_101, %mul3A_6 : i32
      %ne3A = arith.cmpi ne, %add3A_72, %add3A_92 : i32
      %or3A = arith.constant false
      %or3A_103 = arith.ori %or3A, %ne3A : i1
      %ge3A = arith.constant 0 : i32
      %ge3A_104 = arith.cmpi sge, %scan3A_66, %ge3A : i32
      %not3A = arith.constant true
      %not3A_105 = arith.xori %ge3A_104, %not3A : i1
      %and3A = arith.andi %or3A_103, %not3A_105 : i1
      %convert_element_type3A = arith.extui %and3A : i1 to i32
      %cond3A = arith.constant 0 : i32
      %cond3A_106 = arith.cmpi ne, %convert_element_type3A, %cond3A : i32
      scf.if %cond3A_106 {
        "tpu.trace_start"() <{level = 10 : i32, message = "ep_copy_in"}> : () -> ()
        %rem3A_266 = arith.constant 2 : i32
        %rem3A_267 = arith.remui %select_n3A_62, %rem3A_266 : i32
        %mul3A_268 = arith.constant 128 : i32
        %mul3A_269 = arith.muli %mul3A_268, %add3A_92 : i32
        %dma_start3A_270 = arith.constant 0 : i32
        %dma_start3A_271 = arith.constant 0 : i32
        %dma_start3A_272 = tpu.memref_slice %run_scoped3A[%rem3A_267, %dma_start3A_270, %dma_start3A_271] : memref<2x1x128xi32, #tpu.memory_space<vmem>> -> memref<1x1x128xi32, #tpu.memory_space<vmem>>
        %dma_start3A_273 = tpu.memref_squeeze %dma_start3A_272 : memref<1x1x128xi32, #tpu.memory_space<vmem>> -> memref<1x128xi32, #tpu.memory_space<vmem>>
        %dma_start3A_274 = arith.constant 0 : i32
        %dma_start3A_275 = tpu.memref_slice %arg3[%dma_start3A_274, %mul3A_269] : memref<1x4096xi32, #tpu.memory_space<hbm>> -> memref<1x128xi32, #tpu.memory_space<hbm>>
        %dma_start3A_276 = tpu.memref_slice %run_scoped3A_7[%rem3A_267] : memref<2x!tpu.dma_semaphore, #tpu.memory_space<semaphore_mem>> -> memref<1x!tpu.dma_semaphore, #tpu.memory_space<semaphore_mem>>
        %dma_start3A_277 = tpu.memref_squeeze %dma_start3A_276 : memref<1x!tpu.dma_semaphore, #tpu.memory_space<semaphore_mem>> -> memref<!tpu.dma_semaphore, #tpu.memory_space<semaphore_mem>>
        %dma_start3A_278 = arith.constant 0 : i32
        %dma_start3A_279 = arith.constant 0 : i32
        %dma_start3A_280 = tpu.memref_slice %run_scoped3A[%rem3A_267, %dma_start3A_278, %dma_start3A_279] : memref<2x1x128xi32, #tpu.memory_space<vmem>> -> memref<1x1x128xi32, #tpu.memory_space<vmem>>
        %dma_start3A_281 = tpu.memref_squeeze %dma_start3A_280 : memref<1x1x128xi32, #tpu.memory_space<vmem>> -> memref<1x128xi32, #tpu.memory_space<vmem>>
        %dma_start3A_282 = arith.constant 0 : i32
        %dma_start3A_283 = tpu.memref_slice %arg3[%dma_start3A_282, %mul3A_269] : memref<1x4096xi32, #tpu.memory_space<hbm>> -> memref<1x128xi32, #tpu.memory_space<hbm>>
        tpu.enqueue_dma source(%dma_start3A_283 : memref<1x128xi32, #tpu.memory_space<hbm>>) target(%dma_start3A_281 : memref<1x128xi32, #tpu.memory_space<vmem>>) target_semaphore(%dma_start3A_277 : memref<!tpu.dma_semaphore, #tpu.memory_space<semaphore_mem>>)
        "tpu.trace_stop"() : () -> ()
      } else {
      }
      %and3A_107 = arith.constant true
      %and3A_108 = arith.andi %and3A, %and3A_107 : i1
      %add3A_109 = arith.constant 1 : i32
      %add3A_110 = arith.addi %select_n3A_62, %add3A_109 : i32
      %select_n3A_111 = arith.select %and3A_108, %add3A_110, %select_n3A_62 : i32
      %ne3A_112 = arith.cmpi ne, %add3A_72, %add3A_92 : i32
      %or3A_113 = arith.constant false
      %or3A_114 = arith.ori %or3A_113, %ne3A_112 : i1
      %or3A_115 = arith.constant false
      %or3A_116 = arith.ori %or3A_114, %or3A_115 : i1
      %ge3A_117 = arith.constant 0 : i32
      %ge3A_118 = arith.cmpi sge, %scan3A_66, %ge3A_117 : i32
      %not3A_119 = arith.constant true
      %not3A_120 = arith.xori %ge3A_118, %not3A_119 : i1
      %and3A_121 = arith.andi %or3A_116, %not3A_120 : i1
      %ne3A_122 = arith.cmpi ne, %add3A_72, %add3A_82 : i32
      %or3A_123 = arith.constant false
      %or3A_124 = arith.ori %or3A_123, %ne3A_122 : i1
      %or3A_125 = arith.ori %or3A_124, %eq3A_68 : i1
      %convert_element_type3A_126 = arith.extui %or3A_125 : i1 to i32
      %cond3A_127 = arith.constant 0 : i32
      %cond3A_128 = arith.cmpi ne, %convert_element_type3A_126, %cond3A_127 : i32
      scf.if %cond3A_128 {
        "tpu.trace_start"() <{level = 10 : i32, message = "ep_wait_in"}> : () -> ()
        %mul3A_266 = arith.constant 128 : i32
        %mul3A_267 = arith.muli %mul3A_266, %add3A_72 : i32
        %rem3A_268 = arith.constant 2 : i32
        %rem3A_269 = arith.remui %scan3A, %rem3A_268 : i32
        %dma_wait3A_270 = arith.constant 0 : i32
        %dma_wait3A_271 = arith.constant 0 : i32
        %dma_wait3A_272 = tpu.memref_slice %run_scoped3A[%rem3A_269, %dma_wait3A_270, %dma_wait3A_271] : memref<2x1x128xi32, #tpu.memory_space<vmem>> -> memref<1x1x128xi32, #tpu.memory_space<vmem>>
        %dma_wait3A_273 = tpu.memref_squeeze %dma_wait3A_272 : memref<1x1x128xi32, #tpu.memory_space<vmem>> -> memref<1x128xi32, #tpu.memory_space<vmem>>
        %dma_wait3A_274 = arith.constant 0 : i32
        %dma_wait3A_275 = tpu.memref_slice %arg3[%dma_wait3A_274, %mul3A_267] : memref<1x4096xi32, #tpu.memory_space<hbm>> -> memref<1x128xi32, #tpu.memory_space<hbm>>
        %dma_wait3A_276 = tpu.memref_slice %run_scoped3A_7[%rem3A_269] : memref<2x!tpu.dma_semaphore, #tpu.memory_space<semaphore_mem>> -> memref<1x!tpu.dma_semaphore, #tpu.memory_space<semaphore_mem>>
        %dma_wait3A_277 = tpu.memref_squeeze %dma_wait3A_276 : memref<1x!tpu.dma_semaphore, #tpu.memory_space<semaphore_mem>> -> memref<!tpu.dma_semaphore, #tpu.memory_space<semaphore_mem>>
        %dma_wait3A_278 = arith.constant 0 : i32
        %dma_wait3A_279 = arith.constant 0 : i32
        %dma_wait3A_280 = tpu.memref_slice %run_scoped3A[%rem3A_269, %dma_wait3A_278, %dma_wait3A_279] : memref<2x1x128xi32, #tpu.memory_space<vmem>> -> memref<1x1x128xi32, #tpu.memory_space<vmem>>
        %dma_wait3A_281 = tpu.memref_squeeze %dma_wait3A_280 : memref<1x1x128xi32, #tpu.memory_space<vmem>> -> memref<1x128xi32, #tpu.memory_space<vmem>>
        %dma_wait3A_282 = arith.constant 0 : i32
        %dma_wait3A_283 = tpu.memref_slice %arg3[%dma_wait3A_282, %mul3A_267] : memref<1x4096xi32, #tpu.memory_space<hbm>> -> memref<1x128xi32, #tpu.memory_space<hbm>>
        tpu.wait_dma2 semaphore(%dma_wait3A_277 : memref<!tpu.dma_semaphore, #tpu.memory_space<semaphore_mem>>) src(%dma_wait3A_283 : memref<1x128xi32, #tpu.memory_space<hbm>>) dst(%dma_wait3A_281 : memref<1x128xi32, #tpu.memory_space<vmem>>)
        "tpu.trace_stop"() : () -> ()
      } else {
      }
      %ne3A_129 = arith.cmpi ne, %add3A_72, %add3A_82 : i32
      %or3A_130 = arith.constant false
      %or3A_131 = arith.ori %or3A_130, %ne3A_129 : i1
      %or3A_132 = arith.constant false
      %or3A_133 = arith.ori %or3A_131, %or3A_132 : i1
      %or3A_134 = arith.ori %or3A_133, %eq3A_68 : i1
      %convert_element_type3A_135 = arith.extui %or3A_134 : i1 to i32
      %cond3A_136 = arith.constant 0 : i32
      %cond3A_137 = arith.cmpi ne, %convert_element_type3A_135, %cond3A_136 : i32
      scf.if %cond3A_137 {
      } else {
      }
      %rem3A_138 = arith.constant 2 : i32
      %rem3A_139 = arith.remui %scan3A, %rem3A_138 : i32
      %rem3A_140 = arith.constant 2 : i32
      %rem3A_141 = arith.remui %scan3A_63, %rem3A_140 : i32
      %run_scoped3A_142 = arith.constant 0 : i32
      "tpu.trace_start"() <{level = 10 : i32, message = "ep_run_kernel"}> : () -> ()
      "tpu.region"() ({
        %run_scoped3A_266 = tpu.sem_alloc : memref<!tpu.dma_semaphore, #tpu.memory_space<semaphore_mem>>
        %dma_start3A_267 = arith.constant 0 : i32
        %dma_start3A_268 = arith.constant 0 : i32
        %dma_start3A_269 = tpu.memref_slice %run_scoped3A_8[%rem3A_141, %dma_start3A_267, %dma_start3A_268] : memref<2x128x384xf32, #tpu.memory_space<vmem>> -> memref<1x128x384xf32, #tpu.memory_space<vmem>>
        %dma_start3A_270 = tpu.memref_squeeze %dma_start3A_269 : memref<1x128x384xf32, #tpu.memory_space<vmem>> -> memref<128x384xf32, #tpu.memory_space<vmem>>
        %dma_start3A_271 = arith.constant 0 : i32
        %dma_start3A_272 = arith.constant 0 : i32
        %dma_start3A_273 = tpu.memref_slice %run_scoped3A[%rem3A_139, %dma_start3A_271, %dma_start3A_272] : memref<2x1x128xi32, #tpu.memory_space<vmem>> -> memref<1x1x128xi32, #tpu.memory_space<vmem>>
        %dma_start3A_274 = tpu.memref_squeeze %dma_start3A_273 : memref<1x1x128xi32, #tpu.memory_space<vmem>> -> memref<1x128xi32, #tpu.memory_space<vmem>>
        %dma_start3A_275 = arith.constant 0 : i32
        %dma_start3A_276 = tpu.memref_slice %dma_start3A_274[%run_scoped3A_142, %dma_start3A_275] : memref<1x128xi32, #tpu.memory_space<vmem>> -> memref<1x128xi32, #tpu.memory_space<vmem>>
        %dma_start3A_277 = tpu.memref_squeeze %dma_start3A_276 : memref<1x128xi32, #tpu.memory_space<vmem>> -> memref<128xi32, #tpu.memory_space<vmem>>
        %dma_start3A_278 = arith.constant 0 : i32
        %dma_start3A_279 = arith.constant 0 : i32
        %dma_start3A_280 = tpu.memref_slice %arg2[%dma_start3A_278, %dma_start3A_279] : memref<11776x384xf32, #tpu.memory_space<hbm>> -> memref<11776x384xf32, #tpu.memory_space<hbm>>
        tpu.enqueue_indirect_dma source(%dma_start3A_280 : memref<11776x384xf32, #tpu.memory_space<hbm>>) target(%dma_start3A_270 : memref<128x384xf32, #tpu.memory_space<vmem>>) offsets(%dma_start3A_277 : memref<128xi32, #tpu.memory_space<vmem>>) semaphore(%run_scoped3A_266 : memref<!tpu.dma_semaphore, #tpu.memory_space<semaphore_mem>>)
        %dma_wait3A_281 = arith.constant 0 : i32
        %dma_wait3A_282 = arith.constant 0 : i32
        %dma_wait3A_283 = tpu.memref_slice %run_scoped3A_8[%rem3A_141, %dma_wait3A_281, %dma_wait3A_282] : memref<2x128x384xf32, #tpu.memory_space<vmem>> -> memref<1x128x384xf32, #tpu.memory_space<vmem>>
        %dma_wait3A_284 = tpu.memref_squeeze %dma_wait3A_283 : memref<1x128x384xf32, #tpu.memory_space<vmem>> -> memref<128x384xf32, #tpu.memory_space<vmem>>
        %dma_wait3A_285 = arith.constant 0 : i32
        %dma_wait3A_286 = arith.constant 0 : i32
        %dma_wait3A_287 = tpu.memref_slice %run_scoped3A[%rem3A_139, %dma_wait3A_285, %dma_wait3A_286] : memref<2x1x128xi32, #tpu.memory_space<vmem>> -> memref<1x1x128xi32, #tpu.memory_space<vmem>>
        %dma_wait3A_288 = tpu.memref_squeeze %dma_wait3A_287 : memref<1x1x128xi32, #tpu.memory_space<vmem>> -> memref<1x128xi32, #tpu.memory_space<vmem>>
        %dma_wait3A_289 = arith.constant 0 : i32
        %dma_wait3A_290 = tpu.memref_slice %dma_wait3A_288[%run_scoped3A_142, %dma_wait3A_289] : memref<1x128xi32, #tpu.memory_space<vmem>> -> memref<1x128xi32, #tpu.memory_space<vmem>>
        %dma_wait3A_291 = tpu.memref_squeeze %dma_wait3A_290 : memref<1x128xi32, #tpu.memory_space<vmem>> -> memref<128xi32, #tpu.memory_space<vmem>>
        %dma_wait3A_292 = arith.constant 0 : i32
        %dma_wait3A_293 = arith.constant 0 : i32
        %dma_wait3A_294 = tpu.memref_slice %arg2[%dma_wait3A_292, %dma_wait3A_293] : memref<11776x384xf32, #tpu.memory_space<hbm>> -> memref<11776x384xf32, #tpu.memory_space<hbm>>
        tpu.wait_indirect_dma semaphore(%run_scoped3A_266 : memref<!tpu.dma_semaphore, #tpu.memory_space<semaphore_mem>>) src(%dma_wait3A_294 : memref<11776x384xf32, #tpu.memory_space<hbm>>) dst(%dma_wait3A_284 : memref<128x384xf32, #tpu.memory_space<vmem>>)
        tpu.yield
      }) : () -> ()
      "tpu.trace_stop"() : () -> ()
      %ne3A_143 = arith.cmpi ne, %add3A_72, %add3A_92 : i32
      %or3A_144 = arith.constant false
      %or3A_145 = arith.ori %or3A_144, %ne3A_143 : i1
      %or3A_146 = arith.ori %or3A_145, %eq3A_70 : i1
      %convert_element_type3A_147 = arith.extui %or3A_146 : i1 to i32
      %cond3A_148 = arith.constant 0 : i32
      %cond3A_149 = arith.cmpi ne, %convert_element_type3A_147, %cond3A_148 : i32
      scf.if %cond3A_149 {
      } else {
      }
      %and3A_150 = arith.constant false
      %and3A_151 = arith.andi %or3A_146, %and3A_150 : i1
      %ne3A_152 = arith.cmpi ne, %add3A_72, %add3A_92 : i32
      %or3A_153 = arith.constant false
      %or3A_154 = arith.ori %or3A_153, %ne3A_152 : i1
      %or3A_155 = arith.constant false
      %or3A_156 = arith.ori %or3A_154, %or3A_155 : i1
      %or3A_157 = arith.ori %or3A_156, %eq3A_70 : i1
      %convert_element_type3A_158 = arith.extui %or3A_157 : i1 to i32
      %cond3A_159 = arith.constant 0 : i32
      %cond3A_160 = arith.cmpi ne, %convert_element_type3A_158, %cond3A_159 : i32
      scf.if %cond3A_160 {
        "tpu.trace_start"() <{level = 10 : i32, message = "ep_copy_out"}> : () -> ()
        %rem3A_266 = arith.constant 2 : i32
        %rem3A_267 = arith.remui %scan3A_63, %rem3A_266 : i32
        %mul3A_268 = arith.constant 128 : i32
        %mul3A_269 = arith.muli %mul3A_268, %add3A_72 : i32
        %dma_start3A_270 = arith.constant 0 : i32
        %dma_start3A_271 = arith.constant 0 : i32
        %dma_start3A_272 = tpu.memref_slice %run_scoped3A_8[%rem3A_267, %dma_start3A_270, %dma_start3A_271] : memref<2x128x384xf32, #tpu.memory_space<vmem>> -> memref<1x128x384xf32, #tpu.memory_space<vmem>>
        %dma_start3A_273 = tpu.memref_squeeze %dma_start3A_272 : memref<1x128x384xf32, #tpu.memory_space<vmem>> -> memref<128x384xf32, #tpu.memory_space<vmem>>
        %dma_start3A_274 = arith.constant 0 : i32
        %dma_start3A_275 = tpu.memref_slice %arg4[%mul3A_269, %dma_start3A_274] : memref<4096x384xf32, #tpu.memory_space<hbm>> -> memref<128x384xf32, #tpu.memory_space<hbm>>
        %dma_start3A_276 = tpu.memref_slice %run_scoped3A_9[%rem3A_267] : memref<2x!tpu.dma_semaphore, #tpu.memory_space<semaphore_mem>> -> memref<1x!tpu.dma_semaphore, #tpu.memory_space<semaphore_mem>>
        %dma_start3A_277 = tpu.memref_squeeze %dma_start3A_276 : memref<1x!tpu.dma_semaphore, #tpu.memory_space<semaphore_mem>> -> memref<!tpu.dma_semaphore, #tpu.memory_space<semaphore_mem>>
        %dma_start3A_278 = arith.constant 0 : i32
        %dma_start3A_279 = tpu.memref_slice %arg4[%mul3A_269, %dma_start3A_278] : memref<4096x384xf32, #tpu.memory_space<hbm>> -> memref<128x384xf32, #tpu.memory_space<hbm>>
        %dma_start3A_280 = arith.constant 0 : i32
        %dma_start3A_281 = arith.constant 0 : i32
        %dma_start3A_282 = tpu.memref_slice %run_scoped3A_8[%rem3A_267, %dma_start3A_280, %dma_start3A_281] : memref<2x128x384xf32, #tpu.memory_space<vmem>> -> memref<1x128x384xf32, #tpu.memory_space<vmem>>
        %dma_start3A_283 = tpu.memref_squeeze %dma_start3A_282 : memref<1x128x384xf32, #tpu.memory_space<vmem>> -> memref<128x384xf32, #tpu.memory_space<vmem>>
        tpu.enqueue_dma source(%dma_start3A_283 : memref<128x384xf32, #tpu.memory_space<vmem>>) target(%dma_start3A_279 : memref<128x384xf32, #tpu.memory_space<hbm>>) target_semaphore(%dma_start3A_277 : memref<!tpu.dma_semaphore, #tpu.memory_space<semaphore_mem>>)
        "tpu.trace_stop"() : () -> ()
      } else {
      }
      %and3A_161 = arith.constant true
      %and3A_162 = arith.andi %or3A_157, %and3A_161 : i1
      %add3A_163 = arith.constant 1 : i32
      %add3A_164 = arith.addi %scan3A_63, %add3A_163 : i32
      %select_n3A_165 = arith.select %and3A_162, %add3A_164, %scan3A_63 : i32
      %ne3A_166 = arith.cmpi ne, %add3A_72, %add3A_82 : i32
      %or3A_167 = arith.constant false
      %or3A_168 = arith.ori %or3A_167, %ne3A_166 : i1
      %not3A_169 = arith.constant true
      %not3A_170 = arith.xori %eq3A_68, %not3A_169 : i1
      %and3A_171 = arith.andi %or3A_168, %not3A_170 : i1
      %convert_element_type3A_172 = arith.extui %and3A_171 : i1 to i32
      %cond3A_173 = arith.constant 0 : i32
      %cond3A_174 = arith.cmpi ne, %convert_element_type3A_172, %cond3A_173 : i32
      scf.if %cond3A_174 {
      } else {
      }
      %and3A_175 = arith.constant false
      %and3A_176 = arith.andi %and3A_171, %and3A_175 : i1
      %ne3A_177 = arith.cmpi ne, %add3A_72, %add3A_82 : i32
      %or3A_178 = arith.constant false
      %or3A_179 = arith.ori %or3A_178, %ne3A_177 : i1
      %or3A_180 = arith.constant false
      %or3A_181 = arith.ori %or3A_179, %or3A_180 : i1
      %not3A_182 = arith.constant true
      %not3A_183 = arith.xori %eq3A_68, %not3A_182 : i1
      %and3A_184 = arith.andi %or3A_181, %not3A_183 : i1
      %convert_element_type3A_185 = arith.extui %and3A_184 : i1 to i32
      %cond3A_186 = arith.constant 0 : i32
      %cond3A_187 = arith.cmpi ne, %convert_element_type3A_185, %cond3A_186 : i32
      scf.if %cond3A_187 {
        "tpu.trace_start"() <{level = 10 : i32, message = "ep_wait_out"}> : () -> ()
        %rem3A_266 = arith.constant 2 : i32
        %rem3A_267 = arith.remui %scan3A_64, %rem3A_266 : i32
        %mul3A_268 = arith.constant 128 : i32
        %mul3A_269 = arith.muli %mul3A_268, %add3A_82 : i32
        %dma_wait3A_270 = arith.constant 0 : i32
        %dma_wait3A_271 = arith.constant 0 : i32
        %dma_wait3A_272 = tpu.memref_slice %run_scoped3A_8[%rem3A_267, %dma_wait3A_270, %dma_wait3A_271] : memref<2x128x384xf32, #tpu.memory_space<vmem>> -> memref<1x128x384xf32, #tpu.memory_space<vmem>>
        %dma_wait3A_273 = tpu.memref_squeeze %dma_wait3A_272 : memref<1x128x384xf32, #tpu.memory_space<vmem>> -> memref<128x384xf32, #tpu.memory_space<vmem>>
        %dma_wait3A_274 = arith.constant 0 : i32
        %dma_wait3A_275 = tpu.memref_slice %arg4[%mul3A_269, %dma_wait3A_274] : memref<4096x384xf32, #tpu.memory_space<hbm>> -> memref<128x384xf32, #tpu.memory_space<hbm>>
        %dma_wait3A_276 = tpu.memref_slice %run_scoped3A_9[%rem3A_267] : memref<2x!tpu.dma_semaphore, #tpu.memory_space<semaphore_mem>> -> memref<1x!tpu.dma_semaphore, #tpu.memory_space<semaphore_mem>>
        %dma_wait3A_277 = tpu.memref_squeeze %dma_wait3A_276 : memref<1x!tpu.dma_semaphore, #tpu.memory_space<semaphore_mem>> -> memref<!tpu.dma_semaphore, #tpu.memory_space<semaphore_mem>>
        %dma_wait3A_278 = arith.constant 0 : i32
        %dma_wait3A_279 = tpu.memref_slice %arg4[%mul3A_269, %dma_wait3A_278] : memref<4096x384xf32, #tpu.memory_space<hbm>> -> memref<128x384xf32, #tpu.memory_space<hbm>>
        %dma_wait3A_280 = arith.constant 0 : i32
        %dma_wait3A_281 = arith.constant 0 : i32
        %dma_wait3A_282 = tpu.memref_slice %run_scoped3A_8[%rem3A_267, %dma_wait3A_280, %dma_wait3A_281] : memref<2x128x384xf32, #tpu.memory_space<vmem>> -> memref<1x128x384xf32, #tpu.memory_space<vmem>>
        %dma_wait3A_283 = tpu.memref_squeeze %dma_wait3A_282 : memref<1x128x384xf32, #tpu.memory_space<vmem>> -> memref<128x384xf32, #tpu.memory_space<vmem>>
        tpu.wait_dma2 semaphore(%dma_wait3A_277 : memref<!tpu.dma_semaphore, #tpu.memory_space<semaphore_mem>>) src(%dma_wait3A_283 : memref<128x384xf32, #tpu.memory_space<vmem>>) dst(%dma_wait3A_279 : memref<128x384xf32, #tpu.memory_space<hbm>>)
        "tpu.trace_stop"() : () -> ()
      } else {
      }
      %and3A_188 = arith.constant true
      %and3A_189 = arith.andi %and3A_184, %and3A_188 : i1
      %add3A_190 = arith.constant 1 : i32
      %add3A_191 = arith.addi %scan3A_64, %add3A_190 : i32
      %select_n3A_192 = arith.select %and3A_189, %add3A_191, %scan3A_64 : i32
      %ne3A_193 = arith.cmpi ne, %add3A_72, %add3A_92 : i32
      %or3A_194 = arith.constant false
      %or3A_195 = arith.ori %or3A_194, %ne3A_193 : i1
      %or3A_196 = arith.ori %or3A_195, %eq3A_70 : i1
      %add3A_197 = arith.constant 1 : i32
      %add3A_198 = arith.addi %scan3A, %add3A_197 : i32
      %select_n3A_199 = arith.select %or3A_196, %add3A_198, %scan3A : i32
      %select_n3A_200 = arith.constant true
      %select_n3A_201 = arith.constant 0 : i32
      %select_n3A_202 = arith.constant 1 : i32
      %select_n3A_203 = arith.select %select_n3A_200, %select_n3A_202, %select_n3A_201 : i32
      %eq3A_204 = arith.constant 1 : i32
      %eq3A_205 = arith.cmpi eq, %select_n3A_203, %eq3A_204 : i32
      %select_n3A_206 = arith.constant 0 : i32
      %select_n3A_207 = arith.select %eq3A_205, %select_n3A_206, %select_n3A_203 : i32
      %scan3A_208 = arith.constant 0 : i32
      %scan3A_209 = arith.constant 1 : i32
      %sub3A = arith.constant 1 : i32
      %sub3A_210 = arith.subi %scan3A_208, %sub3A : i32
      %select_n3A_211 = arith.constant true
      %select_n3A_212 = arith.select %select_n3A_211, %sub3A_210, %scan3A_208 : i32
      %eq3A_213 = arith.constant -1 : i32
      %eq3A_214 = arith.cmpi eq, %select_n3A_212, %eq3A_213 : i32
      %select_n3A_215 = arith.constant 0 : i32
      %select_n3A_216 = arith.select %eq3A_214, %select_n3A_215, %select_n3A_212 : i32
      %add3A_217 = arith.constant 0 : i32
      %add3A_218 = arith.addi %add3A_217, %mul3A_6 : i32
      %select_n3A_219 = arith.constant true
      %select_n3A_220 = arith.constant 0 : i32
      %select_n3A_221 = arith.constant -1 : i32
      %select_n3A_222 = arith.select %select_n3A_219, %select_n3A_221, %select_n3A_220 : i32
      %eq3A_223 = arith.constant -1 : i32
      %eq3A_224 = arith.cmpi eq, %select_n3A_222, %eq3A_223 : i32
      %select_n3A_225 = arith.constant 0 : i32
      %select_n3A_226 = arith.select %eq3A_224, %select_n3A_225, %select_n3A_222 : i32
      %add3A_227 = arith.constant 0 : i32
      %add3A_228 = arith.addi %add3A_227, %mul3A_6 : i32
      %select_n3A_229 = arith.constant true
      %select_n3A_230 = arith.constant 0 : i32
      %select_n3A_231 = arith.constant 1 : i32
      %select_n3A_232 = arith.select %select_n3A_229, %select_n3A_231, %select_n3A_230 : i32
      %eq3A_233 = arith.constant 1 : i32
      %eq3A_234 = arith.cmpi eq, %select_n3A_232, %eq3A_233 : i32
      %select_n3A_235 = arith.constant 0 : i32
      %select_n3A_236 = arith.select %eq3A_234, %select_n3A_235, %select_n3A_232 : i32
      %add3A_237 = arith.constant 0 : i32
      %add3A_238 = arith.addi %add3A_237, %mul3A_6 : i32
      %select_n3A_239 = arith.constant true
      %select_n3A_240 = arith.constant 0 : i32
      %select_n3A_241 = arith.constant 1 : i32
      %select_n3A_242 = arith.select %select_n3A_239, %select_n3A_241, %select_n3A_240 : i32
      %eq3A_243 = arith.constant 1 : i32
      %eq3A_244 = arith.cmpi eq, %select_n3A_242, %eq3A_243 : i32
      %select_n3A_245 = arith.constant 0 : i32
      %select_n3A_246 = arith.select %eq3A_244, %select_n3A_245, %select_n3A_242 : i32
      %add3A_247 = arith.constant 0 : i32
      %add3A_248 = arith.addi %add3A_247, %mul3A_6 : i32
      "tpu.trace_start"() <{level = 10 : i32, message = "ep_finalize"}> : () -> ()
      %rem3A_249 = arith.constant 2 : i32
      %rem3A_250 = arith.remui %select_n3A_192, %rem3A_249 : i32
      %mul3A_251 = arith.constant 128 : i32
      %mul3A_252 = arith.muli %mul3A_251, %add3A_218 : i32
      %dma_wait3A = arith.constant 0 : i32
      %dma_wait3A_253 = arith.constant 0 : i32
      %dma_wait3A_254 = tpu.memref_slice %run_scoped3A_8[%rem3A_250, %dma_wait3A, %dma_wait3A_253] : memref<2x128x384xf32, #tpu.memory_space<vmem>> -> memref<1x128x384xf32, #tpu.memory_space<vmem>>
      %dma_wait3A_255 = tpu.memref_squeeze %dma_wait3A_254 : memref<1x128x384xf32, #tpu.memory_space<vmem>> -> memref<128x384xf32, #tpu.memory_space<vmem>>
      %dma_wait3A_256 = arith.constant 0 : i32
      %dma_wait3A_257 = tpu.memref_slice %arg4[%mul3A_252, %dma_wait3A_256] : memref<4096x384xf32, #tpu.memory_space<hbm>> -> memref<128x384xf32, #tpu.memory_space<hbm>>
      %dma_wait3A_258 = tpu.memref_slice %run_scoped3A_9[%rem3A_250] : memref<2x!tpu.dma_semaphore, #tpu.memory_space<semaphore_mem>> -> memref<1x!tpu.dma_semaphore, #tpu.memory_space<semaphore_mem>>
      %dma_wait3A_259 = tpu.memref_squeeze %dma_wait3A_258 : memref<1x!tpu.dma_semaphore, #tpu.memory_space<semaphore_mem>> -> memref<!tpu.dma_semaphore, #tpu.memory_space<semaphore_mem>>
      %dma_wait3A_260 = arith.constant 0 : i32
      %dma_wait3A_261 = tpu.memref_slice %arg4[%mul3A_252, %dma_wait3A_260] : memref<4096x384xf32, #tpu.memory_space<hbm>> -> memref<128x384xf32, #tpu.memory_space<hbm>>
      %dma_wait3A_262 = arith.constant 0 : i32
      %dma_wait3A_263 = arith.constant 0 : i32
      %dma_wait3A_264 = tpu.memref_slice %run_scoped3A_8[%rem3A_250, %dma_wait3A_262, %dma_wait3A_263] : memref<2x128x384xf32, #tpu.memory_space<vmem>> -> memref<1x128x384xf32, #tpu.memory_space<vmem>>
      %dma_wait3A_265 = tpu.memref_squeeze %dma_wait3A_264 : memref<1x128x384xf32, #tpu.memory_space<vmem>> -> memref<128x384xf32, #tpu.memory_space<vmem>>
      tpu.wait_dma2 semaphore(%dma_wait3A_259 : memref<!tpu.dma_semaphore, #tpu.memory_space<semaphore_mem>>) src(%dma_wait3A_265 : memref<128x384xf32, #tpu.memory_space<vmem>>) dst(%dma_wait3A_261 : memref<128x384xf32, #tpu.memory_space<hbm>>)
      "tpu.trace_stop"() : () -> ()
      tpu.yield
    }) : () -> ()
    return
  }
}

module attributes {stable_mosaic.version = 14 : i64} {
  func.func @_gating_body(%arg0: memref<2048x768xf32, #tpu.memory_space<vmem>>, %arg1: memref<768x8xf32, #tpu.memory_space<vmem>>, %arg2: memref<2048x2xf32, #tpu.memory_space<vmem>>, %arg3: memref<1x2048xi32, #tpu.memory_space<vmem>>, %arg4: memref<1x2048xi32, #tpu.memory_space<vmem>>, %arg5: memref<2x23xi32, #tpu.memory_space<vmem>>, %arg6: memref<1x1xf32, #tpu.memory_space<vmem>>) attributes {dimension_semantics = [], scalar_prefetch = 0 : i64, scratch_operands = 0 : i64, tpu.core_type = #tpu.core_type<tc>} {
    %get3A = arith.constant 0 : index
    %get3A_0 = arith.constant 0 : index
    %get3A_1 = vector.load %arg0[%get3A, %get3A_0] : memref<2048x768xf32, #tpu.memory_space<vmem>>, vector<2048x768xf32>
    %get3A_2 = arith.constant 0 : index
    %get3A_3 = arith.constant 0 : index
    %get3A_4 = vector.load %arg1[%get3A_2, %get3A_3] : memref<768x8xf32, #tpu.memory_space<vmem>>, vector<768x8xf32>
    %dot_general3A = arith.constant dense<0.000000e+00> : vector<2048x8xf32>
    %dot_general3A_5 = tpu.matmul %get3A_1, %get3A_4, %dot_general3A {dimension_numbers = #tpu.dot_dimension_numbers<[1], [0], [0], [1], [0, 0, 1, 1], [], []>, transpose_lhs_hint = false} : vector<2048x768xf32>, vector<768x8xf32>, vector<2048x8xf32> -> vector<2048x8xf32>
    %reduce_max3A = arith.constant dense<0xFF800000> : vector<2048xf32>
    %reduce_max3A_6 = vector.multi_reduction <maximumf>, %dot_general3A_5, %reduce_max3A [1] : vector<2048x8xf32> to vector<2048xf32>
    %max3A = arith.constant 0xFF800000 : f32
    %max3A_7 = vector.broadcast %max3A : f32 to vector<2048xf32>
    %max3A_8 = arith.maximumf %max3A_7, %reduce_max3A_6 : vector<2048xf32>
    %broadcast_in_dim3A = vector.shape_cast %max3A_8 : vector<2048xf32> to vector<2048x1xf32>
    %sub3A = vector.broadcast %broadcast_in_dim3A : vector<2048x1xf32> to vector<2048x8xf32>
    %sub3A_9 = arith.subf %dot_general3A_5, %sub3A : vector<2048x8xf32>
    %exp3A = math.exp %sub3A_9 : vector<2048x8xf32>
    %reduce_sum3A = arith.constant dense<0.000000e+00> : vector<2048xf32>
    %reduce_sum3A_10 = vector.multi_reduction <add>, %exp3A, %reduce_sum3A [1] : vector<2048x8xf32> to vector<2048xf32>
    %broadcast_in_dim3A_11 = vector.shape_cast %reduce_sum3A_10 : vector<2048xf32> to vector<2048x1xf32>
    %div3A = vector.broadcast %broadcast_in_dim3A_11 : vector<2048x1xf32> to vector<2048x8xf32>
    %div3A_12 = arith.divf %exp3A, %div3A : vector<2048x8xf32>
    %iota3A = tpu.iota {dimensions = array<i32: 1>} : vector<2048x8xi32>
    %argmax3A = tpu.reduce_index %div3A_12 {axis = 1 : i32, kind = #tpu.reduction_kind<arg_max>} : vector<2048x8xf32> -> vector<2048xi32>
    %broadcast_in_dim3A_13 = vector.shape_cast %argmax3A : vector<2048xi32> to vector<2048x1xi32>
    %eq3A = vector.broadcast %broadcast_in_dim3A_13 : vector<2048x1xi32> to vector<2048x8xi32>
    %eq3A_14 = arith.cmpi eq, %iota3A, %eq3A : vector<2048x8xi32>
    %jit3A = arith.constant -1.000000e+00 : f32
    %broadcast_in_dim3A_15 = vector.broadcast %jit3A : f32 to vector<2048x8xf32>
    %select_n3A = arith.select %eq3A_14, %broadcast_in_dim3A_15, %div3A_12 : vector<2048x8xi1>, vector<2048x8xf32>
    %argmax3A_16 = tpu.reduce_index %select_n3A {axis = 1 : i32, kind = #tpu.reduction_kind<arg_max>} : vector<2048x8xf32> -> vector<2048xi32>
    %broadcast_in_dim3A_17 = vector.shape_cast %argmax3A_16 : vector<2048xi32> to vector<2048x1xi32>
    %eq3A_18 = vector.broadcast %broadcast_in_dim3A_17 : vector<2048x1xi32> to vector<2048x8xi32>
    %eq3A_19 = arith.cmpi eq, %iota3A, %eq3A_18 : vector<2048x8xi32>
    %reduce_max3A_20 = arith.constant dense<0xFF800000> : vector<2048xf32>
    %reduce_max3A_21 = vector.multi_reduction <maximumf>, %div3A_12, %reduce_max3A_20 [1] : vector<2048x8xf32> to vector<2048xf32>
    %broadcast_in_dim3A_22 = vector.shape_cast %reduce_max3A_21 : vector<2048xf32> to vector<2048x1xf32>
    %reduce_max3A_23 = arith.constant dense<0xFF800000> : vector<2048xf32>
    %reduce_max3A_24 = vector.multi_reduction <maximumf>, %select_n3A, %reduce_max3A_23 [1] : vector<2048x8xf32> to vector<2048xf32>
    %broadcast_in_dim3A_25 = vector.shape_cast %reduce_max3A_24 : vector<2048xf32> to vector<2048x1xf32>
    %add3A = arith.addf %broadcast_in_dim3A_22, %broadcast_in_dim3A_25 : vector<2048x1xf32>
    %add3A_26 = arith.constant 9.99999997E-7 : f32
    %add3A_27 = vector.broadcast %add3A_26 : f32 to vector<2048x1xf32>
    %add3A_28 = arith.addf %add3A, %add3A_27 : vector<2048x1xf32>
    %div3A_29 = arith.divf %broadcast_in_dim3A_22, %add3A_28 : vector<2048x1xf32>
    %div3A_30 = arith.divf %broadcast_in_dim3A_25, %add3A_28 : vector<2048x1xf32>
    %concatenate3A = tpu.concatenate %div3A_29, %div3A_30 in 1 : vector<2048x1xf32>, vector<2048x1xf32> -> vector<2048x2xf32>
    %swap3A = arith.constant 0 : index
    %swap3A_31 = arith.constant 0 : index
    %swap3A_32 = vector.load %arg2[%swap3A, %swap3A_31] : memref<2048x2xf32, #tpu.memory_space<vmem>>, vector<2048x2xf32>
    tpu.vector_store %arg2[%swap3A, %swap3A_31], %concatenate3A {strides = array<i32>} : memref<2048x2xf32, #tpu.memory_space<vmem>>, vector<2048x2xf32>,
    %jit3A_33 = arith.constant 0.000000e+00 : f32
    %broadcast_in_dim3A_34 = vector.shape_cast %div3A_29 : vector<2048x1xf32> to vector<2048x1xf32>
    %broadcast_in_dim3A_35 = vector.broadcast %broadcast_in_dim3A_34 : vector<2048x1xf32> to vector<2048x8xf32>
    %broadcast_in_dim3A_36 = vector.broadcast %jit3A_33 : f32 to vector<2048x8xf32>
    %select_n3A_37 = arith.select %eq3A_14, %broadcast_in_dim3A_35, %broadcast_in_dim3A_36 : vector<2048x8xi1>, vector<2048x8xf32>
    %jit3A_38 = arith.constant 0.000000e+00 : f32
    %broadcast_in_dim3A_39 = vector.shape_cast %div3A_30 : vector<2048x1xf32> to vector<2048x1xf32>
    %broadcast_in_dim3A_40 = vector.broadcast %broadcast_in_dim3A_39 : vector<2048x1xf32> to vector<2048x8xf32>
    %broadcast_in_dim3A_41 = vector.broadcast %jit3A_38 : f32 to vector<2048x8xf32>
    %select_n3A_42 = arith.select %eq3A_19, %broadcast_in_dim3A_40, %broadcast_in_dim3A_41 : vector<2048x8xi1>, vector<2048x8xf32>
    %add3A_43 = arith.addf %select_n3A_37, %select_n3A_42 : vector<2048x8xf32>
    %reduce_sum3A_44 = arith.constant dense<0.000000e+00> : vector<8xf32>
    %reduce_sum3A_45 = vector.multi_reduction <add>, %add3A_43, %reduce_sum3A_44 [0] : vector<2048x8xf32> to vector<8xf32>
    %gt3A = arith.constant 0.000000e+00 : f32
    %gt3A_46 = vector.broadcast %gt3A : f32 to vector<2048x8xf32>
    %gt3A_47 = arith.cmpf ogt, %add3A_43, %gt3A_46 : vector<2048x8xf32>
    %convert_element_type3A = arith.extui %gt3A_47 : vector<2048x8xi1> to vector<2048x8xi32>
    %convert_element_type3A_48 = arith.sitofp %convert_element_type3A : vector<2048x8xi32> to vector<2048x8xf32>
    %reduce_sum3A_49 = arith.constant dense<0.000000e+00> : vector<8xf32>
    %reduce_sum3A_50 = vector.multi_reduction <add>, %convert_element_type3A_48, %reduce_sum3A_49 [0] : vector<2048x8xf32> to vector<8xf32>
    %reduce_sum3A_51 = vector.shape_cast %reduce_sum3A_45 : vector<8xf32> to vector<1x8xf32>
    %reduce_sum3A_52 = arith.constant dense<0.000000e+00> : vector<1xf32>
    %reduce_sum3A_53 = vector.multi_reduction <add>, %reduce_sum3A_51, %reduce_sum3A_52 [1] : vector<1x8xf32> to vector<1xf32>
    %reduce_sum3A_54 = vector.shape_cast %reduce_sum3A_53 : vector<1xf32> to vector<1x1xf32>
    %reduce_sum3A_55 = vector.extract %reduce_sum3A_54[0, 0] : f32 from vector<1x1xf32>
    %div3A_56 = arith.constant 8.000000e+00 : f32
    %div3A_57 = arith.divf %reduce_sum3A_55, %div3A_56 : f32
    %sub3A_58 = vector.broadcast %div3A_57 : f32 to vector<8xf32>
    %sub3A_59 = arith.subf %reduce_sum3A_45, %sub3A_58 : vector<8xf32>
    %integer_pow3A = arith.mulf %sub3A_59, %sub3A_59 : vector<8xf32>
    %reduce_sum3A_60 = vector.shape_cast %integer_pow3A : vector<8xf32> to vector<1x8xf32>
    %reduce_sum3A_61 = arith.constant dense<0.000000e+00> : vector<1xf32>
    %reduce_sum3A_62 = vector.multi_reduction <add>, %reduce_sum3A_60, %reduce_sum3A_61 [1] : vector<1x8xf32> to vector<1xf32>
    %reduce_sum3A_63 = vector.shape_cast %reduce_sum3A_62 : vector<1xf32> to vector<1x1xf32>
    %reduce_sum3A_64 = vector.extract %reduce_sum3A_63[0, 0] : f32 from vector<1x1xf32>
    %div3A_65 = arith.constant 7.000000e+00 : f32
    %div3A_66 = arith.divf %reduce_sum3A_64, %div3A_65 : f32
    %mul3A = arith.mulf %div3A_57, %div3A_57 : f32
    %add3A_67 = arith.constant 1.000000e-10 : f32
    %add3A_68 = arith.addf %mul3A, %add3A_67 : f32
    %div3A_69 = arith.divf %div3A_66, %add3A_68 : f32
    %reduce_sum3A_70 = vector.shape_cast %reduce_sum3A_50 : vector<8xf32> to vector<1x8xf32>
    %reduce_sum3A_71 = arith.constant dense<0.000000e+00> : vector<1xf32>
    %reduce_sum3A_72 = vector.multi_reduction <add>, %reduce_sum3A_70, %reduce_sum3A_71 [1] : vector<1x8xf32> to vector<1xf32>
    %reduce_sum3A_73 = vector.shape_cast %reduce_sum3A_72 : vector<1xf32> to vector<1x1xf32>
    %reduce_sum3A_74 = vector.extract %reduce_sum3A_73[0, 0] : f32 from vector<1x1xf32>
    %div3A_75 = arith.constant 8.000000e+00 : f32
    %div3A_76 = arith.divf %reduce_sum3A_74, %div3A_75 : f32
    %sub3A_77 = vector.broadcast %div3A_76 : f32 to vector<8xf32>
    %sub3A_78 = arith.subf %reduce_sum3A_50, %sub3A_77 : vector<8xf32>
    %integer_pow3A_79 = arith.mulf %sub3A_78, %sub3A_78 : vector<8xf32>
    %reduce_sum3A_80 = vector.shape_cast %integer_pow3A_79 : vector<8xf32> to vector<1x8xf32>
    %reduce_sum3A_81 = arith.constant dense<0.000000e+00> : vector<1xf32>
    %reduce_sum3A_82 = vector.multi_reduction <add>, %reduce_sum3A_80, %reduce_sum3A_81 [1] : vector<1x8xf32> to vector<1xf32>
    %reduce_sum3A_83 = vector.shape_cast %reduce_sum3A_82 : vector<1xf32> to vector<1x1xf32>
    %reduce_sum3A_84 = vector.extract %reduce_sum3A_83[0, 0] : f32 from vector<1x1xf32>
    %div3A_85 = arith.constant 7.000000e+00 : f32
    %div3A_86 = arith.divf %reduce_sum3A_84, %div3A_85 : f32
    %mul3A_87 = arith.mulf %div3A_76, %div3A_76 : f32
    %add3A_88 = arith.constant 1.000000e-10 : f32
    %add3A_89 = arith.addf %mul3A_87, %add3A_88 : f32
    %div3A_90 = arith.divf %div3A_86, %add3A_89 : f32
    %add3A_91 = arith.addf %div3A_69, %div3A_90 : f32
    %reshape3A = vector.broadcast %add3A_91 : f32 to vector<1x1xf32>
    %swap3A_92 = arith.constant 0 : index
    %swap3A_93 = arith.constant 0 : index
    %swap3A_94 = vector.load %arg6[%swap3A_92, %swap3A_93] : memref<1x1xf32, #tpu.memory_space<vmem>>, vector<1x1xf32>
    tpu.vector_store %arg6[%swap3A_92, %swap3A_93], %reshape3A {strides = array<i32>} : memref<1x1xf32, #tpu.memory_space<vmem>>, vector<1x1xf32>,
    %convert_element_type3A_95 = arith.extui %eq3A_14 : vector<2048x8xi1> to vector<2048x8xi32>
    %convert_element_type3A_96 = arith.sitofp %convert_element_type3A_95 : vector<2048x8xi32> to vector<2048x8xf32>
    %convert_element_type3A_97 = arith.extui %eq3A_19 : vector<2048x8xi1> to vector<2048x8xi32>
    %convert_element_type3A_98 = arith.sitofp %convert_element_type3A_97 : vector<2048x8xi32> to vector<2048x8xf32>
    %add3A_99 = arith.addf %convert_element_type3A_96, %convert_element_type3A_98 : vector<2048x8xf32>
    %broadcast_in_dim3A_100 = arith.constant 0.000000e+00 : f32
    %broadcast_in_dim3A_101 = vector.broadcast %broadcast_in_dim3A_100 : f32 to vector<1x8xf32>
    %slice3A = vector.extract_strided_slice %add3A_99 {offsets = [0, 0], sizes = [2047, 8], strides = [1, 1]} : vector<2048x8xf32> to vector<2047x8xf32>
    %concatenate3A_102 = tpu.concatenate %broadcast_in_dim3A_101, %slice3A in 0 : vector<1x8xf32>, vector<2047x8xf32> -> vector<2048x8xf32>
    %add3A_103 = arith.addf %add3A_99, %concatenate3A_102 : vector<2048x8xf32>
    %broadcast_in_dim3A_104 = arith.constant 0.000000e+00 : f32
    %broadcast_in_dim3A_105 = vector.broadcast %broadcast_in_dim3A_104 : f32 to vector<2x8xf32>
    %slice3A_106 = vector.extract_strided_slice %add3A_103 {offsets = [0, 0], sizes = [2046, 8], strides = [1, 1]} : vector<2048x8xf32> to vector<2046x8xf32>
    %concatenate3A_107 = tpu.concatenate %broadcast_in_dim3A_105, %slice3A_106 in 0 : vector<2x8xf32>, vector<2046x8xf32> -> vector<2048x8xf32>
    %add3A_108 = arith.addf %add3A_103, %concatenate3A_107 : vector<2048x8xf32>
    %broadcast_in_dim3A_109 = arith.constant 0.000000e+00 : f32
    %broadcast_in_dim3A_110 = vector.broadcast %broadcast_in_dim3A_109 : f32 to vector<4x8xf32>
    %slice3A_111 = vector.extract_strided_slice %add3A_108 {offsets = [0, 0], sizes = [2044, 8], strides = [1, 1]} : vector<2048x8xf32> to vector<2044x8xf32>
    %concatenate3A_112 = tpu.concatenate %broadcast_in_dim3A_110, %slice3A_111 in 0 : vector<4x8xf32>, vector<2044x8xf32> -> vector<2048x8xf32>
    %add3A_113 = arith.addf %add3A_108, %concatenate3A_112 : vector<2048x8xf32>
    %broadcast_in_dim3A_114 = arith.constant 0.000000e+00 : f32
    %broadcast_in_dim3A_115 = vector.broadcast %broadcast_in_dim3A_114 : f32 to vector<8x8xf32>
    %slice3A_116 = vector.extract_strided_slice %add3A_113 {offsets = [0, 0], sizes = [2040, 8], strides = [1, 1]} : vector<2048x8xf32> to vector<2040x8xf32>
    %concatenate3A_117 = tpu.concatenate %broadcast_in_dim3A_115, %slice3A_116 in 0 : vector<8x8xf32>, vector<2040x8xf32> -> vector<2048x8xf32>
    %add3A_118 = arith.addf %add3A_113, %concatenate3A_117 : vector<2048x8xf32>
    %broadcast_in_dim3A_119 = arith.constant 0.000000e+00 : f32
    %broadcast_in_dim3A_120 = vector.broadcast %broadcast_in_dim3A_119 : f32 to vector<16x8xf32>
    %slice3A_121 = vector.extract_strided_slice %add3A_118 {offsets = [0, 0], sizes = [2032, 8], strides = [1, 1]} : vector<2048x8xf32> to vector<2032x8xf32>
    %concatenate3A_122 = tpu.concatenate %broadcast_in_dim3A_120, %slice3A_121 in 0 : vector<16x8xf32>, vector<2032x8xf32> -> vector<2048x8xf32>
    %add3A_123 = arith.addf %add3A_118, %concatenate3A_122 : vector<2048x8xf32>
    %broadcast_in_dim3A_124 = arith.constant 0.000000e+00 : f32
    %broadcast_in_dim3A_125 = vector.broadcast %broadcast_in_dim3A_124 : f32 to vector<32x8xf32>
    %slice3A_126 = vector.extract_strided_slice %add3A_123 {offsets = [0, 0], sizes = [2016, 8], strides = [1, 1]} : vector<2048x8xf32> to vector<2016x8xf32>
    %concatenate3A_127 = tpu.concatenate %broadcast_in_dim3A_125, %slice3A_126 in 0 : vector<32x8xf32>, vector<2016x8xf32> -> vector<2048x8xf32>
    %add3A_128 = arith.addf %add3A_123, %concatenate3A_127 : vector<2048x8xf32>
    %broadcast_in_dim3A_129 = arith.constant 0.000000e+00 : f32
    %broadcast_in_dim3A_130 = vector.broadcast %broadcast_in_dim3A_129 : f32 to vector<64x8xf32>
    %slice3A_131 = vector.extract_strided_slice %add3A_128 {offsets = [0, 0], sizes = [1984, 8], strides = [1, 1]} : vector<2048x8xf32> to vector<1984x8xf32>
    %concatenate3A_132 = tpu.concatenate %broadcast_in_dim3A_130, %slice3A_131 in 0 : vector<64x8xf32>, vector<1984x8xf32> -> vector<2048x8xf32>
    %add3A_133 = arith.addf %add3A_128, %concatenate3A_132 : vector<2048x8xf32>
    %broadcast_in_dim3A_134 = arith.constant 0.000000e+00 : f32
    %broadcast_in_dim3A_135 = vector.broadcast %broadcast_in_dim3A_134 : f32 to vector<128x8xf32>
    %slice3A_136 = vector.extract_strided_slice %add3A_133 {offsets = [0, 0], sizes = [1920, 8], strides = [1, 1]} : vector<2048x8xf32> to vector<1920x8xf32>
    %concatenate3A_137 = tpu.concatenate %broadcast_in_dim3A_135, %slice3A_136 in 0 : vector<128x8xf32>, vector<1920x8xf32> -> vector<2048x8xf32>
    %add3A_138 = arith.addf %add3A_133, %concatenate3A_137 : vector<2048x8xf32>
    %broadcast_in_dim3A_139 = arith.constant 0.000000e+00 : f32
    %broadcast_in_dim3A_140 = vector.broadcast %broadcast_in_dim3A_139 : f32 to vector<256x8xf32>
    %slice3A_141 = vector.extract_strided_slice %add3A_138 {offsets = [0, 0], sizes = [1792, 8], strides = [1, 1]} : vector<2048x8xf32> to vector<1792x8xf32>
    %concatenate3A_142 = tpu.concatenate %broadcast_in_dim3A_140, %slice3A_141 in 0 : vector<256x8xf32>, vector<1792x8xf32> -> vector<2048x8xf32>
    %add3A_143 = arith.addf %add3A_138, %concatenate3A_142 : vector<2048x8xf32>
    %broadcast_in_dim3A_144 = arith.constant 0.000000e+00 : f32
    %broadcast_in_dim3A_145 = vector.broadcast %broadcast_in_dim3A_144 : f32 to vector<512x8xf32>
    %slice3A_146 = vector.extract_strided_slice %add3A_143 {offsets = [0, 0], sizes = [1536, 8], strides = [1, 1]} : vector<2048x8xf32> to vector<1536x8xf32>
    %concatenate3A_147 = tpu.concatenate %broadcast_in_dim3A_145, %slice3A_146 in 0 : vector<512x8xf32>, vector<1536x8xf32> -> vector<2048x8xf32>
    %add3A_148 = arith.addf %add3A_143, %concatenate3A_147 : vector<2048x8xf32>
    %broadcast_in_dim3A_149 = arith.constant 0.000000e+00 : f32
    %broadcast_in_dim3A_150 = vector.broadcast %broadcast_in_dim3A_149 : f32 to vector<1024x8xf32>
    %slice3A_151 = vector.extract_strided_slice %add3A_148 {offsets = [0, 0], sizes = [1024, 8], strides = [1, 1]} : vector<2048x8xf32> to vector<1024x8xf32>
    %concatenate3A_152 = tpu.concatenate %broadcast_in_dim3A_150, %slice3A_151 in 0 : vector<1024x8xf32>, vector<1024x8xf32> -> vector<2048x8xf32>
    %add3A_153 = arith.addf %add3A_148, %concatenate3A_152 : vector<2048x8xf32>
    %sub3A_154 = arith.subf %add3A_153, %add3A_99 : vector<2048x8xf32>
    %reduce_sum3A_155 = arith.constant dense<0.000000e+00> : vector<8xf32>
    %reduce_sum3A_156 = vector.multi_reduction <add>, %add3A_99, %reduce_sum3A_155 [0] : vector<2048x8xf32> to vector<8xf32>
    %broadcast_in_dim3A_157 = vector.shape_cast %reduce_sum3A_156 : vector<8xf32> to vector<1x8xf32>
    %div3A_158 = arith.constant 2.560000e+02 : f32
    %div3A_159 = vector.broadcast %div3A_158 : f32 to vector<1x8xf32>
    %div3A_160 = arith.divf %broadcast_in_dim3A_157, %div3A_159 : vector<1x8xf32>
    %ceil3A = math.ceil %div3A_160 : vector<1x8xf32>
    %mul3A_161 = arith.constant 2.560000e+02 : f32
    %mul3A_162 = vector.broadcast %mul3A_161 : f32 to vector<1x8xf32>
    %mul3A_163 = arith.mulf %ceil3A, %mul3A_162 : vector<1x8xf32>
    %iota3A_164 = tpu.iota {dimensions = array<i32: 0>} : vector<8x8xi32>
    %iota3A_165 = tpu.iota {dimensions = array<i32: 1>} : vector<8x8xi32>
    %le3A = arith.cmpi sle, %iota3A_164, %iota3A_165 : vector<8x8xi32>
    %convert_element_type3A_166 = arith.extui %le3A : vector<8x8xi1> to vector<8x8xi32>
    %convert_element_type3A_167 = arith.sitofp %convert_element_type3A_166 : vector<8x8xi32> to vector<8x8xf32>
    %dot_general3A_168 = arith.constant dense<0.000000e+00> : vector<1x8xf32>
    %dot_general3A_169 = tpu.matmul %mul3A_163, %convert_element_type3A_167, %dot_general3A_168 {dimension_numbers = #tpu.dot_dimension_numbers<[1], [0], [0], [1], [0, 0, 1, 1], [], []>, transpose_lhs_hint = false} : vector<1x8xf32>, vector<8x8xf32>, vector<1x8xf32> -> vector<1x8xf32>
    %sub3A_170 = arith.subf %dot_general3A_169, %mul3A_163 : vector<1x8xf32>
    %add3A_171 = vector.broadcast %sub3A_170 : vector<1x8xf32> to vector<2048x8xf32>
    %add3A_172 = arith.addf %sub3A_154, %add3A_171 : vector<2048x8xf32>
    %jit3A_173 = arith.constant 0.000000e+00 : f32
    %broadcast_in_dim3A_174 = vector.broadcast %jit3A_173 : f32 to vector<2048x8xf32>
    %select_n3A_175 = arith.select %eq3A_14, %add3A_172, %broadcast_in_dim3A_174 : vector<2048x8xi1>, vector<2048x8xf32>
    %reduce_sum3A_176 = arith.constant dense<0.000000e+00> : vector<2048xf32>
    %reduce_sum3A_177 = vector.multi_reduction <add>, %select_n3A_175, %reduce_sum3A_176 [1] : vector<2048x8xf32> to vector<2048xf32>
    %convert_element_type3A_178 = arith.fptosi %reduce_sum3A_177 : vector<2048xf32> to vector<2048xi32>
    %jit3A_179 = arith.constant 0.000000e+00 : f32
    %broadcast_in_dim3A_180 = vector.broadcast %jit3A_179 : f32 to vector<2048x8xf32>
    %select_n3A_181 = arith.select %eq3A_19, %add3A_172, %broadcast_in_dim3A_180 : vector<2048x8xi1>, vector<2048x8xf32>
    %reduce_sum3A_182 = arith.constant dense<0.000000e+00> : vector<2048xf32>
    %reduce_sum3A_183 = vector.multi_reduction <add>, %select_n3A_181, %reduce_sum3A_182 [1] : vector<2048x8xf32> to vector<2048xf32>
    %convert_element_type3A_184 = arith.fptosi %reduce_sum3A_183 : vector<2048xf32> to vector<2048xi32>
    %reshape3A_185 = vector.shape_cast %convert_element_type3A_178 : vector<2048xi32> to vector<1x2048xi32>
    %swap3A_186 = arith.constant 0 : index
    %swap3A_187 = arith.constant 0 : index
    %swap3A_188 = vector.load %arg3[%swap3A_186, %swap3A_187] : memref<1x2048xi32, #tpu.memory_space<vmem>>, vector<1x2048xi32>
    tpu.vector_store %arg3[%swap3A_186, %swap3A_187], %reshape3A_185 {strides = array<i32>} : memref<1x2048xi32, #tpu.memory_space<vmem>>, vector<1x2048xi32>,
    %reshape3A_189 = vector.shape_cast %convert_element_type3A_184 : vector<2048xi32> to vector<1x2048xi32>
    %swap3A_190 = arith.constant 0 : index
    %swap3A_191 = arith.constant 0 : index
    %swap3A_192 = vector.load %arg4[%swap3A_190, %swap3A_191] : memref<1x2048xi32, #tpu.memory_space<vmem>>, vector<1x2048xi32>
    tpu.vector_store %arg4[%swap3A_190, %swap3A_191], %reshape3A_189 {strides = array<i32>} : memref<1x2048xi32, #tpu.memory_space<vmem>>, vector<1x2048xi32>,
    %iota3A_193 = tpu.iota {dimensions = array<i32: 0>} : vector<23x8xi32>
    %convert_element_type3A_194 = arith.sitofp %iota3A_193 : vector<23x8xi32> to vector<23x8xf32>
    %mul3A_195 = arith.constant 2.560000e+02 : f32
    %mul3A_196 = vector.broadcast %mul3A_195 : f32 to vector<23x8xf32>
    %mul3A_197 = arith.mulf %convert_element_type3A_194, %mul3A_196 : vector<23x8xf32>
    %ge3A = vector.broadcast %dot_general3A_169 : vector<1x8xf32> to vector<23x8xf32>
    %ge3A_198 = arith.cmpf oge, %mul3A_197, %ge3A : vector<23x8xf32>
    %convert_element_type3A_199 = arith.extui %ge3A_198 : vector<23x8xi1> to vector<23x8xi32>
    %reduce_sum3A_200 = arith.constant dense<0> : vector<23xi32>
    %reduce_sum3A_201 = vector.multi_reduction <add>, %convert_element_type3A_199, %reduce_sum3A_200 [1] : vector<23x8xi32> to vector<23xi32>
    %reduce_max3A_202 = vector.shape_cast %dot_general3A_169 : vector<1x8xf32> to vector<1x1x8xf32>
    %reduce_max3A_203 = arith.constant dense<0xFF800000> : vector<1xf32>
    %reduce_max3A_204 = vector.multi_reduction <maximumf>, %reduce_max3A_202, %reduce_max3A_203 [1, 2] : vector<1x1x8xf32> to vector<1xf32>
    %reduce_max3A_205 = vector.shape_cast %reduce_max3A_204 : vector<1xf32> to vector<1x1x1xf32>
    %reduce_max3A_206 = vector.extract %reduce_max3A_205[0, 0, 0] : f32 from vector<1x1x1xf32>
    %slice3A_207 = vector.extract_strided_slice %mul3A_197 {offsets = [0, 0], sizes = [23, 1], strides = [1, 1]} : vector<23x8xf32> to vector<23x1xf32>
    %squeeze3A = vector.shape_cast %slice3A_207 : vector<23x1xf32> to vector<23xf32>
    %lt3A = vector.broadcast %reduce_max3A_206 : f32 to vector<23xf32>
    %lt3A_208 = arith.cmpf olt, %squeeze3A, %lt3A : vector<23xf32>
    %convert_element_type3A_209 = arith.extui %lt3A_208 : vector<23xi1> to vector<23xi32>
    %min3A = arith.constant 7 : i32
    %min3A_210 = vector.broadcast %min3A : i32 to vector<23xi32>
    %min3A_211 = arith.minsi %reduce_sum3A_201, %min3A_210 : vector<23xi32>
    %reshape3A_212 = vector.shape_cast %min3A_211 : vector<23xi32> to vector<1x23xi32>
    %reshape3A_213 = vector.shape_cast %convert_element_type3A_209 : vector<23xi32> to vector<1x23xi32>
    %concatenate3A_214 = tpu.concatenate %reshape3A_212, %reshape3A_213 in 0 : vector<1x23xi32>, vector<1x23xi32> -> vector<2x23xi32>
    %swap3A_215 = arith.constant 0 : index
    %swap3A_216 = arith.constant 0 : index
    %swap3A_217 = vector.load %arg5[%swap3A_215, %swap3A_216] : memref<2x23xi32, #tpu.memory_space<vmem>>, vector<2x23xi32>
    tpu.vector_store %arg5[%swap3A_215, %swap3A_216], %concatenate3A_214 {strides = array<i32>} : memref<2x23xi32, #tpu.memory_space<vmem>>, vector<2x23xi32>,
    return
  }
}

module attributes {stable_mosaic.version = 14 : i64} {
  func.func @_gmm_body(%arg0: i32, %arg1: memref<2x23xi32, #tpu.memory_space<smem>>, %arg2: memref<256x768xf32, #tpu.memory_space<vmem>>, %arg3: memref<1x768x768xbf16, #tpu.memory_space<vmem>>, %arg4: memref<1x1x768xf32, #tpu.memory_space<vmem>>, %arg5: memref<1x768x768xbf16, #tpu.memory_space<vmem>>, %arg6: memref<1x1x768xf32, #tpu.memory_space<vmem>>, %arg7: memref<256x768xf32, #tpu.memory_space<vmem>>) attributes {dimension_semantics = [#tpu.dimension_semantics<arbitrary>], iteration_bounds = array<i64: 23>, scalar_prefetch = 1 : i64, scratch_operands = 0 : i64, tpu.core_type = #tpu.core_type<tc>, window_params = [{transform_indices = @transform_0, window_bounds = array<i64: 256, 768>}, {transform_indices = @transform_1, window_bounds = array<i64: 1, 768, 768>}, {transform_indices = @transform_2, window_bounds = array<i64: 1, 1, 768>}, {transform_indices = @transform_3, window_bounds = array<i64: 1, 768, 768>}, {transform_indices = @transform_4, window_bounds = array<i64: 1, 1, 768>}, {transform_indices = @transform_5, window_bounds = array<i64: 256, 768>}]} {
    %get3A = arith.constant 1 : index
    %get3A_0 = arith.index_cast %arg0 : i32 to index
    %get3A_1 = memref.load %arg1[%get3A, %get3A_0] : memref<2x23xi32, #tpu.memory_space<smem>>
    %eq3A = arith.constant 1 : i32
    %eq3A_2 = arith.cmpi eq, %get3A_1, %eq3A : i32
    %convert_element_type3A = arith.extui %eq3A_2 : i1 to i32
    %cond3A = arith.constant 0 : i32
    %cond3A_3 = arith.cmpi ne, %convert_element_type3A, %cond3A : i32
    scf.if %cond3A_3 {
      %get3A_4 = arith.constant 0 : index
      %get3A_5 = arith.constant 0 : index
      %get3A_6 = vector.load %arg2[%get3A_4, %get3A_5] : memref<256x768xf32, #tpu.memory_space<vmem>>, vector<256x768xf32>
      %convert_element_type3A_7 = arith.truncf %get3A_6 : vector<256x768xf32> to vector<256x768xbf16>
      %get3A_8 = arith.constant 0 : index
      %get3A_9 = arith.constant 0 : index
      %get3A_10 = arith.constant 0 : index
      %get3A_11 = vector.load %arg3[%get3A_8, %get3A_9, %get3A_10] : memref<1x768x768xbf16, #tpu.memory_space<vmem>>, vector<1x768x768xbf16>
      %get3A_12 = vector.shape_cast %get3A_11 : vector<1x768x768xbf16> to vector<768x768xbf16>
      %dot_general3A = arith.constant dense<0.000000e+00> : vector<256x768xf32>
      %dot_general3A_13 = tpu.matmul %convert_element_type3A_7, %get3A_12, %dot_general3A {dimension_numbers = #tpu.dot_dimension_numbers<[1], [0], [0], [1], [0, 0, 1, 1], [], []>, transpose_lhs_hint = false} : vector<256x768xbf16>, vector<768x768xbf16>, vector<256x768xf32> -> vector<256x768xf32>
      %get3A_14 = arith.constant 0 : index
      %get3A_15 = arith.constant 0 : index
      %get3A_16 = arith.constant 0 : index
      %get3A_17 = vector.load %arg4[%get3A_14, %get3A_15, %get3A_16] : memref<1x1x768xf32, #tpu.memory_space<vmem>>, vector<1x1x768xf32>
      %get3A_18 = vector.shape_cast %get3A_17 : vector<1x1x768xf32> to vector<1x768xf32>
      %add3A = vector.broadcast %get3A_18 : vector<1x768xf32> to vector<256x768xf32>
      %add3A_19 = arith.addf %dot_general3A_13, %add3A : vector<256x768xf32>
      %mul3A = arith.constant 5.000000e-01 : f32
      %mul3A_20 = vector.broadcast %mul3A : f32 to vector<256x768xf32>
      %mul3A_21 = arith.mulf %mul3A_20, %add3A_19 : vector<256x768xf32>
      %mul3A_22 = arith.constant 0.707106769 : f32
      %mul3A_23 = vector.broadcast %mul3A_22 : f32 to vector<256x768xf32>
      %mul3A_24 = arith.mulf %add3A_19, %mul3A_23 : vector<256x768xf32>
      %erf3A = math.erf %mul3A_24 : vector<256x768xf32>
      %add3A_25 = arith.constant 1.000000e+00 : f32
      %add3A_26 = vector.broadcast %add3A_25 : f32 to vector<256x768xf32>
      %add3A_27 = arith.addf %add3A_26, %erf3A : vector<256x768xf32>
      %mul3A_28 = arith.mulf %mul3A_21, %add3A_27 : vector<256x768xf32>
      %convert_element_type3A_29 = arith.truncf %mul3A_28 : vector<256x768xf32> to vector<256x768xbf16>
      %get3A_30 = arith.constant 0 : index
      %get3A_31 = arith.constant 0 : index
      %get3A_32 = arith.constant 0 : index
      %get3A_33 = vector.load %arg5[%get3A_30, %get3A_31, %get3A_32] : memref<1x768x768xbf16, #tpu.memory_space<vmem>>, vector<1x768x768xbf16>
      %get3A_34 = vector.shape_cast %get3A_33 : vector<1x768x768xbf16> to vector<768x768xbf16>
      %dot_general3A_35 = arith.constant dense<0.000000e+00> : vector<256x768xf32>
      %dot_general3A_36 = tpu.matmul %convert_element_type3A_29, %get3A_34, %dot_general3A_35 {dimension_numbers = #tpu.dot_dimension_numbers<[1], [0], [0], [1], [0, 0, 1, 1], [], []>, transpose_lhs_hint = false} : vector<256x768xbf16>, vector<768x768xbf16>, vector<256x768xf32> -> vector<256x768xf32>
      %get3A_37 = arith.constant 0 : index
      %get3A_38 = arith.constant 0 : index
      %get3A_39 = arith.constant 0 : index
      %get3A_40 = vector.load %arg6[%get3A_37, %get3A_38, %get3A_39] : memref<1x1x768xf32, #tpu.memory_space<vmem>>, vector<1x1x768xf32>
      %get3A_41 = vector.shape_cast %get3A_40 : vector<1x1x768xf32> to vector<1x768xf32>
      %add3A_42 = vector.broadcast %get3A_41 : vector<1x768xf32> to vector<256x768xf32>
      %add3A_43 = arith.addf %dot_general3A_36, %add3A_42 : vector<256x768xf32>
      %swap3A = arith.constant 0 : index
      %swap3A_44 = arith.constant 0 : index
      %swap3A_45 = vector.load %arg7[%swap3A, %swap3A_44] : memref<256x768xf32, #tpu.memory_space<vmem>>, vector<256x768xf32>
      tpu.vector_store %arg7[%swap3A, %swap3A_44], %add3A_43 {strides = array<i32>} : memref<256x768xf32, #tpu.memory_space<vmem>>, vector<256x768xf32>,
    } else {
    }
    return
  }
  func.func @transform_0(%arg0: i32, %arg1: memref<2x23xi32, #tpu.memory_space<smem>>) -> (i32, i32) {
    %c0_i32 = arith.constant 0 : i32
    %c0_i32_0 = arith.constant 0 : i32
    return %arg0, %c0_i32 : i32, i32
  }
  func.func @transform_1(%arg0: i32, %arg1: memref<2x23xi32, #tpu.memory_space<smem>>) -> (i32, i32, i32) {
    %get3A = arith.constant 0 : index
    %get3A_0 = arith.index_cast %arg0 : i32 to index
    %get3A_1 = memref.load %arg1[%get3A, %get3A_0] : memref<2x23xi32, #tpu.memory_space<smem>>
    %c0_i32 = arith.constant 0 : i32
    %c0_i32_2 = arith.constant 0 : i32
    %c0_i32_3 = arith.constant 0 : i32
    return %get3A_1, %c0_i32, %c0_i32_2 : i32, i32, i32
  }
  func.func @transform_2(%arg0: i32, %arg1: memref<2x23xi32, #tpu.memory_space<smem>>) -> (i32, i32, i32) {
    %get3A = arith.constant 0 : index
    %get3A_0 = arith.index_cast %arg0 : i32 to index
    %get3A_1 = memref.load %arg1[%get3A, %get3A_0] : memref<2x23xi32, #tpu.memory_space<smem>>
    %c0_i32 = arith.constant 0 : i32
    %c0_i32_2 = arith.constant 0 : i32
    %c0_i32_3 = arith.constant 0 : i32
    return %get3A_1, %c0_i32, %c0_i32_2 : i32, i32, i32
  }
  func.func @transform_3(%arg0: i32, %arg1: memref<2x23xi32, #tpu.memory_space<smem>>) -> (i32, i32, i32) {
    %get3A = arith.constant 0 : index
    %get3A_0 = arith.index_cast %arg0 : i32 to index
    %get3A_1 = memref.load %arg1[%get3A, %get3A_0] : memref<2x23xi32, #tpu.memory_space<smem>>
    %c0_i32 = arith.constant 0 : i32
    %c0_i32_2 = arith.constant 0 : i32
    %c0_i32_3 = arith.constant 0 : i32
    return %get3A_1, %c0_i32, %c0_i32_2 : i32, i32, i32
  }
  func.func @transform_4(%arg0: i32, %arg1: memref<2x23xi32, #tpu.memory_space<smem>>) -> (i32, i32, i32) {
    %get3A = arith.constant 0 : index
    %get3A_0 = arith.index_cast %arg0 : i32 to index
    %get3A_1 = memref.load %arg1[%get3A, %get3A_0] : memref<2x23xi32, #tpu.memory_space<smem>>
    %c0_i32 = arith.constant 0 : i32
    %c0_i32_2 = arith.constant 0 : i32
    %c0_i32_3 = arith.constant 0 : i32
    return %get3A_1, %c0_i32, %c0_i32_2 : i32, i32, i32
  }
  func.func @transform_5(%arg0: i32, %arg1: memref<2x23xi32, #tpu.memory_space<smem>>) -> (i32, i32) {
    %c0_i32 = arith.constant 0 : i32
    %c0_i32_0 = arith.constant 0 : i32
    return %arg0, %c0_i32 : i32, i32
  }
}

module attributes {stable_mosaic.version = 14 : i64} {
  func.func @_final_body(%arg0: i32, %arg1: memref<256x768xf32, #tpu.memory_space<vmem>>, %arg2: memref<256x768xf32, #tpu.memory_space<vmem>>, %arg3: memref<256x768xf32, #tpu.memory_space<vmem>>, %arg4: memref<256x2xf32, #tpu.memory_space<vmem>>, %arg5: memref<1x768xf32, #tpu.memory_space<vmem>>, %arg6: memref<256x768xf32, #tpu.memory_space<vmem>>) attributes {dimension_semantics = [#tpu.dimension_semantics<arbitrary>], iteration_bounds = array<i64: 8>, scalar_prefetch = 0 : i64, scratch_operands = 0 : i64, tpu.core_type = #tpu.core_type<tc>, window_params = [{transform_indices = @transform_0, window_bounds = array<i64: 256, 768>}, {transform_indices = @transform_1, window_bounds = array<i64: 256, 768>}, {transform_indices = @transform_2, window_bounds = array<i64: 256, 768>}, {transform_indices = @transform_3, window_bounds = array<i64: 256, 2>}, {pipeline_mode = #tpu.pipeline_mode<synchronous>, transform_indices = @transform_4, window_bounds = array<i64: 1, 768>}, {transform_indices = @transform_5, window_bounds = array<i64: 256, 768>}]} {
    %get3A = arith.constant 0 : index
    %get3A_0 = arith.constant 0 : index
    %get3A_1 = vector.load %arg4[%get3A, %get3A_0] : memref<256x2xf32, #tpu.memory_space<vmem>>, vector<256x1xf32>
    %get3A_2 = vector.shape_cast %get3A_1 : vector<256x1xf32> to vector<256xf32>
    %broadcast_in_dim3A = vector.shape_cast %get3A_2 : vector<256xf32> to vector<256x1xf32>
    %get3A_3 = arith.constant 0 : index
    %get3A_4 = arith.constant 1 : index
    %get3A_5 = vector.load %arg4[%get3A_3, %get3A_4] : memref<256x2xf32, #tpu.memory_space<vmem>>, vector<256x1xf32>
    %get3A_6 = vector.shape_cast %get3A_5 : vector<256x1xf32> to vector<256xf32>
    %broadcast_in_dim3A_7 = vector.shape_cast %get3A_6 : vector<256xf32> to vector<256x1xf32>
    %get3A_8 = arith.constant 0 : index
    %get3A_9 = arith.constant 0 : index
    %get3A_10 = vector.load %arg1[%get3A_8, %get3A_9] : memref<256x768xf32, #tpu.memory_space<vmem>>, vector<256x768xf32>
    %get3A_11 = arith.constant 0 : index
    %get3A_12 = arith.constant 0 : index
    %get3A_13 = vector.load %arg2[%get3A_11, %get3A_12] : memref<256x768xf32, #tpu.memory_space<vmem>>, vector<256x768xf32>
    %mul3A = vector.broadcast %broadcast_in_dim3A : vector<256x1xf32> to vector<256x768xf32>
    %mul3A_14 = arith.mulf %mul3A, %get3A_13 : vector<256x768xf32>
    %add3A = arith.addf %get3A_10, %mul3A_14 : vector<256x768xf32>
    %get3A_15 = arith.constant 0 : index
    %get3A_16 = arith.constant 0 : index
    %get3A_17 = vector.load %arg3[%get3A_15, %get3A_16] : memref<256x768xf32, #tpu.memory_space<vmem>>, vector<256x768xf32>
    %mul3A_18 = vector.broadcast %broadcast_in_dim3A_7 : vector<256x1xf32> to vector<256x768xf32>
    %mul3A_19 = arith.mulf %mul3A_18, %get3A_17 : vector<256x768xf32>
    %add3A_20 = arith.addf %add3A, %mul3A_19 : vector<256x768xf32>
    %mul3A_21 = arith.mulf %add3A_20, %add3A_20 : vector<256x768xf32>
    %reduce_sum3A = arith.constant dense<0.000000e+00> : vector<256xf32>
    %reduce_sum3A_22 = vector.multi_reduction <add>, %mul3A_21, %reduce_sum3A [1] : vector<256x768xf32> to vector<256xf32>
    %broadcast_in_dim3A_23 = vector.shape_cast %reduce_sum3A_22 : vector<256xf32> to vector<256x1xf32>
    %sqrt3A = math.sqrt %broadcast_in_dim3A_23 : vector<256x1xf32>
    %max3A = arith.constant 9.99999996E-13 : f32
    %max3A_24 = vector.broadcast %max3A : f32 to vector<256x1xf32>
    %max3A_25 = arith.maximumf %sqrt3A, %max3A_24 : vector<256x1xf32>
    %div3A = vector.broadcast %max3A_25 : vector<256x1xf32> to vector<256x768xf32>
    %div3A_26 = arith.divf %add3A_20, %div3A : vector<256x768xf32>
    %get3A_27 = arith.constant 0 : index
    %get3A_28 = arith.constant 0 : index
    %get3A_29 = vector.load %arg5[%get3A_27, %get3A_28] : memref<1x768xf32, #tpu.memory_space<vmem>>, vector<1x768xf32>
    %mul3A_30 = vector.broadcast %get3A_29 : vector<1x768xf32> to vector<256x768xf32>
    %mul3A_31 = arith.mulf %div3A_26, %mul3A_30 : vector<256x768xf32>
    %mul3A_32 = arith.constant 27.7128124 : f32
    %mul3A_33 = vector.broadcast %mul3A_32 : f32 to vector<256x768xf32>
    %mul3A_34 = arith.mulf %mul3A_31, %mul3A_33 : vector<256x768xf32>
    %mul3A_35 = arith.constant 5.000000e-01 : f32
    %mul3A_36 = vector.broadcast %mul3A_35 : f32 to vector<256x768xf32>
    %mul3A_37 = arith.mulf %mul3A_36, %mul3A_34 : vector<256x768xf32>
    %mul3A_38 = arith.constant 0.707106769 : f32
    %mul3A_39 = vector.broadcast %mul3A_38 : f32 to vector<256x768xf32>
    %mul3A_40 = arith.mulf %mul3A_34, %mul3A_39 : vector<256x768xf32>
    %erf3A = math.erf %mul3A_40 : vector<256x768xf32>
    %add3A_41 = arith.constant 1.000000e+00 : f32
    %add3A_42 = vector.broadcast %add3A_41 : f32 to vector<256x768xf32>
    %add3A_43 = arith.addf %add3A_42, %erf3A : vector<256x768xf32>
    %mul3A_44 = arith.mulf %mul3A_37, %add3A_43 : vector<256x768xf32>
    %swap3A = arith.constant 0 : index
    %swap3A_45 = arith.constant 0 : index
    %swap3A_46 = vector.load %arg6[%swap3A, %swap3A_45] : memref<256x768xf32, #tpu.memory_space<vmem>>, vector<256x768xf32>
    tpu.vector_store %arg6[%swap3A, %swap3A_45], %mul3A_44 {strides = array<i32>} : memref<256x768xf32, #tpu.memory_space<vmem>>, vector<256x768xf32>,
    return
  }
  func.func @transform_0(%arg0: i32) -> (i32, i32) {
    %c0_i32 = arith.constant 0 : i32
    %c0_i32_0 = arith.constant 0 : i32
    return %arg0, %c0_i32 : i32, i32
  }
  func.func @transform_1(%arg0: i32) -> (i32, i32) {
    %c0_i32 = arith.constant 0 : i32
    %c0_i32_0 = arith.constant 0 : i32
    return %arg0, %c0_i32 : i32, i32
  }
  func.func @transform_2(%arg0: i32) -> (i32, i32) {
    %c0_i32 = arith.constant 0 : i32
    %c0_i32_0 = arith.constant 0 : i32
    return %arg0, %c0_i32 : i32, i32
  }
  func.func @transform_3(%arg0: i32) -> (i32, i32) {
    %c0_i32 = arith.constant 0 : i32
    %c0_i32_0 = arith.constant 0 : i32
    return %arg0, %c0_i32 : i32, i32
  }
  func.func @transform_4(%arg0: i32) -> (i32, i32) {
    %c0_i32 = arith.constant 0 : i32
    %c0_i32_0 = arith.constant 0 : i32
    %c0_i32_1 = arith.constant 0 : i32
    return %c0_i32, %c0_i32_0 : i32, i32
  }
  func.func @transform_5(%arg0: i32) -> (i32, i32) {
    %c0_i32 = arith.constant 0 : i32
    %c0_i32_0 = arith.constant 0 : i32
    return %arg0, %c0_i32 : i32, i32
  }
}

</mosaic_0001>

<sc_bundles>
// kernel: kernel.11.cloned.1.call-start
scs
__scs_entry_jumppad:
0x0: {  	(pc) =	sbr.rel $0x88, $3  }
0x1: {  	(tag) =	ssettag $0x0;
	lr =	simm.s32 $0x1  }
0x2: {  	[smem:$0x3F9A] =	sst lr;
	_ =	strace $0xD0000000  }
0x3: {  	_ = 	snop  }
0x4: {  	_ = 	snop  }
0x5: {  	_ = 	snop  }
0x6: {  	_ = 	snop  }
0x7: {  	_ = 	snop  }
__scs_overlays_trampoline_lowered:
0x8: {  	[smem:$0x3FA9] =	sst s0  }
0x9: {  	[smem:$0x3FAA] =	sst s1  }
0xa: {  	[smem:$0x3FAB] =	sst s2  }
0xb: {  	[smem:$0x3FAC] =	sst s3  }
0xc: {  	[smem:$0x3FAD] =	sst s4  }
0xd: {  	[smem:$0x3FAE] =	sst s5  }
0xe: {  	[smem:$0x3FAF] =	sst s6  }
0xf: {  	[smem:$0x3FB0] =	sst s7  }
0x10: {  	[smem:$0x3FB1] =	sst s8  }
0x11: {  	[smem:$0x3FB2] =	sst s9;
	s0 =	simm.s32 @!p0 $0x0  }
0x12: {  	s1 =	sld [smem:$0x3F98];
	s0 =	simm.s32 @p0 $0x1  }
0x13: {  	[smem:$0x3FB3] =	sst s0;
	s0 =	simm.s32 @!p1 $0x0  }
0x14: {  	s2 =	sld [smem:$0x3F97];
	s0 =	simm.s32 @p1 $0x1  }
0x15: {  	[smem:$0x3FB4] =	sst s0;
	s0 =	simm.s32 @!p2 $0x0  }
0x16: {  	s3 =	sld [smem:$0x3FDB];
	s0 =	simm.s32 @p2 $0x1  }
0x17: {  	s4 =	simm.s32 $0x1BF5;
	[smem:$0x3FB6] =	sst s0  }
0x18: {  	s0 =	sld [smem:$0x3F99];
	_ =	swait.ge [sflag:s4], $0x0  }
0x19: {  	s7 =	sld [smem:$0x3F9A]  }
0x1a: {  	s8 =	sadd.s32 $0xFFFFE003, lr  }
0x1b: {  	s9 =	sadd.s32 $0xFFFFFEF7, lr;
	s5 =	simm.s32 $0xFFFFFFFF;
	p2 =	slt.u32 s8, $0xFFFFF086  }
0x1c: {  	p1 =	slt.u32 s9, $0xF7A;
	s5 =	simm.s32 @!p2 $0x0  }
0x1d: {  	s5 =	simm.s32 @p1 $0x1;
	p0 =	seq.s32 s7, s2  }
0x1e: {  	s7 =	smul.u32 @!p0 $0xF7A, s2;
	p2 =	seq.s32 @!p0 s5, $0x0  }
0x1f: {  	s9 =	smul.u32 $0xF7A, s1;
	s8 =	simm.s32 @!p0 $0x1BF5;
	p2 =	por !p2, p0  }
0x20: {  	[sflag:s8] =	ssyncset.s32 @!p0 $0xFFFFF086;
	s6 =	sadd.s32 @!p0 s3, s7;
	s7 =	simm.s32 @!p0 $0x108  }
0x21: {  	s3 =	sadd.s32 s3, s9;
	s6 =	sadd.s32 @!p0 $0x88, s6;
	s7 =	simm.s32 @p2 $0x1082  }
0x22: {  	[simem:s7], [sflag:s8] =	dma.local @!p0 [hbm:s6], $0xF7A  }
0x23: {  	s9 =	sor.u32 $0xD0000000, s2;
	s6 =	simm.s32 $0x108;
	_ =	swait.ge @!p0 [sflag:s8], $0x0  }
0x24: {  	s3 =	sadd.s32 $0x88, s3;
	s6 =	simm.s32 @!p1 $0x1082;
	[sflag:s4] =	ssyncset.s32 $0xFFFFF086  }
0x25: {  	[simem:s6], [sflag:s4] =	dma.local [hbm:s3], $0xF7A  }
0x26: {  	[smem:$0x3F9A] =	sst s1;
	(tag) =	ssettag s2;
	_ =	strace s9  }
0x27: {  	s1 =	sld [smem:$0x3FAA]  }
0x28: {  	s2 =	sld [smem:$0x3FAB]  }
0x29: {  	s4 =	sld [smem:$0x3FAD]  }
0x2a: {  	p0 =	seq.s32 s5, $0x0;
	s5 =	sld [smem:$0x3FAE]  }
0x2b: {  	s6 =	sld [smem:$0x3FAF]  }
0x2c: {  	s7 =	sld [smem:$0x3FB0]  }
0x2d: {  	s3 =	simm.s32 $0x108;
	s8 =	sld [smem:$0x3FB1]  }
0x2e: {  	s3 =	simm.s32 @!p0 $0x1082;
	s9 =	sld [smem:$0x3FB2]  }
0x2f: {  	lr =	sadd.s32 s0, s3;
	s0 =	sld [smem:$0x3FA9]  }
0x30: {  	s3 =	sld [smem:$0x3FAC]  }
0x31: {  	[smem:$0x3FB5] =	sst s10  }
0x32: {  	s10 =	sld [smem:$0x3FB3];
	_ =	sdelay $0x3  }
0x33: {  	p0 =	seq.s32 s10, $0x1;
	s10 =	sld [smem:$0x3FB5];
	_ =	sdelay $0x3  }
0x34: {  	[smem:$0x3FB5] =	sst s10  }
0x35: {  	s10 =	sld [smem:$0x3FB4];
	_ =	sdelay $0x3  }
0x36: {  	p1 =	seq.s32 s10, $0x1;
	s10 =	sld [smem:$0x3FB5];
	_ =	sdelay $0x3  }
0x37: {  	[smem:$0x3FB5] =	sst s10  }
0x38: {  	s10 =	sld [smem:$0x3FB6]  }
0x39: {  	_ = 	snop;
	(pc) =	sbr.ind lr, $3  }
0x3a: {  	_ = 	snop  }
0x3b: {  	_ = 	snop  }
0x3c: {  	p2 =	seq.s32 s10, $0x1;
	s10 =	sld [smem:$0x3FB5]  }
0x3d: {  	_ =	shalt  }
0x3e: {  	_ =	shalt  }
0x3f: {  	_ =	shalt  }
0x40: {  	_ =	shalt  }
0x41: {  	_ =	shalt  }
0x42: {  	_ =	shalt  }
0x43: {  	_ =	shalt  }
0x44: {  	_ =	shalt  }
0x45: {  	_ =	shalt  }
0x46: {  	_ =	shalt  }
0x47: {  	_ =	shalt  }
0x48: {  	_ =	shalt  }
0x49: {  	_ =	shalt  }
0x4a: {  	_ =	shalt  }
0x4b: {  	_ =	shalt  }
0x4c: {  	_ =	shalt  }
0x4d: {  	_ =	shalt  }
0x4e: {  	_ =	shalt  }
0x4f: {  	_ =	shalt  }
0x50: {  	_ =	shalt  }
0x51: {  	_ =	shalt  }
0x52: {  	_ =	shalt  }
0x53: {  	_ =	shalt  }
0x54: {  	_ =	shalt  }
0x55: {  	_ =	shalt  }
0x56: {  	_ =	shalt  }
0x57: {  	_ =	shalt  }
0x58: {  	_ =	shalt  }
0x59: {  	_ =	shalt  }
0x5a: {  	_ =	shalt  }
0x5b: {  	_ =	shalt  }
0x5c: {  	_ =	shalt  }
0x5d: {  	_ =	shalt  }
0x5e: {  	_ =	shalt  }
0x5f: {  	_ =	shalt  }
0x60: {  	_ =	shalt  }
0x61: {  	_ =	shalt  }
0x62: {  	_ =	shalt  }
0x63: {  	_ =	shalt  }
0x64: {  	_ =	shalt  }
0x65: {  	_ =	shalt  }
0x66: {  	_ =	shalt  }
0x67: {  	_ =	shalt  }
0x68: {  	_ =	shalt  }
0x69: {  	_ =	shalt  }
0x6a: {  	_ =	shalt  }
0x6b: {  	_ =	shalt  }
0x6c: {  	_ =	shalt  }
0x6d: {  	_ =	shalt  }
0x6e: {  	_ =	shalt  }
0x6f: {  	_ =	shalt  }
0x70: {  	_ =	shalt  }
0x71: {  	_ =	shalt  }
0x72: {  	_ =	shalt  }
0x73: {  	_ =	shalt  }
0x74: {  	_ =	shalt  }
0x75: {  	_ =	shalt  }
0x76: {  	_ =	shalt  }
0x77: {  	_ =	shalt  }
0x78: {  	_ =	shalt  }
0x79: {  	_ =	shalt  }
0x7a: {  	_ =	shalt  }
0x7b: {  	_ =	shalt  }
0x7c: {  	_ =	shalt  }
0x7d: {  	_ =	shalt  }
0x7e: {  	_ =	shalt  }
0x7f: {  	_ =	shalt  }
0x80: {  	_ =	shalt  }
0x81: {  	_ =	shalt  }
0x82: {  	_ =	shalt  }
0x83: {  	_ =	shalt  }
0x84: {  	_ =	shalt  }
0x85: {  	_ =	shalt  }
0x86: {  	_ =	shalt  }
0x87: {  	_ =	shalt  }
.Lfunc_end0:
.L_simem_size_0:
called_computation.1_lowered:
.L_overlay_start_0:
0x88: {  	s2 =	sld [smem:$0x3FD9]  }
0x89: {  	s3 =	sld [smem:$0x3FFE];
	_ =	sdelay $0x1  }
0x8a: {  	s1 =	srdreg.scid  }
0x8b: {  	s0 =	sand.u32 $0x1, s1  }
0x8c: {  	s15 =	sshll.u32 s0, $0xA;
	s2 =	sadd.s32 s3, s2  }
0x8d: {  	s2 =	sadd.s32 s2, s15  }
0x8e: {  	[smem:$0x3FC1] =	sst s2  }
0x8f: {  	_ = 	snop  }
0x90: {  	s2 =	sld [smem:$0x3FD0];
	_ =	sdelay $0x2  }
0x91: {  	s16 =	simm.s32 $0xB;
	s4 =	simm.s32 $0x10  }
0x92: {  	[smem:s4], [sflag:s16] =	dma.local [hbm:s2], $0x1  }
0x93: {  	_ =	swait.eq [sflag:s16], $0x1  }
0x94: {  	[sflag:s16] =	ssyncset.done $0x0  }
0x95: {  	[sflag:s16] =	ssyncadd.s32 $0xFFFFFFFF  }
0x96: {  	s17 =	sld [smem:$0x10];
	(tm) =	ssettm $0x1  }
0x97: {  	s18 =	sld [smem:$0x3FFB];
	_ =	sdelay $0x3  }
0x98: {  	_ =	strace s18  }
0x99: {  	s2 =	sld [smem:$0x3FFC];
	_ =	sdelay $0x3  }
0x9a: {  	_ =	strace s2  }
0x9b: {  	s2 =	sld [smem:$0x3FFD];
	_ =	sdelay $0x3  }
0x9c: {  	_ =	strace s2  }
0x9d: {  	_ =	strace $0x8FFFFFFF  }
0x9e: {  	s19 =	sld [smem:$0x3FDB];
	_ =	sdelay $0x1  }
0x9f: {  	s20 =	simm.s32 $_scs_section_size  }
0xa0: {  	s5 =	simm.s32 $_size__tile_overlayer_lowered;
	s6 =	simm.s32 $_tile_overlayer_lowered  }
0xa1: {  	s7 =	simm.s32 $0x1BFF;
	s21 =	sshll.u32 s6, $0x1;
	s4 =	sadd.s32 s20, s19  }
0xa2: {  	s22 =	simm.s32 $0x0;
	s5 =	sshll.u32 s5, $0x1;
	s6 =	sadd.s32 s21, s4  }
0xa3: {  	[timem:s22], [sflag:s7] =	dma.local [hbm:s6], s5  }
0xa4: {  	_ =	swait.ge [sflag:s7], s5  }
0xa5: {  	s5 =	ssub.s32 $0x0, s5;
	[sflag:s7] =	ssyncset.done $0x0  }
0xa6: {  	[sflag:s7] =	ssyncadd.s32 s5;
	_ =	sdelay $0x1  }
0xa7: {  	s23 =	simm.s32 $0x1B8B  }
0xa8: {  	_ =	swait.ge [sflag:s23], $0x1  }
0xa9: {  	[sflag:s23] =	ssyncset.done $0x0  }
0xaa: {  	[sflag:s23] =	ssyncadd.s32 $0xFFFFFFFF  }
0xab: {  	s5 =	sld [smem:$0x0]  }
0xac: {  	s6 =	sand.u32 $0xFFFFFFFE, s1  }
0xad: {  	p0 =	sne.s32 s1, s6  }
0xae: {  	s6 =	sshll.u32 @p0 s6, $0xE  }
0xaf: {  	s6 =	sadd.s32 @p0 $0x11B8D, s6;
	s7 =	sshll.u32 @p0 s5, $0x11  }
0xb0: {  	s6 =	sor.u32 @p0 s7, s6  }
0xb1: {  	[sflag:s6] =	ssyncadd.remote.s32 @p0 $0x1;
	_ =	sdelay $0x1  }
0xb2: {  	s6 =	simm.s32 @p0 $0x1B8D  }
0xb3: {  	_ =	swait.eq @p0 [sflag:s6], $0x1  }
0xb4: {  	[sflag:s6] =	ssyncadd.s32 @p0 $0xFFFFFFFF  }
0xb5: {  	s7 =	sshll.u32 @!p0 s1, $0xE  }
0xb6: {  	s7 =	sor.u32 @!p0 $0x4000, s7;
	s6 =	simm.s32 @!p0 $0x1B8D  }
0xb7: {  	s5 =	sshll.u32 @!p0 s5, $0x11;
	s7 =	sadd.s32 @!p0 $0x11B8D, s7;
	_ =	swait.eq @!p0 [sflag:s6], $0x1  }
0xb8: {  	s5 =	sor.u32 @!p0 s5, s7;
	[sflag:s6] =	ssyncadd.s32 @!p0 $0xFFFFFFFF  }
0xb9: {  	s25 =	simm.s32 $0x1B8E;
	s24 =	sld [smem:$0x3FFE];
	[sflag:s5] =	ssyncadd.remote.s32 @!p0 $0x1  }
0xba: {  	s26 =	simm.s32 $execute0_lowered;
	[smem:$0x3FD2] =	sst s25  }
0xbb: {  	s6 =	sshll.u32 s26, $0x1;
	_ =	strace $0x80000056;
	[dreg:$0x1] =	wrdreg $0xFFFFFFFF  }
0xbc: {  	s28 =	simm.s32 $_size_execute0_lowered;
	s4 =	sadd.s32 s4, s6;
	[dreg:$0x0] =	wrdreg $0x0  }
0xbd: {  	s6 =	sshll.u32 s28, $0x1;
	[dreg:$0x2] =	wrdreg s4  }
0xbe: {  	[dreg:$0x3] =	wrdreg s6  }
0xbf: {  	[dreg:$0x4] =	wrdreg $0xC0  }
0xc0: {  	_ =	task [dreg:s22], $0x5FFFF  }
0xc1: {  	[dreg:$0x1] =	wrdreg $0xFFFFFFFF  }
0xc2: {  	[dreg:$0x0] =	wrdreg $0x60  }
0xc3: {  	[dreg:$0x2] =	wrdreg s24  }
0xc4: {  	[dreg:$0x3] =	wrdreg s17  }
0xc5: {  	[dreg:$0x4] =	wrdreg $0x9  }
0xc6: {  	_ =	task.clear_ibuf [dreg:s22], $0x5FFFF;
	_ =	strace $0x90000056  }
0xc7: {  	s29 =	simm.s32 $0x9;
	_ =	strace $0x8000005D  }
0xc8: {  	_ =	swait.ge [sflag:s29], $0x1  }
0xc9: {  	[sflag:s29] =	ssyncadd.s32 $0xFFFFFFFF  }
0xca: {  	_ =	strace $0x9000005D  }
0xcb: {  	_ =	sfence  }
0xcc: {  	s30 =	sld [smem:$0x0];
	_ =	sdelay $0x2  }
0xcd: {  	s31 =	sshll.u32 s1, $0xD;
	s1 =	sshrl.u32 s1, $0x2  }
0xce: {  	s4 =	sand.u32 $0x4000, s31;
	s1 =	sadd.s32 s1, s30  }
0xcf: {  	s0 =	sor.u32 s4, s0;
	s1 =	sshll.u32 s1, $0x11  }
0xd0: {  	s0 =	sor.u32 s1, s0  }
0xd1: {  	s0 =	sadd.s32 $0x8F2B, s0  }
0xd2: {  	[sflag:s0] =	ssyncadd.remote.s32 $0x1  }
0xd3: {  	_ =	sfence.sel $0xFFFF  }
0xd4: {  	[dreg:$0x0] =	wrdreg $0xFFFFFFFF;
	(pc) =	sbr.abs _section_cstart, $3  }
0xd5: {  	[dreg:$0x1] =	wrdreg $0xFFFFFFFF  }
0xd6: {  	_ =	task.clear_ibuf [dreg:s22], $0x2FFFF;
	_ =	strace $0x9FFFFFFF  }
0xd7: {  	(tm) =	ssettm $0x7FFFFFFF  }
tec
execute0_lowered:
.L_overlay_start_1:
0x0: {  	(tag) =	ssettag $0x1  }
0x1: {  	s1 =	srdreg.scid  }
0x2: {  	s4 =	rddreg [dreg:$0x0];
	s0 =	stileid.u32  }
0x3: {  	s3 =	rddreg [dreg:$0x1];
	s2 =	simm.s32 $0x0;
	s17 =	simm.s32 $0x900  }
0x4: {  	s18 =	simm.s32 $0xD00;
	s19 =	simm.s32 $0x1500;
	s20 =	simm.s32 $0x1900  }
0x5: {  	s21 =	simm.s32 $0x2100;
	s23 =	simm.s32 $0x2500;
	s24 =	simm.s32 $0x2D00  }
0x6: {  	s25 =	simm.s32 $0x3100;
	s26 =	simm.s32 $0x3900;
	[smem:$0x7FF] =	sst s2  }
0x7: {  	s7 =	simm.s32 $0x100;
	_ =	strace $0x80000057;
	[dreg:$0x5] =	wrdreg s17  }
0x8: {  	s9 =	simm.s32 $0x4500;
	s10 =	simm.s32 $0x4900;
	[dreg:$0x6] =	wrdreg s18  }
0x9: {  	s11 =	simm.s32 $0x5100;
	s12 =	simm.s32 $0x5500;
	[dreg:$0x7] =	wrdreg s19  }
0xa: {  	s13 =	simm.s32 $0x5D00;
	s14 =	simm.s32 $0x6100;
	[dreg:$0x8] =	wrdreg s20  }
0xb: {  	s15 =	simm.s32 $0x6900;
	s16 =	simm.s32 $0x6D00;
	[dreg:$0x9] =	wrdreg s21  }
0xc: {  	s28 =	simm.s32 $0xB100;
	s29 =	simm.s32 $0xB500;
	[dreg:$0xa] =	wrdreg s23  }
0xd: {  	s30 =	simm.s32 $0xBD00;
	s31 =	simm.s32 $0x5;
	[dreg:$0xb] =	wrdreg s24  }
0xe: {  	s1 =	sand.u32 $0x1, s1;
	s6 =	sshll.u32 s0, $0x4;
	[dreg:$0xc] =	wrdreg s25  }
0xf: {  	s5 =	sshll.u32 s1, $0x8;
	s1 =	ssub.s32 $0x2, s1;
	[dreg:$0xd] =	wrdreg s26  }
0x10: {  	s17 =	simm.s32 $0x7500;
	s18 =	simm.s32 $0x7900;
	s19 =	simm.s32 $0x8100  }
0x11: {  	s20 =	simm.s32 $0x8500;
	s21 =	simm.s32 $0x8D00;
	s23 =	simm.s32 $0x9900  }
0x12: {  	s24 =	simm.s32 $0x9D00;
	s25 =	simm.s32 $0xA500;
	s5 =	sor.u32 s6, s5  }
0x13: {  	s22 =	sshrl.u32 s1, $0x1;
	s6 =	sadd.s32 s5, s4;
	s5 =	smul.u32 $0x180, s5  }
0x14: {  	s26 =	simm.s32 $0xA900;
	s1 =	ssub.s32 s1, s22;
	s6 =	sadd.s32 $0x1E00, s6  }
0x15: {  	v2 =	vlaneseq.u32;
	s22 =	simm.s32 $0x9100;
	[dreg:$0x3] =	wrdreg s6;
	s3 =	sadd.s32 s3, s5  }
0x16: {  	vm0 =	vmmov $0xffff;
	vm1 =	vmmov $0xff;
	v1 =	vshrl.u32 v2, $0x3;
	s5 =	smax.u32 s1, $0x1;
	s6 =	simm.s32 $0x1;
	s1 =	simm.s32 $0x3  }
0x17: {  	v0 =	vand.u32 $0x7, v2;
	v2 =	vor.u32 $0x8, v2;
	v1 =	vmul.u32 $0x8, v1;
	[dreg:$0x4] =	wrdreg s3;
	s3 =	sadd.s32 $0x8C200, s4;
	s4 =	sadd.s32 $0x8C300, s4  }
.LBB2_1:
0x18: {  	_ =	strace $0x80000058  }
0x19: {  	s0 =	rddreg [dreg:$0x3]  }
0x1a: {  	[tilespmem:s2], [sflag:$0x1] =	stream.linear.gather [hbm4b:s0+s2], $0x80, $0x200038;
	[tilespmem:$0x18100] =	vst v63  }
0x1b: {  	_ =	strace $0x90000058  }
0x1c: {  	_ =	strace $0x80000059  }
0x1d: {  	_ =	swait.ge [sflag:s6], $0x80  }
0x1e: {  	[sflag:s6] =	ssyncset.done $0x0  }
0x1f: {  	[sflag:s6] =	ssyncadd.s32 $0xFFFFFF80  }
0x20: {  	_ =	strace $0x90000059  }
0x21: {  	_ =	strace $0x8000005A  }
0x22: {  	v3 =	vld [tilespmem:$0x0];
	_ =	sdelay $0x4  }
0x23: {  	v4 =	vshrl.u32 v3, $0x3  }
0x24: {  	v4 =	vmul.u32 $0x18, v4  }
0x25: {  	v3 =	vand.u32 $0x7, v3  }
0x26: {  	v3 =	vor.u32 v3, v4  }
0x27: {  	v4 =	vperm.xlane v3, v0;
	_ =	sdelay $0x1  }
0x28: {  	v4 =	vadd.s32 v1, v4;
	_ =	sdelay $0x1  }
0x29: {  	v3 =	vperm.xlane v3, v2;
	_ =	sdelay $0x1  }
0x2a: {  	v3 =	vadd.s32 v1, v3  }
0x2b: {  	[tilespmem:s7], [sflag:$0x5] =	stream.indirect_vreg.gather [hbm4b:s3+s2], $0x80, v4, vm0, $0x2000b8;
	[tilespmem:$0x18100] =	vst v63  }
0x2c: {  	s0 =	rddreg [dreg:$0x5]  }
0x2d: {  	[tilespmem:s0], [sflag:$0x5] =	stream.indirect_vreg.gather [hbm4b:s4+s2], $0x80, v4, vm1, $0x2000b8;
	[tilespmem:$0x18100] =	vst v63  }
0x2e: {  	s8 =	rddreg [dreg:$0x6]  }
0x2f: {  	[tilespmem:s8], [sflag:$0x5] =	stream.indirect_vreg.gather [hbm4b:s3+s2], $0x80, v3, vm0, $0x2000b8;
	[tilespmem:$0x18100] =	vst v63  }
0x30: {  	s0 =	rddreg [dreg:$0x7]  }
0x31: {  	[tilespmem:s0], [sflag:$0x5] =	stream.indirect_vreg.gather [hbm4b:s4+s2], $0x80, v3, vm1, $0x2000b8;
	[tilespmem:$0x18100] =	vst v63  }
0x32: {  	v3 =	vld [tilespmem:$0x10];
	_ =	sdelay $0x4  }
0x33: {  	v57 =	vshrl.u32 v3, $0x3  }
0x34: {  	v4 =	vmul.u32 $0x18, v57  }
0x35: {  	v3 =	vand.u32 $0x7, v3  }
0x36: {  	v3 =	vor.u32 v3, v4  }
0x37: {  	v4 =	vperm.xlane v3, v0;
	_ =	sdelay $0x1  }
0x38: {  	v4 =	vadd.s32 v1, v4;
	_ =	sdelay $0x1  }
0x39: {  	v3 =	vperm.xlane v3, v2;
	_ =	sdelay $0x1  }
0x3a: {  	s0 =	rddreg [dreg:$0x8];
	v3 =	vadd.s32 v1, v3  }
0x3b: {  	[tilespmem:s0], [sflag:$0x5] =	stream.indirect_vreg.gather [hbm4b:s3+s2], $0x80, v4, vm0, $0x2000b8;
	[tilespmem:$0x18100] =	vst v63  }
0x3c: {  	s8 =	rddreg [dreg:$0x9]  }
0x3d: {  	[tilespmem:s8], [sflag:$0x5] =	stream.indirect_vreg.gather [hbm4b:s4+s2], $0x80, v4, vm1, $0x2000b8;
	[tilespmem:$0x18100] =	vst v63  }
0x3e: {  	s0 =	rddreg [dreg:$0xa]  }
0x3f: {  	[tilespmem:s0], [sflag:$0x5] =	stream.indirect_vreg.gather [hbm4b:s3+s2], $0x80, v3, vm0, $0x2000b8;
	[tilespmem:$0x18100] =	vst v63  }
0x40: {  	s8 =	rddreg [dreg:$0xb]  }
0x41: {  	[tilespmem:s8], [sflag:$0x5] =	stream.indirect_vreg.gather [hbm4b:s4+s2], $0x80, v3, vm1, $0x2000b8;
	[tilespmem:$0x18100] =	vst v63  }
0x42: {  	v3 =	vld [tilespmem:$0x20];
	_ =	sdelay $0x4  }
0x43: {  	v58 =	vshrl.u32 v3, $0x3  }
0x44: {  	v4 =	vmul.u32 $0x18, v58  }
0x45: {  	v3 =	vand.u32 $0x7, v3  }
0x46: {  	v3 =	vor.u32 v3, v4  }
0x47: {  	v4 =	vperm.xlane v3, v0;
	_ =	sdelay $0x1  }
0x48: {  	v4 =	vadd.s32 v1, v4;
	_ =	sdelay $0x1  }
0x49: {  	v3 =	vperm.xlane v3, v2;
	_ =	sdelay $0x1  }
0x4a: {  	s0 =	rddreg [dreg:$0xc];
	v3 =	vadd.s32 v1, v3  }
0x4b: {  	[tilespmem:s0], [sflag:$0x5] =	stream.indirect_vreg.gather [hbm4b:s3+s2], $0x80, v4, vm0, $0x2000b8;
	[tilespmem:$0x18100] =	vst v63  }
0x4c: {  	s8 =	rddreg [dreg:$0xd]  }
0x4d: {  	[tilespmem:s8], [sflag:$0x5] =	stream.indirect_vreg.gather [hbm4b:s4+s2], $0x80, v4, vm1, $0x2000b8;
	[tilespmem:$0x18100] =	vst v63  }
0x4e: {  	s8 =	simm.s32 $0x3D00  }
0x4f: {  	[tilespmem:s8], [sflag:$0x5] =	stream.indirect_vreg.gather [hbm4b:s3+s2], $0x80, v3, vm0, $0x2000b8;
	[tilespmem:$0x18100] =	vst v63  }
0x50: {  	_ = 	snop  }
0x51: {  	[tilespmem:s9], [sflag:$0x5] =	stream.indirect_vreg.gather [hbm4b:s4+s2], $0x80, v3, vm1, $0x2000b8;
	[tilespmem:$0x18100] =	vst v63  }
0x52: {  	v3 =	vld [tilespmem:$0x30];
	_ =	sdelay $0x4  }
0x53: {  	v59 =	vshrl.u32 v3, $0x3  }
0x54: {  	v4 =	vmul.u32 $0x18, v59  }
0x55: {  	v3 =	vand.u32 $0x7, v3  }
0x56: {  	v3 =	vor.u32 v3, v4  }
0x57: {  	v4 =	vperm.xlane v3, v0;
	_ =	sdelay $0x1  }
0x58: {  	v4 =	vadd.s32 v1, v4;
	_ =	sdelay $0x1  }
0x59: {  	v3 =	vperm.xlane v3, v2;
	_ =	sdelay $0x1  }
0x5a: {  	v3 =	vadd.s32 v1, v3  }
0x5b: {  	[tilespmem:s10], [sflag:$0x5] =	stream.indirect_vreg.gather [hbm4b:s3+s2], $0x80, v4, vm0, $0x2000b8;
	[tilespmem:$0x18100] =	vst v63  }
0x5c: {  	_ = 	snop  }
0x5d: {  	[tilespmem:s11], [sflag:$0x5] =	stream.indirect_vreg.gather [hbm4b:s4+s2], $0x80, v4, vm1, $0x2000b8;
	[tilespmem:$0x18100] =	vst v63  }
0x5e: {  	_ = 	snop  }
0x5f: {  	[tilespmem:s12], [sflag:$0x5] =	stream.indirect_vreg.gather [hbm4b:s3+s2], $0x80, v3, vm0, $0x2000b8;
	[tilespmem:$0x18100] =	vst v63  }
0x60: {  	_ = 	snop  }
0x61: {  	[tilespmem:s13], [sflag:$0x5] =	stream.indirect_vreg.gather [hbm4b:s4+s2], $0x80, v3, vm1, $0x2000b8;
	[tilespmem:$0x18100] =	vst v63  }
0x62: {  	v3 =	vld [tilespmem:$0x40];
	_ =	sdelay $0x4  }
0x63: {  	v60 =	vshrl.u32 v3, $0x3  }
0x64: {  	v4 =	vmul.u32 $0x18, v60  }
0x65: {  	v3 =	vand.u32 $0x7, v3  }
0x66: {  	v3 =	vor.u32 v3, v4  }
0x67: {  	v4 =	vperm.xlane v3, v0;
	_ =	sdelay $0x1  }
0x68: {  	v4 =	vadd.s32 v1, v4;
	_ =	sdelay $0x1  }
0x69: {  	v3 =	vperm.xlane v3, v2;
	_ =	sdelay $0x1  }
0x6a: {  	v3 =	vadd.s32 v1, v3  }
0x6b: {  	[tilespmem:s14], [sflag:$0x5] =	stream.indirect_vreg.gather [hbm4b:s3+s2], $0x80, v4, vm0, $0x2000b8;
	[tilespmem:$0x18100] =	vst v63  }
0x6c: {  	_ = 	snop  }
0x6d: {  	[tilespmem:s15], [sflag:$0x5] =	stream.indirect_vreg.gather [hbm4b:s4+s2], $0x80, v4, vm1, $0x2000b8;
	[tilespmem:$0x18100] =	vst v63  }
0x6e: {  	_ = 	snop  }
0x6f: {  	[tilespmem:s16], [sflag:$0x5] =	stream.indirect_vreg.gather [hbm4b:s3+s2], $0x80, v3, vm0, $0x2000b8;
	[tilespmem:$0x18100] =	vst v63  }
0x70: {  	_ = 	snop  }
0x71: {  	[tilespmem:s17], [sflag:$0x5] =	stream.indirect_vreg.gather [hbm4b:s4+s2], $0x80, v3, vm1, $0x2000b8;
	[tilespmem:$0x18100] =	vst v63  }
0x72: {  	v3 =	vld [tilespmem:$0x50];
	_ =	sdelay $0x4  }
0x73: {  	v61 =	vshrl.u32 v3, $0x3  }
0x74: {  	v4 =	vmul.u32 $0x18, v61  }
0x75: {  	v3 =	vand.u32 $0x7, v3  }
0x76: {  	v3 =	vor.u32 v3, v4  }
0x77: {  	v4 =	vperm.xlane v3, v0;
	_ =	sdelay $0x1  }
0x78: {  	v4 =	vadd.s32 v1, v4;
	_ =	sdelay $0x1  }
0x79: {  	v3 =	vperm.xlane v3, v2;
	_ =	sdelay $0x1  }
0x7a: {  	v3 =	vadd.s32 v1, v3  }
0x7b: {  	[tilespmem:s18], [sflag:$0x5] =	stream.indirect_vreg.gather [hbm4b:s3+s2], $0x80, v4, vm0, $0x2000b8;
	[tilespmem:$0x18100] =	vst v63  }
0x7c: {  	_ = 	snop  }
0x7d: {  	[tilespmem:s19], [sflag:$0x5] =	stream.indirect_vreg.gather [hbm4b:s4+s2], $0x80, v4, vm1, $0x2000b8;
	[tilespmem:$0x18100] =	vst v63  }
0x7e: {  	_ = 	snop  }
0x7f: {  	[tilespmem:s20], [sflag:$0x5] =	stream.indirect_vreg.gather [hbm4b:s3+s2], $0x80, v3, vm0, $0x2000b8;
	[tilespmem:$0x18100] =	vst v63  }
0x80: {  	_ = 	snop  }
0x81: {  	[tilespmem:s21], [sflag:$0x5] =	stream.indirect_vreg.gather [hbm4b:s4+s2], $0x80, v3, vm1, $0x2000b8;
	[tilespmem:$0x18100] =	vst v63  }
0x82: {  	v3 =	vld [tilespmem:$0x60];
	_ =	sdelay $0x4  }
0x83: {  	v62 =	vshrl.u32 v3, $0x3  }
0x84: {  	v4 =	vmul.u32 $0x18, v62  }
0x85: {  	v3 =	vand.u32 $0x7, v3  }
0x86: {  	v3 =	vor.u32 v3, v4  }
0x87: {  	v4 =	vperm.xlane v3, v0;
	_ =	sdelay $0x1  }
0x88: {  	v4 =	vadd.s32 v1, v4;
	_ =	sdelay $0x1  }
0x89: {  	v3 =	vperm.xlane v3, v2;
	_ =	sdelay $0x1  }
0x8a: {  	v3 =	vadd.s32 v1, v3  }
0x8b: {  	[tilespmem:s22], [sflag:$0x5] =	stream.indirect_vreg.gather [hbm4b:s3+s2], $0x80, v4, vm0, $0x2000b8;
	[tilespmem:$0x18100] =	vst v63  }
0x8c: {  	_ = 	snop  }
0x8d: {  	[tilespmem:s23], [sflag:$0x5] =	stream.indirect_vreg.gather [hbm4b:s4+s2], $0x80, v4, vm1, $0x2000b8;
	[tilespmem:$0x18100] =	vst v63  }
0x8e: {  	_ = 	snop  }
0x8f: {  	[tilespmem:s24], [sflag:$0x5] =	stream.indirect_vreg.gather [hbm4b:s3+s2], $0x80, v3, vm0, $0x2000b8;
	[tilespmem:$0x18100] =	vst v63  }
0x90: {  	_ = 	snop  }
0x91: {  	[tilespmem:s25], [sflag:$0x5] =	stream.indirect_vreg.gather [hbm4b:s4+s2], $0x80, v3, vm1, $0x2000b8;
	[tilespmem:$0x18100] =	vst v63  }
0x92: {  	v3 =	vld [tilespmem:$0x70];
	_ =	sdelay $0x4  }
0x93: {  	v63 =	vshrl.u32 v3, $0x3  }
0x94: {  	v4 =	vmul.u32 $0x18, v63  }
0x95: {  	v3 =	vand.u32 $0x7, v3  }
0x96: {  	v3 =	vor.u32 v3, v4  }
0x97: {  	v4 =	vperm.xlane v3, v0;
	_ =	sdelay $0x1  }
0x98: {  	v4 =	vadd.s32 v1, v4;
	_ =	sdelay $0x1  }
0x99: {  	v3 =	vperm.xlane v3, v2;
	_ =	sdelay $0x1  }
0x9a: {  	v3 =	vadd.s32 v1, v3  }
0x9b: {  	[tilespmem:s26], [sflag:$0x5] =	stream.indirect_vreg.gather [hbm4b:s3+s2], $0x80, v4, vm0, $0x2000b8;
	[tilespmem:$0x18100] =	vst v63  }
0x9c: {  	_ = 	snop  }
0x9d: {  	[tilespmem:s28], [sflag:$0x5] =	stream.indirect_vreg.gather [hbm4b:s4+s2], $0x80, v4, vm1, $0x2000b8;
	[tilespmem:$0x18100] =	vst v63  }
0x9e: {  	_ = 	snop  }
0x9f: {  	[tilespmem:s29], [sflag:$0x5] =	stream.indirect_vreg.gather [hbm4b:s3+s2], $0x80, v3, vm0, $0x2000b8;
	[tilespmem:$0x18100] =	vst v63  }
0xa0: {  	_ = 	snop  }
0xa1: {  	[tilespmem:s30], [sflag:$0x5] =	stream.indirect_vreg.gather [hbm4b:s4+s2], $0x80, v3, vm1, $0x2000b8;
	[tilespmem:$0x18100] =	vst v63  }
0xa2: {  	_ =	swait.ge [sflag:s31], $0xC000  }
0xa3: {  	[sflag:s31] =	ssyncset.done $0x0  }
0xa4: {  	[sflag:s31] =	ssyncadd.s32 $0xFFFF4000  }
0xa5: {  	_ =	strace $0x9000005A  }
0xa6: {  	_ =	strace $0x8000005B  }
0xa7: {  	s8 =	rddreg [dreg:$0x4]  }
0xa8: {  	[hbm4b:s8+s2] =	stream.linear.scatter [tilespmem:s7], [sflag:$0x3], $0xC000, $0x200038;
	[tilespmem:$0x18100] =	vst v63  }
0xa9: {  	p0 =	sne.s32 s5, $0x1;
	_ =	strace $0x9000005B  }
.Ltmp0:
0xaa: {  	_ =	strace $0x8000005C;
	(pc) =	sbr.rel @p0 .LBB2_1-.Ltmp0, $4  }
0xab: {  	_ =	swait.ge [sflag:s1], $0xC000  }
0xac: {  	[sflag:s1] =	ssyncset.done $0x0  }
0xad: {  	[sflag:s1] =	ssyncadd.s32 $0xFFFF4000  }
0xae: {  	s5 =	sadd.s32 $0xFFFFFFFF, s5;
	_ =	strace $0x9000005C  }
0xaf: {  	_ =	sfence.sel $0x180000  }
0xb0: {  	[bflag:$0x0] =	sbarrier.arrive $0xFFFF  }
0xb1: {  	_ =	strace $0x90000057  }
0xb2: {  	s0 =	stileid.u32;
	[bflag:$0x2] =	sbarrier.arrive $0xFFFF  }
0xb3: {  	p0 =	sne.s32 s0, $0x0;
	s0 =	rddreg [dreg:$0x2]  }
0xb4: {  	s0 =	sadd.s32 @!p0 $0x100000, s0  }
0xb5: {  	[sflag:s0] =	ssyncadd.tile.s32 @!p0 $0x1;
	_ =	shalt  }
.Lfunc_end2:
_tile_overlayer_lowered:
.L_overlay_start_2:
0xb6: {  	(tag) =	ssettag $0x2  }
0xb7: {  	s0 =	rddreg [dreg:$0x0];
	s2 =	stileid.u32  }
0xb8: {  	s1 =	rddreg [dreg:$0x1];
	p0 =	sne.s32 s2, $0x0  }
0xb9: {  	s3 =	rddreg [dreg:$0x2];
	[bflag:$0x3] =	sbarrier.arrive $0xFFFF;
	s2 =	simm.s32 @!p0 $0x1C01  }
0xba: {  	[timem:s3], [sflag:s2] =	dma.local @!p0 [hbm:s0], s1  }
0xbb: {  	s0 =	simm.s32 @!p0 $0x1  }
0xbc: {  	_ =	swait.ge @!p0 [sflag:s0], s1  }
0xbd: {  	s1 =	ssub.s32 @!p0 $0x0, s1;
	[sflag:s0] =	ssyncset.done @!p0 $0x0  }
0xbe: {  	[sflag:s0] =	ssyncadd.s32 @!p0 s1  }
0xbf: {  	[bflag:$0x3] =	sbarrier.arrive $0xFFFF  }
0xc0: {  	_ =	shalt  }

// kernel: kernel.14.cloned.1.call-start
scs
__scs_entry_jumppad:
0x0: {  	(pc) =	sbr.rel $0x88, $3  }
0x1: {  	(tag) =	ssettag $0x0;
	lr =	simm.s32 $0x1  }
0x2: {  	[smem:$0x3F9A] =	sst lr;
	_ =	strace $0xD0000000  }
0x3: {  	_ = 	snop  }
0x4: {  	_ = 	snop  }
0x5: {  	_ = 	snop  }
0x6: {  	_ = 	snop  }
0x7: {  	_ = 	snop  }
__scs_overlays_trampoline_lowered:
0x8: {  	[smem:$0x3FA9] =	sst s0  }
0x9: {  	[smem:$0x3FAA] =	sst s1  }
0xa: {  	[smem:$0x3FAB] =	sst s2  }
0xb: {  	[smem:$0x3FAC] =	sst s3  }
0xc: {  	[smem:$0x3FAD] =	sst s4  }
0xd: {  	[smem:$0x3FAE] =	sst s5  }
0xe: {  	[smem:$0x3FAF] =	sst s6  }
0xf: {  	[smem:$0x3FB0] =	sst s7  }
0x10: {  	[smem:$0x3FB1] =	sst s8  }
0x11: {  	[smem:$0x3FB2] =	sst s9;
	s0 =	simm.s32 @!p0 $0x0  }
0x12: {  	s1 =	sld [smem:$0x3F98];
	s0 =	simm.s32 @p0 $0x1  }
0x13: {  	[smem:$0x3FB3] =	sst s0;
	s0 =	simm.s32 @!p1 $0x0  }
0x14: {  	s2 =	sld [smem:$0x3F97];
	s0 =	simm.s32 @p1 $0x1  }
0x15: {  	[smem:$0x3FB4] =	sst s0;
	s0 =	simm.s32 @!p2 $0x0  }
0x16: {  	s3 =	sld [smem:$0x3FDB];
	s0 =	simm.s32 @p2 $0x1  }
0x17: {  	s4 =	simm.s32 $0x1BF5;
	[smem:$0x3FB6] =	sst s0  }
0x18: {  	s0 =	sld [smem:$0x3F99];
	_ =	swait.ge [sflag:s4], $0x0  }
0x19: {  	s7 =	sld [smem:$0x3F9A]  }
0x1a: {  	s8 =	sadd.s32 $0xFFFFE003, lr  }
0x1b: {  	s9 =	sadd.s32 $0xFFFFFEF7, lr;
	s5 =	simm.s32 $0xFFFFFFFF;
	p2 =	slt.u32 s8, $0xFFFFF086  }
0x1c: {  	p1 =	slt.u32 s9, $0xF7A;
	s5 =	simm.s32 @!p2 $0x0  }
0x1d: {  	s5 =	simm.s32 @p1 $0x1;
	p0 =	seq.s32 s7, s2  }
0x1e: {  	s7 =	smul.u32 @!p0 $0xF7A, s2;
	p2 =	seq.s32 @!p0 s5, $0x0  }
0x1f: {  	s9 =	smul.u32 $0xF7A, s1;
	s8 =	simm.s32 @!p0 $0x1BF5;
	p2 =	por !p2, p0  }
0x20: {  	[sflag:s8] =	ssyncset.s32 @!p0 $0xFFFFF086;
	s6 =	sadd.s32 @!p0 s3, s7;
	s7 =	simm.s32 @!p0 $0x108  }
0x21: {  	s3 =	sadd.s32 s3, s9;
	s6 =	sadd.s32 @!p0 $0x88, s6;
	s7 =	simm.s32 @p2 $0x1082  }
0x22: {  	[simem:s7], [sflag:s8] =	dma.local @!p0 [hbm:s6], $0xF7A  }
0x23: {  	s9 =	sor.u32 $0xD0000000, s2;
	s6 =	simm.s32 $0x108;
	_ =	swait.ge @!p0 [sflag:s8], $0x0  }
0x24: {  	s3 =	sadd.s32 $0x88, s3;
	s6 =	simm.s32 @!p1 $0x1082;
	[sflag:s4] =	ssyncset.s32 $0xFFFFF086  }
0x25: {  	[simem:s6], [sflag:s4] =	dma.local [hbm:s3], $0xF7A  }
0x26: {  	[smem:$0x3F9A] =	sst s1;
	(tag) =	ssettag s2;
	_ =	strace s9  }
0x27: {  	s1 =	sld [smem:$0x3FAA]  }
0x28: {  	s2 =	sld [smem:$0x3FAB]  }
0x29: {  	s4 =	sld [smem:$0x3FAD]  }
0x2a: {  	p0 =	seq.s32 s5, $0x0;
	s5 =	sld [smem:$0x3FAE]  }
0x2b: {  	s6 =	sld [smem:$0x3FAF]  }
0x2c: {  	s7 =	sld [smem:$0x3FB0]  }
0x2d: {  	s3 =	simm.s32 $0x108;
	s8 =	sld [smem:$0x3FB1]  }
0x2e: {  	s3 =	simm.s32 @!p0 $0x1082;
	s9 =	sld [smem:$0x3FB2]  }
0x2f: {  	lr =	sadd.s32 s0, s3;
	s0 =	sld [smem:$0x3FA9]  }
0x30: {  	s3 =	sld [smem:$0x3FAC]  }
0x31: {  	[smem:$0x3FB5] =	sst s10  }
0x32: {  	s10 =	sld [smem:$0x3FB3];
	_ =	sdelay $0x3  }
0x33: {  	p0 =	seq.s32 s10, $0x1;
	s10 =	sld [smem:$0x3FB5];
	_ =	sdelay $0x3  }
0x34: {  	[smem:$0x3FB5] =	sst s10  }
0x35: {  	s10 =	sld [smem:$0x3FB4];
	_ =	sdelay $0x3  }
0x36: {  	p1 =	seq.s32 s10, $0x1;
	s10 =	sld [smem:$0x3FB5];
	_ =	sdelay $0x3  }
0x37: {  	[smem:$0x3FB5] =	sst s10  }
0x38: {  	s10 =	sld [smem:$0x3FB6]  }
0x39: {  	_ = 	snop;
	(pc) =	sbr.ind lr, $3  }
0x3a: {  	_ = 	snop  }
0x3b: {  	_ = 	snop  }
0x3c: {  	p2 =	seq.s32 s10, $0x1;
	s10 =	sld [smem:$0x3FB5]  }
0x3d: {  	_ =	shalt  }
0x3e: {  	_ =	shalt  }
0x3f: {  	_ =	shalt  }
0x40: {  	_ =	shalt  }
0x41: {  	_ =	shalt  }
0x42: {  	_ =	shalt  }
0x43: {  	_ =	shalt  }
0x44: {  	_ =	shalt  }
0x45: {  	_ =	shalt  }
0x46: {  	_ =	shalt  }
0x47: {  	_ =	shalt  }
0x48: {  	_ =	shalt  }
0x49: {  	_ =	shalt  }
0x4a: {  	_ =	shalt  }
0x4b: {  	_ =	shalt  }
0x4c: {  	_ =	shalt  }
0x4d: {  	_ =	shalt  }
0x4e: {  	_ =	shalt  }
0x4f: {  	_ =	shalt  }
0x50: {  	_ =	shalt  }
0x51: {  	_ =	shalt  }
0x52: {  	_ =	shalt  }
0x53: {  	_ =	shalt  }
0x54: {  	_ =	shalt  }
0x55: {  	_ =	shalt  }
0x56: {  	_ =	shalt  }
0x57: {  	_ =	shalt  }
0x58: {  	_ =	shalt  }
0x59: {  	_ =	shalt  }
0x5a: {  	_ =	shalt  }
0x5b: {  	_ =	shalt  }
0x5c: {  	_ =	shalt  }
0x5d: {  	_ =	shalt  }
0x5e: {  	_ =	shalt  }
0x5f: {  	_ =	shalt  }
0x60: {  	_ =	shalt  }
0x61: {  	_ =	shalt  }
0x62: {  	_ =	shalt  }
0x63: {  	_ =	shalt  }
0x64: {  	_ =	shalt  }
0x65: {  	_ =	shalt  }
0x66: {  	_ =	shalt  }
0x67: {  	_ =	shalt  }
0x68: {  	_ =	shalt  }
0x69: {  	_ =	shalt  }
0x6a: {  	_ =	shalt  }
0x6b: {  	_ =	shalt  }
0x6c: {  	_ =	shalt  }
0x6d: {  	_ =	shalt  }
0x6e: {  	_ =	shalt  }
0x6f: {  	_ =	shalt  }
0x70: {  	_ =	shalt  }
0x71: {  	_ =	shalt  }
0x72: {  	_ =	shalt  }
0x73: {  	_ =	shalt  }
0x74: {  	_ =	shalt  }
0x75: {  	_ =	shalt  }
0x76: {  	_ =	shalt  }
0x77: {  	_ =	shalt  }
0x78: {  	_ =	shalt  }
0x79: {  	_ =	shalt  }
0x7a: {  	_ =	shalt  }
0x7b: {  	_ =	shalt  }
0x7c: {  	_ =	shalt  }
0x7d: {  	_ =	shalt  }
0x7e: {  	_ =	shalt  }
0x7f: {  	_ =	shalt  }
0x80: {  	_ =	shalt  }
0x81: {  	_ =	shalt  }
0x82: {  	_ =	shalt  }
0x83: {  	_ =	shalt  }
0x84: {  	_ =	shalt  }
0x85: {  	_ =	shalt  }
0x86: {  	_ =	shalt  }
0x87: {  	_ =	shalt  }
.Lfunc_end0:
.L_simem_size_0:
called_computation.2_lowered:
.L_overlay_start_0:
0x88: {  	s2 =	sld [smem:$0x3FD9]  }
0x89: {  	s3 =	sld [smem:$0x3FFE];
	_ =	sdelay $0x1  }
0x8a: {  	s1 =	srdreg.scid  }
0x8b: {  	s0 =	sand.u32 $0x1, s1  }
0x8c: {  	s16 =	sshll.u32 s0, $0xA;
	s2 =	sadd.s32 s3, s2  }
0x8d: {  	s2 =	sadd.s32 s2, s16  }
0x8e: {  	[smem:$0x3FC1] =	sst s2  }
0x8f: {  	_ = 	snop  }
0x90: {  	(tm) =	ssettm $0x1  }
0x91: {  	s17 =	sld [smem:$0x3FFB];
	_ =	sdelay $0x3  }
0x92: {  	_ =	strace s17  }
0x93: {  	s2 =	sld [smem:$0x3FFC];
	_ =	sdelay $0x3  }
0x94: {  	_ =	strace s2  }
0x95: {  	s2 =	sld [smem:$0x3FFD];
	_ =	sdelay $0x3  }
0x96: {  	_ =	strace s2  }
0x97: {  	_ =	strace $0x8FFFFFFF  }
0x98: {  	s18 =	sld [smem:$0x3FDB];
	_ =	sdelay $0x1  }
0x99: {  	s19 =	simm.s32 $_scs_section_size  }
0x9a: {  	s4 =	simm.s32 $_size__tile_overlayer_lowered;
	s5 =	simm.s32 $_tile_overlayer_lowered  }
0x9b: {  	s22 =	simm.s32 $0x1BFF;
	s21 =	sshll.u32 s5, $0x1;
	s2 =	sadd.s32 s19, s18  }
0x9c: {  	s6 =	simm.s32 $0x0;
	s20 =	sshll.u32 s4, $0x1;
	s4 =	sadd.s32 s21, s2  }
0x9d: {  	[timem:s6], [sflag:s22] =	dma.local [hbm:s4], s20  }
0x9e: {  	_ =	swait.ge [sflag:s22], s20  }
0x9f: {  	s3 =	ssub.s32 $0x0, s20;
	[sflag:s22] =	ssyncset.done $0x0  }
0xa0: {  	[sflag:s22] =	ssyncadd.s32 s3;
	_ =	sdelay $0x1  }
0xa1: {  	s23 =	simm.s32 $0x1B8B  }
0xa2: {  	_ =	swait.ge [sflag:s23], $0x1  }
0xa3: {  	[sflag:s23] =	ssyncset.done $0x0  }
0xa4: {  	s25 =	simm.s32 $0x1B8E;
	s24 =	sld [smem:$0x3FFE];
	[sflag:s23] =	ssyncadd.s32 $0xFFFFFFFF  }
0xa5: {  	s26 =	simm.s32 $execute0_lowered;
	[smem:$0x3FD2] =	sst s25  }
0xa6: {  	s4 =	sshll.u32 s26, $0x1;
	_ =	strace $0x8000004E;
	[dreg:$0x1] =	wrdreg $0xFFFFFFFF  }
0xa7: {  	s28 =	simm.s32 $_size_execute0_lowered;
	s2 =	sadd.s32 s2, s4;
	[dreg:$0x0] =	wrdreg $0x0  }
0xa8: {  	s4 =	sshll.u32 s28, $0x1;
	[dreg:$0x2] =	wrdreg s2  }
0xa9: {  	[dreg:$0x3] =	wrdreg s4  }
0xaa: {  	[dreg:$0x4] =	wrdreg $0xC0  }
0xab: {  	_ =	task [dreg:s6], $0x5FFFF  }
0xac: {  	[dreg:$0x1] =	wrdreg $0xFFFFFFFF  }
0xad: {  	[dreg:$0x0] =	wrdreg $0x60  }
0xae: {  	[dreg:$0x2] =	wrdreg s24  }
0xaf: {  	[dreg:$0x3] =	wrdreg $0xA  }
0xb0: {  	_ =	task.clear_ibuf [dreg:s6], $0x4FFFF;
	_ =	strace $0x9000004E  }
0xb1: {  	s29 =	simm.s32 $0xA;
	_ =	strace $0x80000055  }
0xb2: {  	_ =	swait.ge [sflag:s29], $0x1  }
0xb3: {  	[sflag:s29] =	ssyncadd.s32 $0xFFFFFFFF  }
0xb4: {  	_ =	strace $0x90000055  }
0xb5: {  	_ =	sfence  }
0xb6: {  	s30 =	sld [smem:$0x0];
	_ =	sdelay $0x2  }
0xb7: {  	s31 =	sshll.u32 s1, $0xD;
	s1 =	sshrl.u32 s1, $0x2  }
0xb8: {  	s3 =	sand.u32 $0x4000, s31;
	s1 =	sadd.s32 s1, s30  }
0xb9: {  	s0 =	sor.u32 s3, s0;
	s1 =	sshll.u32 s1, $0x11  }
0xba: {  	s0 =	sor.u32 s1, s0  }
0xbb: {  	s0 =	sadd.s32 $0x8F2B, s0  }
0xbc: {  	[sflag:s0] =	ssyncadd.remote.s32 $0x1  }
0xbd: {  	_ =	sfence.sel $0xFFFF  }
0xbe: {  	[dreg:$0x0] =	wrdreg $0xFFFFFFFF;
	(pc) =	sbr.abs _section_cstart, $3  }
0xbf: {  	[dreg:$0x1] =	wrdreg $0xFFFFFFFF  }
0xc0: {  	_ =	task.clear_ibuf [dreg:s6], $0x2FFFF;
	_ =	strace $0x9FFFFFFF  }
0xc1: {  	(tm) =	ssettm $0x7FFFFFFF  }
tec
execute0_lowered:
.L_overlay_start_1:
0x0: {  	(tag) =	ssettag $0x1  }
0x1: {  	s1 =	srdreg.scid  }
0x2: {  	s0 =	stileid.u32;
	s4 =	rddreg [dreg:$0x0]  }
0x3: {  	s18 =	simm.s32 $0x900;
	s19 =	simm.s32 $0xD00;
	s20 =	simm.s32 $0x1500  }
0x4: {  	s21 =	simm.s32 $0x1900;
	s22 =	simm.s32 $0x2100;
	s23 =	simm.s32 $0x2500  }
0x5: {  	s24 =	simm.s32 $0x2D00;
	s25 =	simm.s32 $0x3100;
	s1 =	sand.u32 $0x1, s1  }
0x6: {  	s26 =	simm.s32 $0x3900;
	s3 =	sshll.u32 s0, $0x4;
	s2 =	sshll.u32 s1, $0x8  }
0x7: {  	s7 =	simm.s32 $0x100;
	s3 =	sor.u32 s3, s2;
	s2 =	simm.s32 $0x0  }
0x8: {  	s9 =	simm.s32 $0x4500;
	s10 =	simm.s32 $0x4900;
	[smem:$0x7FF] =	sst s2  }
0x9: {  	s11 =	simm.s32 $0x5100;
	_ =	strace $0x8000004F;
	[dreg:$0x4] =	wrdreg s18  }
0xa: {  	s12 =	simm.s32 $0x5500;
	s13 =	simm.s32 $0x5D00;
	[dreg:$0x5] =	wrdreg s19  }
0xb: {  	s14 =	simm.s32 $0x6100;
	s15 =	simm.s32 $0x6900;
	[dreg:$0x6] =	wrdreg s20  }
0xc: {  	s16 =	simm.s32 $0x6D00;
	s28 =	simm.s32 $0xB100;
	[dreg:$0x7] =	wrdreg s21  }
0xd: {  	s29 =	simm.s32 $0xB500;
	s30 =	simm.s32 $0xBD00;
	[dreg:$0x8] =	wrdreg s22  }
0xe: {  	s31 =	simm.s32 $0x5;
	s1 =	ssub.s32 $0x2, s1;
	[dreg:$0x9] =	wrdreg s23  }
0xf: {  	s6 =	sshrl.u32 s1, $0x1;
	s5 =	smul.u32 $0x180, s3;
	[dreg:$0xa] =	wrdreg s24  }
0x10: {  	s3 =	sadd.s32 s3, s4;
	s1 =	ssub.s32 s1, s6;
	[dreg:$0xb] =	wrdreg s25  }
0x11: {  	s6 =	simm.s32 $0x1;
	s3 =	sadd.s32 $0x2000, s3;
	[dreg:$0xc] =	wrdreg s26  }
0x12: {  	s18 =	simm.s32 $0x7900;
	s19 =	simm.s32 $0x8100;
	s20 =	simm.s32 $0x8500  }
0x13: {  	s21 =	simm.s32 $0x8D00;
	s22 =	simm.s32 $0x9100;
	s23 =	simm.s32 $0x9900  }
0x14: {  	s24 =	simm.s32 $0x9D00;
	s25 =	simm.s32 $0xA500;
	s26 =	simm.s32 $0xA900  }
0x15: {  	v2 =	vlaneseq.u32;
	s5 =	sadd.s32 s5, s4;
	[dreg:$0x2] =	wrdreg s3;
	s3 =	sadd.s32 $0x8C200, s4  }
0x16: {  	vm0 =	vmmov $0xffff;
	vm1 =	vmmov $0xff;
	v1 =	vshrl.u32 v2, $0x3;
	s4 =	sadd.s32 $0x8C300, s4;
	s17 =	sadd.s32 $0x2200, s5;
	s5 =	smax.u32 s1, $0x1  }
0x17: {  	v0 =	vand.u32 $0x7, v2;
	v2 =	vor.u32 $0x8, v2;
	v1 =	vmul.u32 $0x8, v1;
	s1 =	simm.s32 $0x3;
	[dreg:$0x3] =	wrdreg s17;
	s17 =	simm.s32 $0x7500  }
.LBB2_1:
0x18: {  	_ =	strace $0x80000050  }
0x19: {  	s0 =	rddreg [dreg:$0x2]  }
0x1a: {  	[tilespmem:s2], [sflag:$0x1] =	stream.linear.gather [hbm4b:s0+s2], $0x80, $0x200038;
	[tilespmem:$0x18100] =	vst v63  }
0x1b: {  	_ =	strace $0x90000050  }
0x1c: {  	_ =	strace $0x80000051  }
0x1d: {  	_ =	swait.ge [sflag:s6], $0x80  }
0x1e: {  	[sflag:s6] =	ssyncset.done $0x0  }
0x1f: {  	[sflag:s6] =	ssyncadd.s32 $0xFFFFFF80  }
0x20: {  	_ =	strace $0x90000051  }
0x21: {  	_ =	strace $0x80000052  }
0x22: {  	v3 =	vld [tilespmem:$0x0];
	_ =	sdelay $0x4  }
0x23: {  	v4 =	vshrl.u32 v3, $0x3  }
0x24: {  	v4 =	vmul.u32 $0x18, v4  }
0x25: {  	v3 =	vand.u32 $0x7, v3  }
0x26: {  	v3 =	vor.u32 v3, v4  }
0x27: {  	v4 =	vperm.xlane v3, v0;
	_ =	sdelay $0x1  }
0x28: {  	v4 =	vadd.s32 v1, v4;
	_ =	sdelay $0x1  }
0x29: {  	v3 =	vperm.xlane v3, v2;
	_ =	sdelay $0x1  }
0x2a: {  	v3 =	vadd.s32 v1, v3  }
0x2b: {  	[tilespmem:s7], [sflag:$0x5] =	stream.indirect_vreg.gather [hbm4b:s3+s2], $0x80, v4, vm0, $0x2000b8;
	[tilespmem:$0x18100] =	vst v63  }
0x2c: {  	s0 =	rddreg [dreg:$0x4]  }
0x2d: {  	[tilespmem:s0], [sflag:$0x5] =	stream.indirect_vreg.gather [hbm4b:s4+s2], $0x80, v4, vm1, $0x2000b8;
	[tilespmem:$0x18100] =	vst v63  }
0x2e: {  	s8 =	rddreg [dreg:$0x5]  }
0x2f: {  	[tilespmem:s8], [sflag:$0x5] =	stream.indirect_vreg.gather [hbm4b:s3+s2], $0x80, v3, vm0, $0x2000b8;
	[tilespmem:$0x18100] =	vst v63  }
0x30: {  	s0 =	rddreg [dreg:$0x6]  }
0x31: {  	[tilespmem:s0], [sflag:$0x5] =	stream.indirect_vreg.gather [hbm4b:s4+s2], $0x80, v3, vm1, $0x2000b8;
	[tilespmem:$0x18100] =	vst v63  }
0x32: {  	v3 =	vld [tilespmem:$0x10];
	_ =	sdelay $0x4  }
0x33: {  	v57 =	vshrl.u32 v3, $0x3  }
0x34: {  	v4 =	vmul.u32 $0x18, v57  }
0x35: {  	v3 =	vand.u32 $0x7, v3  }
0x36: {  	v3 =	vor.u32 v3, v4  }
0x37: {  	v4 =	vperm.xlane v3, v0;
	_ =	sdelay $0x1  }
0x38: {  	v4 =	vadd.s32 v1, v4;
	_ =	sdelay $0x1  }
0x39: {  	v3 =	vperm.xlane v3, v2;
	_ =	sdelay $0x1  }
0x3a: {  	s0 =	rddreg [dreg:$0x7];
	v3 =	vadd.s32 v1, v3  }
0x3b: {  	[tilespmem:s0], [sflag:$0x5] =	stream.indirect_vreg.gather [hbm4b:s3+s2], $0x80, v4, vm0, $0x2000b8;
	[tilespmem:$0x18100] =	vst v63  }
0x3c: {  	s8 =	rddreg [dreg:$0x8]  }
0x3d: {  	[tilespmem:s8], [sflag:$0x5] =	stream.indirect_vreg.gather [hbm4b:s4+s2], $0x80, v4, vm1, $0x2000b8;
	[tilespmem:$0x18100] =	vst v63  }
0x3e: {  	s0 =	rddreg [dreg:$0x9]  }
0x3f: {  	[tilespmem:s0], [sflag:$0x5] =	stream.indirect_vreg.gather [hbm4b:s3+s2], $0x80, v3, vm0, $0x2000b8;
	[tilespmem:$0x18100] =	vst v63  }
0x40: {  	s8 =	rddreg [dreg:$0xa]  }
0x41: {  	[tilespmem:s8], [sflag:$0x5] =	stream.indirect_vreg.gather [hbm4b:s4+s2], $0x80, v3, vm1, $0x2000b8;
	[tilespmem:$0x18100] =	vst v63  }
0x42: {  	v3 =	vld [tilespmem:$0x20];
	_ =	sdelay $0x4  }
0x43: {  	v58 =	vshrl.u32 v3, $0x3  }
0x44: {  	v4 =	vmul.u32 $0x18, v58  }
0x45: {  	v3 =	vand.u32 $0x7, v3  }
0x46: {  	v3 =	vor.u32 v3, v4  }
0x47: {  	v4 =	vperm.xlane v3, v0;
	_ =	sdelay $0x1  }
0x48: {  	v4 =	vadd.s32 v1, v4;
	_ =	sdelay $0x1  }
0x49: {  	v3 =	vperm.xlane v3, v2;
	_ =	sdelay $0x1  }
0x4a: {  	s0 =	rddreg [dreg:$0xb];
	v3 =	vadd.s32 v1, v3  }
0x4b: {  	[tilespmem:s0], [sflag:$0x5] =	stream.indirect_vreg.gather [hbm4b:s3+s2], $0x80, v4, vm0, $0x2000b8;
	[tilespmem:$0x18100] =	vst v63  }
0x4c: {  	s8 =	rddreg [dreg:$0xc]  }
0x4d: {  	[tilespmem:s8], [sflag:$0x5] =	stream.indirect_vreg.gather [hbm4b:s4+s2], $0x80, v4, vm1, $0x2000b8;
	[tilespmem:$0x18100] =	vst v63  }
0x4e: {  	s8 =	simm.s32 $0x3D00  }
0x4f: {  	[tilespmem:s8], [sflag:$0x5] =	stream.indirect_vreg.gather [hbm4b:s3+s2], $0x80, v3, vm0, $0x2000b8;
	[tilespmem:$0x18100] =	vst v63  }
0x50: {  	_ = 	snop  }
0x51: {  	[tilespmem:s9], [sflag:$0x5] =	stream.indirect_vreg.gather [hbm4b:s4+s2], $0x80, v3, vm1, $0x2000b8;
	[tilespmem:$0x18100] =	vst v63  }
0x52: {  	v3 =	vld [tilespmem:$0x30];
	_ =	sdelay $0x4  }
0x53: {  	v59 =	vshrl.u32 v3, $0x3  }
0x54: {  	v4 =	vmul.u32 $0x18, v59  }
0x55: {  	v3 =	vand.u32 $0x7, v3  }
0x56: {  	v3 =	vor.u32 v3, v4  }
0x57: {  	v4 =	vperm.xlane v3, v0;
	_ =	sdelay $0x1  }
0x58: {  	v4 =	vadd.s32 v1, v4;
	_ =	sdelay $0x1  }
0x59: {  	v3 =	vperm.xlane v3, v2;
	_ =	sdelay $0x1  }
0x5a: {  	v3 =	vadd.s32 v1, v3  }
0x5b: {  	[tilespmem:s10], [sflag:$0x5] =	stream.indirect_vreg.gather [hbm4b:s3+s2], $0x80, v4, vm0, $0x2000b8;
	[tilespmem:$0x18100] =	vst v63  }
0x5c: {  	_ = 	snop  }
0x5d: {  	[tilespmem:s11], [sflag:$0x5] =	stream.indirect_vreg.gather [hbm4b:s4+s2], $0x80, v4, vm1, $0x2000b8;
	[tilespmem:$0x18100] =	vst v63  }
0x5e: {  	_ = 	snop  }
0x5f: {  	[tilespmem:s12], [sflag:$0x5] =	stream.indirect_vreg.gather [hbm4b:s3+s2], $0x80, v3, vm0, $0x2000b8;
	[tilespmem:$0x18100] =	vst v63  }
0x60: {  	_ = 	snop  }
0x61: {  	[tilespmem:s13], [sflag:$0x5] =	stream.indirect_vreg.gather [hbm4b:s4+s2], $0x80, v3, vm1, $0x2000b8;
	[tilespmem:$0x18100] =	vst v63  }
0x62: {  	v3 =	vld [tilespmem:$0x40];
	_ =	sdelay $0x4  }
0x63: {  	v60 =	vshrl.u32 v3, $0x3  }
0x64: {  	v4 =	vmul.u32 $0x18, v60  }
0x65: {  	v3 =	vand.u32 $0x7, v3  }
0x66: {  	v3 =	vor.u32 v3, v4  }
0x67: {  	v4 =	vperm.xlane v3, v0;
	_ =	sdelay $0x1  }
0x68: {  	v4 =	vadd.s32 v1, v4;
	_ =	sdelay $0x1  }
0x69: {  	v3 =	vperm.xlane v3, v2;
	_ =	sdelay $0x1  }
0x6a: {  	v3 =	vadd.s32 v1, v3  }
0x6b: {  	[tilespmem:s14], [sflag:$0x5] =	stream.indirect_vreg.gather [hbm4b:s3+s2], $0x80, v4, vm0, $0x2000b8;
	[tilespmem:$0x18100] =	vst v63  }
0x6c: {  	_ = 	snop  }
0x6d: {  	[tilespmem:s15], [sflag:$0x5] =	stream.indirect_vreg.gather [hbm4b:s4+s2], $0x80, v4, vm1, $0x2000b8;
	[tilespmem:$0x18100] =	vst v63  }
0x6e: {  	_ = 	snop  }
0x6f: {  	[tilespmem:s16], [sflag:$0x5] =	stream.indirect_vreg.gather [hbm4b:s3+s2], $0x80, v3, vm0, $0x2000b8;
	[tilespmem:$0x18100] =	vst v63  }
0x70: {  	_ = 	snop  }
0x71: {  	[tilespmem:s17], [sflag:$0x5] =	stream.indirect_vreg.gather [hbm4b:s4+s2], $0x80, v3, vm1, $0x2000b8;
	[tilespmem:$0x18100] =	vst v63  }
0x72: {  	v3 =	vld [tilespmem:$0x50];
	_ =	sdelay $0x4  }
0x73: {  	v61 =	vshrl.u32 v3, $0x3  }
0x74: {  	v4 =	vmul.u32 $0x18, v61  }
0x75: {  	v3 =	vand.u32 $0x7, v3  }
0x76: {  	v3 =	vor.u32 v3, v4  }
0x77: {  	v4 =	vperm.xlane v3, v0;
	_ =	sdelay $0x1  }
0x78: {  	v4 =	vadd.s32 v1, v4;
	_ =	sdelay $0x1  }
0x79: {  	v3 =	vperm.xlane v3, v2;
	_ =	sdelay $0x1  }
0x7a: {  	v3 =	vadd.s32 v1, v3  }
0x7b: {  	[tilespmem:s18], [sflag:$0x5] =	stream.indirect_vreg.gather [hbm4b:s3+s2], $0x80, v4, vm0, $0x2000b8;
	[tilespmem:$0x18100] =	vst v63  }
0x7c: {  	_ = 	snop  }
0x7d: {  	[tilespmem:s19], [sflag:$0x5] =	stream.indirect_vreg.gather [hbm4b:s4+s2], $0x80, v4, vm1, $0x2000b8;
	[tilespmem:$0x18100] =	vst v63  }
0x7e: {  	_ = 	snop  }
0x7f: {  	[tilespmem:s20], [sflag:$0x5] =	stream.indirect_vreg.gather [hbm4b:s3+s2], $0x80, v3, vm0, $0x2000b8;
	[tilespmem:$0x18100] =	vst v63  }
0x80: {  	_ = 	snop  }
0x81: {  	[tilespmem:s21], [sflag:$0x5] =	stream.indirect_vreg.gather [hbm4b:s4+s2], $0x80, v3, vm1, $0x2000b8;
	[tilespmem:$0x18100] =	vst v63  }
0x82: {  	v3 =	vld [tilespmem:$0x60];
	_ =	sdelay $0x4  }
0x83: {  	v62 =	vshrl.u32 v3, $0x3  }
0x84: {  	v4 =	vmul.u32 $0x18, v62  }
0x85: {  	v3 =	vand.u32 $0x7, v3  }
0x86: {  	v3 =	vor.u32 v3, v4  }
0x87: {  	v4 =	vperm.xlane v3, v0;
	_ =	sdelay $0x1  }
0x88: {  	v4 =	vadd.s32 v1, v4;
	_ =	sdelay $0x1  }
0x89: {  	v3 =	vperm.xlane v3, v2;
	_ =	sdelay $0x1  }
0x8a: {  	v3 =	vadd.s32 v1, v3  }
0x8b: {  	[tilespmem:s22], [sflag:$0x5] =	stream.indirect_vreg.gather [hbm4b:s3+s2], $0x80, v4, vm0, $0x2000b8;
	[tilespmem:$0x18100] =	vst v63  }
0x8c: {  	_ = 	snop  }
0x8d: {  	[tilespmem:s23], [sflag:$0x5] =	stream.indirect_vreg.gather [hbm4b:s4+s2], $0x80, v4, vm1, $0x2000b8;
	[tilespmem:$0x18100] =	vst v63  }
0x8e: {  	_ = 	snop  }
0x8f: {  	[tilespmem:s24], [sflag:$0x5] =	stream.indirect_vreg.gather [hbm4b:s3+s2], $0x80, v3, vm0, $0x2000b8;
	[tilespmem:$0x18100] =	vst v63  }
0x90: {  	_ = 	snop  }
0x91: {  	[tilespmem:s25], [sflag:$0x5] =	stream.indirect_vreg.gather [hbm4b:s4+s2], $0x80, v3, vm1, $0x2000b8;
	[tilespmem:$0x18100] =	vst v63  }
0x92: {  	v3 =	vld [tilespmem:$0x70];
	_ =	sdelay $0x4  }
0x93: {  	v63 =	vshrl.u32 v3, $0x3  }
0x94: {  	v4 =	vmul.u32 $0x18, v63  }
0x95: {  	v3 =	vand.u32 $0x7, v3  }
0x96: {  	v3 =	vor.u32 v3, v4  }
0x97: {  	v4 =	vperm.xlane v3, v0;
	_ =	sdelay $0x1  }
0x98: {  	v4 =	vadd.s32 v1, v4;
	_ =	sdelay $0x1  }
0x99: {  	v3 =	vperm.xlane v3, v2;
	_ =	sdelay $0x1  }
0x9a: {  	v3 =	vadd.s32 v1, v3  }
0x9b: {  	[tilespmem:s26], [sflag:$0x5] =	stream.indirect_vreg.gather [hbm4b:s3+s2], $0x80, v4, vm0, $0x2000b8;
	[tilespmem:$0x18100] =	vst v63  }
0x9c: {  	_ = 	snop  }
0x9d: {  	[tilespmem:s28], [sflag:$0x5] =	stream.indirect_vreg.gather [hbm4b:s4+s2], $0x80, v4, vm1, $0x2000b8;
	[tilespmem:$0x18100] =	vst v63  }
0x9e: {  	_ = 	snop  }
0x9f: {  	[tilespmem:s29], [sflag:$0x5] =	stream.indirect_vreg.gather [hbm4b:s3+s2], $0x80, v3, vm0, $0x2000b8;
	[tilespmem:$0x18100] =	vst v63  }
0xa0: {  	_ = 	snop  }
0xa1: {  	[tilespmem:s30], [sflag:$0x5] =	stream.indirect_vreg.gather [hbm4b:s4+s2], $0x80, v3, vm1, $0x2000b8;
	[tilespmem:$0x18100] =	vst v63  }
0xa2: {  	_ =	swait.ge [sflag:s31], $0xC000  }
0xa3: {  	[sflag:s31] =	ssyncset.done $0x0  }
0xa4: {  	[sflag:s31] =	ssyncadd.s32 $0xFFFF4000  }
0xa5: {  	_ =	strace $0x90000052  }
0xa6: {  	_ =	strace $0x80000053  }
0xa7: {  	s8 =	rddreg [dreg:$0x3]  }
0xa8: {  	[hbm4b:s8+s2] =	stream.linear.scatter [tilespmem:s7], [sflag:$0x3], $0xC000, $0x200038;
	[tilespmem:$0x18100] =	vst v63  }
0xa9: {  	p0 =	sne.s32 s5, $0x1;
	_ =	strace $0x90000053  }
.Ltmp0:
0xaa: {  	_ =	strace $0x80000054;
	(pc) =	sbr.rel @p0 .LBB2_1-.Ltmp0, $4  }
0xab: {  	_ =	swait.ge [sflag:s1], $0xC000  }
0xac: {  	[sflag:s1] =	ssyncset.done $0x0  }
0xad: {  	[sflag:s1] =	ssyncadd.s32 $0xFFFF4000  }
0xae: {  	s5 =	sadd.s32 $0xFFFFFFFF, s5;
	_ =	strace $0x90000054  }
0xaf: {  	_ =	sfence.sel $0x180000  }
0xb0: {  	[bflag:$0x0] =	sbarrier.arrive $0xFFFF  }
0xb1: {  	_ =	strace $0x9000004F  }
0xb2: {  	s0 =	stileid.u32;
	[bflag:$0x2] =	sbarrier.arrive $0xFFFF  }
0xb3: {  	p0 =	sne.s32 s0, $0x0;
	s0 =	rddreg [dreg:$0x1]  }
0xb4: {  	s0 =	sadd.s32 @!p0 $0x100000, s0  }
0xb5: {  	[sflag:s0] =	ssyncadd.tile.s32 @!p0 $0x1;
	_ =	shalt  }
.Lfunc_end2:
_tile_overlayer_lowered:
.L_overlay_start_2:
0xb6: {  	(tag) =	ssettag $0x2  }
0xb7: {  	s0 =	rddreg [dreg:$0x0];
	s2 =	stileid.u32  }
0xb8: {  	s1 =	rddreg [dreg:$0x1];
	p0 =	sne.s32 s2, $0x0  }
0xb9: {  	s3 =	rddreg [dreg:$0x2];
	[bflag:$0x3] =	sbarrier.arrive $0xFFFF;
	s2 =	simm.s32 @!p0 $0x1C01  }
0xba: {  	[timem:s3], [sflag:s2] =	dma.local @!p0 [hbm:s0], s1  }
0xbb: {  	s0 =	simm.s32 @!p0 $0x1  }
0xbc: {  	_ =	swait.ge @!p0 [sflag:s0], s1  }
0xbd: {  	s1 =	ssub.s32 @!p0 $0x0, s1;
	[sflag:s0] =	ssyncset.done @!p0 $0x0  }
0xbe: {  	[sflag:s0] =	ssyncadd.s32 @!p0 s1  }
0xbf: {  	[bflag:$0x3] =	sbarrier.arrive $0xFFFF  }
0xc0: {  	_ =	shalt  }

// kernel: kernel.8.cloned.1.call-start
scs
__scs_entry_jumppad:
0x0: {  	(pc) =	sbr.rel $0x88, $3  }
0x1: {  	(tag) =	ssettag $0x0;
	lr =	simm.s32 $0x1  }
0x2: {  	[smem:$0x3F9A] =	sst lr;
	_ =	strace $0xD0000000  }
0x3: {  	_ = 	snop  }
0x4: {  	_ = 	snop  }
0x5: {  	_ = 	snop  }
0x6: {  	_ = 	snop  }
0x7: {  	_ = 	snop  }
__scs_overlays_trampoline_lowered:
0x8: {  	[smem:$0x3FA9] =	sst s0  }
0x9: {  	[smem:$0x3FAA] =	sst s1  }
0xa: {  	[smem:$0x3FAB] =	sst s2  }
0xb: {  	[smem:$0x3FAC] =	sst s3  }
0xc: {  	[smem:$0x3FAD] =	sst s4  }
0xd: {  	[smem:$0x3FAE] =	sst s5  }
0xe: {  	[smem:$0x3FAF] =	sst s6  }
0xf: {  	[smem:$0x3FB0] =	sst s7  }
0x10: {  	[smem:$0x3FB1] =	sst s8  }
0x11: {  	[smem:$0x3FB2] =	sst s9;
	s0 =	simm.s32 @!p0 $0x0  }
0x12: {  	s1 =	sld [smem:$0x3F98];
	s0 =	simm.s32 @p0 $0x1  }
0x13: {  	[smem:$0x3FB3] =	sst s0;
	s0 =	simm.s32 @!p1 $0x0  }
0x14: {  	s2 =	sld [smem:$0x3F97];
	s0 =	simm.s32 @p1 $0x1  }
0x15: {  	[smem:$0x3FB4] =	sst s0;
	s0 =	simm.s32 @!p2 $0x0  }
0x16: {  	s3 =	sld [smem:$0x3FDB];
	s0 =	simm.s32 @p2 $0x1  }
0x17: {  	s4 =	simm.s32 $0x1BF5;
	[smem:$0x3FB6] =	sst s0  }
0x18: {  	s0 =	sld [smem:$0x3F99];
	_ =	swait.ge [sflag:s4], $0x0  }
0x19: {  	s7 =	sld [smem:$0x3F9A]  }
0x1a: {  	s8 =	sadd.s32 $0xFFFFE003, lr  }
0x1b: {  	s9 =	sadd.s32 $0xFFFFFEF7, lr;
	s5 =	simm.s32 $0xFFFFFFFF;
	p2 =	slt.u32 s8, $0xFFFFF086  }
0x1c: {  	p1 =	slt.u32 s9, $0xF7A;
	s5 =	simm.s32 @!p2 $0x0  }
0x1d: {  	s5 =	simm.s32 @p1 $0x1;
	p0 =	seq.s32 s7, s2  }
0x1e: {  	s7 =	smul.u32 @!p0 $0xF7A, s2;
	p2 =	seq.s32 @!p0 s5, $0x0  }
0x1f: {  	s9 =	smul.u32 $0xF7A, s1;
	s8 =	simm.s32 @!p0 $0x1BF5;
	p2 =	por !p2, p0  }
0x20: {  	[sflag:s8] =	ssyncset.s32 @!p0 $0xFFFFF086;
	s6 =	sadd.s32 @!p0 s3, s7;
	s7 =	simm.s32 @!p0 $0x108  }
0x21: {  	s3 =	sadd.s32 s3, s9;
	s6 =	sadd.s32 @!p0 $0x88, s6;
	s7 =	simm.s32 @p2 $0x1082  }
0x22: {  	[simem:s7], [sflag:s8] =	dma.local @!p0 [hbm:s6], $0xF7A  }
0x23: {  	s9 =	sor.u32 $0xD0000000, s2;
	s6 =	simm.s32 $0x108;
	_ =	swait.ge @!p0 [sflag:s8], $0x0  }
0x24: {  	s3 =	sadd.s32 $0x88, s3;
	s6 =	simm.s32 @!p1 $0x1082;
	[sflag:s4] =	ssyncset.s32 $0xFFFFF086  }
0x25: {  	[simem:s6], [sflag:s4] =	dma.local [hbm:s3], $0xF7A  }
0x26: {  	[smem:$0x3F9A] =	sst s1;
	(tag) =	ssettag s2;
	_ =	strace s9  }
0x27: {  	s1 =	sld [smem:$0x3FAA]  }
0x28: {  	s2 =	sld [smem:$0x3FAB]  }
0x29: {  	s4 =	sld [smem:$0x3FAD]  }
0x2a: {  	p0 =	seq.s32 s5, $0x0;
	s5 =	sld [smem:$0x3FAE]  }
0x2b: {  	s6 =	sld [smem:$0x3FAF]  }
0x2c: {  	s7 =	sld [smem:$0x3FB0]  }
0x2d: {  	s3 =	simm.s32 $0x108;
	s8 =	sld [smem:$0x3FB1]  }
0x2e: {  	s3 =	simm.s32 @!p0 $0x1082;
	s9 =	sld [smem:$0x3FB2]  }
0x2f: {  	lr =	sadd.s32 s0, s3;
	s0 =	sld [smem:$0x3FA9]  }
0x30: {  	s3 =	sld [smem:$0x3FAC]  }
0x31: {  	[smem:$0x3FB5] =	sst s10  }
0x32: {  	s10 =	sld [smem:$0x3FB3];
	_ =	sdelay $0x3  }
0x33: {  	p0 =	seq.s32 s10, $0x1;
	s10 =	sld [smem:$0x3FB5];
	_ =	sdelay $0x3  }
0x34: {  	[smem:$0x3FB5] =	sst s10  }
0x35: {  	s10 =	sld [smem:$0x3FB4];
	_ =	sdelay $0x3  }
0x36: {  	p1 =	seq.s32 s10, $0x1;
	s10 =	sld [smem:$0x3FB5];
	_ =	sdelay $0x3  }
0x37: {  	[smem:$0x3FB5] =	sst s10  }
0x38: {  	s10 =	sld [smem:$0x3FB6]  }
0x39: {  	_ = 	snop;
	(pc) =	sbr.ind lr, $3  }
0x3a: {  	_ = 	snop  }
0x3b: {  	_ = 	snop  }
0x3c: {  	p2 =	seq.s32 s10, $0x1;
	s10 =	sld [smem:$0x3FB5]  }
0x3d: {  	_ =	shalt  }
0x3e: {  	_ =	shalt  }
0x3f: {  	_ =	shalt  }
0x40: {  	_ =	shalt  }
0x41: {  	_ =	shalt  }
0x42: {  	_ =	shalt  }
0x43: {  	_ =	shalt  }
0x44: {  	_ =	shalt  }
0x45: {  	_ =	shalt  }
0x46: {  	_ =	shalt  }
0x47: {  	_ =	shalt  }
0x48: {  	_ =	shalt  }
0x49: {  	_ =	shalt  }
0x4a: {  	_ =	shalt  }
0x4b: {  	_ =	shalt  }
0x4c: {  	_ =	shalt  }
0x4d: {  	_ =	shalt  }
0x4e: {  	_ =	shalt  }
0x4f: {  	_ =	shalt  }
0x50: {  	_ =	shalt  }
0x51: {  	_ =	shalt  }
0x52: {  	_ =	shalt  }
0x53: {  	_ =	shalt  }
0x54: {  	_ =	shalt  }
0x55: {  	_ =	shalt  }
0x56: {  	_ =	shalt  }
0x57: {  	_ =	shalt  }
0x58: {  	_ =	shalt  }
0x59: {  	_ =	shalt  }
0x5a: {  	_ =	shalt  }
0x5b: {  	_ =	shalt  }
0x5c: {  	_ =	shalt  }
0x5d: {  	_ =	shalt  }
0x5e: {  	_ =	shalt  }
0x5f: {  	_ =	shalt  }
0x60: {  	_ =	shalt  }
0x61: {  	_ =	shalt  }
0x62: {  	_ =	shalt  }
0x63: {  	_ =	shalt  }
0x64: {  	_ =	shalt  }
0x65: {  	_ =	shalt  }
0x66: {  	_ =	shalt  }
0x67: {  	_ =	shalt  }
0x68: {  	_ =	shalt  }
0x69: {  	_ =	shalt  }
0x6a: {  	_ =	shalt  }
0x6b: {  	_ =	shalt  }
0x6c: {  	_ =	shalt  }
0x6d: {  	_ =	shalt  }
0x6e: {  	_ =	shalt  }
0x6f: {  	_ =	shalt  }
0x70: {  	_ =	shalt  }
0x71: {  	_ =	shalt  }
0x72: {  	_ =	shalt  }
0x73: {  	_ =	shalt  }
0x74: {  	_ =	shalt  }
0x75: {  	_ =	shalt  }
0x76: {  	_ =	shalt  }
0x77: {  	_ =	shalt  }
0x78: {  	_ =	shalt  }
0x79: {  	_ =	shalt  }
0x7a: {  	_ =	shalt  }
0x7b: {  	_ =	shalt  }
0x7c: {  	_ =	shalt  }
0x7d: {  	_ =	shalt  }
0x7e: {  	_ =	shalt  }
0x7f: {  	_ =	shalt  }
0x80: {  	_ =	shalt  }
0x81: {  	_ =	shalt  }
0x82: {  	_ =	shalt  }
0x83: {  	_ =	shalt  }
0x84: {  	_ =	shalt  }
0x85: {  	_ =	shalt  }
0x86: {  	_ =	shalt  }
0x87: {  	_ =	shalt  }
.Lfunc_end0:
.L_simem_size_0:
called_computation_lowered:
.L_overlay_start_0:
0x88: {  	s2 =	sld [smem:$0x3FD9]  }
0x89: {  	s3 =	sld [smem:$0x3FFE];
	_ =	sdelay $0x1  }
0x8a: {  	s1 =	srdreg.scid  }
0x8b: {  	s0 =	sand.u32 $0x1, s1  }
0x8c: {  	s14 =	sshll.u32 s0, $0xA;
	s2 =	sadd.s32 s3, s2  }
0x8d: {  	s2 =	sadd.s32 s2, s14  }
0x8e: {  	[smem:$0x3FC1] =	sst s2  }
0x8f: {  	_ = 	snop  }
0x90: {  	s2 =	sld [smem:$0x3FD0];
	_ =	sdelay $0x2  }
0x91: {  	s15 =	simm.s32 $0xB;
	s4 =	simm.s32 $0x10  }
0x92: {  	[smem:s4], [sflag:s15] =	dma.local [hbm:s2], $0x1  }
0x93: {  	_ =	swait.eq [sflag:s15], $0x1  }
0x94: {  	[sflag:s15] =	ssyncset.done $0x0  }
0x95: {  	[sflag:s15] =	ssyncadd.s32 $0xFFFFFFFF  }
0x96: {  	s16 =	sld [smem:$0x10];
	(tm) =	ssettm $0x1  }
0x97: {  	s17 =	sld [smem:$0x3FFB];
	_ =	sdelay $0x3  }
0x98: {  	_ =	strace s17  }
0x99: {  	s3 =	sld [smem:$0x3FFC];
	_ =	sdelay $0x3  }
0x9a: {  	_ =	strace s3  }
0x9b: {  	s3 =	sld [smem:$0x3FFD];
	_ =	sdelay $0x3  }
0x9c: {  	_ =	strace s3  }
0x9d: {  	_ =	strace $0x8FFFFFFF  }
0x9e: {  	s18 =	sld [smem:$0x3FDB];
	_ =	sdelay $0x1  }
0x9f: {  	s19 =	simm.s32 $_scs_section_size  }
0xa0: {  	s5 =	simm.s32 $_size__tile_overlayer_lowered;
	s6 =	simm.s32 $_tile_overlayer_lowered  }
0xa1: {  	s22 =	simm.s32 $0x1BFF;
	s21 =	sshll.u32 s6, $0x1;
	s3 =	sadd.s32 s19, s18  }
0xa2: {  	s7 =	simm.s32 $0x0;
	s20 =	sshll.u32 s5, $0x1;
	s5 =	sadd.s32 s21, s3  }
0xa3: {  	[timem:s7], [sflag:s22] =	dma.local [hbm:s5], s20  }
0xa4: {  	_ =	swait.ge [sflag:s22], s20  }
0xa5: {  	s4 =	ssub.s32 $0x0, s20;
	[sflag:s22] =	ssyncset.done $0x0  }
0xa6: {  	[sflag:s22] =	ssyncadd.s32 s4;
	_ =	sdelay $0x1  }
0xa7: {  	s23 =	simm.s32 $0x1B8B  }
0xa8: {  	_ =	swait.ge [sflag:s23], $0x1  }
0xa9: {  	[sflag:s23] =	ssyncset.done $0x0  }
0xaa: {  	s25 =	simm.s32 $0x1B8E;
	s24 =	sld [smem:$0x3FFE];
	[sflag:s23] =	ssyncadd.s32 $0xFFFFFFFF  }
0xab: {  	s26 =	simm.s32 $execute0_lowered;
	[smem:$0x3FD2] =	sst s25  }
0xac: {  	s5 =	sshll.u32 s26, $0x1;
	_ =	strace $0x80000046;
	[dreg:$0x1] =	wrdreg $0xFFFFFFFF  }
0xad: {  	s28 =	simm.s32 $_size_execute0_lowered;
	s3 =	sadd.s32 s3, s5;
	[dreg:$0x0] =	wrdreg $0x0  }
0xae: {  	s5 =	sshll.u32 s28, $0x1;
	[dreg:$0x2] =	wrdreg s3  }
0xaf: {  	[dreg:$0x3] =	wrdreg s5  }
0xb0: {  	[dreg:$0x4] =	wrdreg $0xC0  }
0xb1: {  	_ =	task [dreg:s7], $0x5FFFF  }
0xb2: {  	[dreg:$0x1] =	wrdreg $0xFFFFFFFF  }
0xb3: {  	[dreg:$0x0] =	wrdreg $0x60  }
0xb4: {  	[dreg:$0x2] =	wrdreg s16  }
0xb5: {  	[dreg:$0x3] =	wrdreg s24  }
0xb6: {  	[dreg:$0x4] =	wrdreg $0x9  }
0xb7: {  	_ =	task.clear_ibuf [dreg:s7], $0x5FFFF;
	_ =	strace $0x90000046  }
0xb8: {  	s29 =	simm.s32 $0x9;
	_ =	strace $0x8000004D  }
0xb9: {  	_ =	swait.ge [sflag:s29], $0x1  }
0xba: {  	[sflag:s29] =	ssyncadd.s32 $0xFFFFFFFF  }
0xbb: {  	_ =	strace $0x9000004D  }
0xbc: {  	_ =	sfence  }
0xbd: {  	s30 =	sld [smem:$0x0];
	_ =	sdelay $0x2  }
0xbe: {  	s31 =	sshll.u32 s1, $0xD;
	s1 =	sshrl.u32 s1, $0x2  }
0xbf: {  	s3 =	sand.u32 $0x4000, s31;
	s1 =	sadd.s32 s1, s30  }
0xc0: {  	s0 =	sor.u32 s3, s0;
	s1 =	sshll.u32 s1, $0x11  }
0xc1: {  	s0 =	sor.u32 s1, s0  }
0xc2: {  	s0 =	sadd.s32 $0x8F2B, s0  }
0xc3: {  	[sflag:s0] =	ssyncadd.remote.s32 $0x1  }
0xc4: {  	_ =	sfence.sel $0xFFFF  }
0xc5: {  	[dreg:$0x0] =	wrdreg $0xFFFFFFFF;
	(pc) =	sbr.abs _section_cstart, $3  }
0xc6: {  	[dreg:$0x1] =	wrdreg $0xFFFFFFFF  }
0xc7: {  	_ =	task.clear_ibuf [dreg:s7], $0x2FFFF;
	_ =	strace $0x9FFFFFFF  }
0xc8: {  	(tm) =	ssettm $0x7FFFFFFF  }
0xc9: {  	_ =	shalt  }
tec
execute0_lowered:
.L_overlay_start_1:
0x0: {  	(tag) =	ssettag $0x1  }
0x1: {  	s0 =	srdreg.scid;
	s1 =	rddreg [dreg:$0x0]  }
0x2: {  	s2 =	stileid.u32;
	s4 =	rddreg [dreg:$0x1];
	s25 =	simm.s32 $0x18000  }
0x3: {  	s26 =	simm.s32 $0x18100;
	s21 =	simm.s32 $0x2000;
	s28 =	simm.s32 $0x4400  }
0x4: {  	s29 =	simm.s32 $0x4800;
	s30 =	simm.s32 $0x5000;
	s31 =	simm.s32 $0x5400  }
0x5: {  	s9 =	simm.s32 $0x6800;
	s10 =	simm.s32 $0x6C00;
	s11 =	simm.s32 $0x7400  }
0x6: {  	s12 =	simm.s32 $0x7800;
	s13 =	simm.s32 $0x8000;
	s14 =	simm.s32 $0x8400  }
0x7: {  	s15 =	simm.s32 $0x8C00;
	s7 =	simm.s32 $0x9800;
	s8 =	simm.s32 $0x9C00  }
0x8: {  	s0 =	sand.u32 $0x1, s0;
	s5 =	sshll.u32 s2, $0x4;
	s2 =	simm.s32 $0x0  }
0x9: {  	s16 =	simm.s32 $0xA400;
	s3 =	sshll.u32 s0, $0x8;
	[smem:$0x7FF] =	sst s2  }
0xa: {  	s0 =	ssub.s32 $0x2, s0;
	_ =	strace $0x80000047;
	[dreg:$0x6] =	wrdreg s25  }
0xb: {  	s3 =	sor.u32 s5, s3;
	s22 =	sshrl.u32 s0, $0x1;
	[dreg:$0x7] =	wrdreg s26  }
0xc: {  	s25 =	simm.s32 $0x3800;
	s26 =	simm.s32 $0x3C00;
	s5 =	smul.u32 $0x180, s3  }
0xd: {  	s6 =	sadd.s32 s3, s4;
	s3 =	sadd.s32 $0x2200, s4;
	s0 =	ssub.s32 s0, s22  }
0xe: {  	s4 =	sadd.s32 $0x2300, s4;
	s22 =	simm.s32 $0x2400;
	s23 =	sadd.s32 $0x1E00, s6  }
0xf: {  	v2 =	vlaneseq.u32;
	s24 =	sadd.s32 $0x2000, s6;
	s6 =	simm.s32 $0x9000;
	[dreg:$0x4] =	wrdreg s23  }
0x10: {  	vm0 =	vmmov $0xffff;
	vm1 =	vmmov $0xff;
	v1 =	vshrl.u32 v2, $0x3;
	s1 =	sadd.s32 s1, s5;
	[dreg:$0x5] =	wrdreg s24;
	s5 =	smax.u32 s0, $0x1  }
0x11: {  	v0 =	vand.u32 $0x7, v2;
	v2 =	vor.u32 $0x8, v2;
	v1 =	vmul.u32 $0x8, v1;
	s23 =	simm.s32 $0x2C00;
	s24 =	simm.s32 $0x3000;
	[dreg:$0x3] =	wrdreg s1  }
.LBB2_1:
0x12: {  	_ =	strace $0x80000048  }
0x13: {  	s17 =	rddreg [dreg:$0x3]  }
0x14: {  	s1 =	rddreg [dreg:$0x4]  }
0x15: {  	s18 =	rddreg [dreg:$0x6]  }
0x16: {  	[tilespmem:s2], [sflag:$0x1] =	stream.linear.gather [hbm4b:s17+s2], $0xC000, $0x200038;
	[tilespmem:$0x18200] =	vst v63  }
0x17: {  	s19 =	rddreg [dreg:$0x5]  }
0x18: {  	[tilespmem:s18], [sflag:$0x3] =	stream.linear.gather [hbm4b:s1+s2], $0x80, $0x200038;
	[tilespmem:$0x18200] =	vst v63  }
0x19: {  	s20 =	rddreg [dreg:$0x7]  }
0x1a: {  	[tilespmem:s20], [sflag:$0x5] =	stream.linear.gather [hbm4b:s19+s2], $0x80, $0x200038;
	[tilespmem:$0x18200] =	vst v63  }
0x1b: {  	_ =	strace $0x90000048  }
0x1c: {  	s0 =	simm.s32 $0x1;
	_ =	strace $0x80000049  }
0x1d: {  	_ =	swait.ge [sflag:s0], $0xC000  }
0x1e: {  	[sflag:s0] =	ssyncset.done $0x0  }
0x1f: {  	[sflag:s0] =	ssyncadd.s32 $0xFFFF4000  }
0x20: {  	_ =	strace $0x90000049  }
0x21: {  	s18 =	simm.s32 $0x3;
	_ =	strace $0x8000004A  }
0x22: {  	_ =	swait.ge [sflag:s18], $0x80  }
0x23: {  	[sflag:s18] =	ssyncset.done $0x0  }
0x24: {  	[sflag:s18] =	ssyncadd.s32 $0xFFFFFF80  }
0x25: {  	_ =	strace $0x9000004A  }
0x26: {  	s19 =	simm.s32 $0x5;
	_ =	strace $0x8000004B  }
0x27: {  	_ =	swait.ge [sflag:s19], $0x80  }
0x28: {  	[sflag:s19] =	ssyncset.done $0x0  }
0x29: {  	[sflag:s19] =	ssyncadd.s32 $0xFFFFFF80  }
0x2a: {  	_ =	strace $0x9000004B  }
0x2b: {  	_ =	strace $0x8000004C  }
0x2c: {  	v3 =	vld [tilespmem:$0x18000];
	_ =	sdelay $0x4  }
0x2d: {  	v4 =	vshrl.u32 v3, $0x3  }
0x2e: {  	v4 =	vmul.u32 $0x18, v4  }
0x2f: {  	v3 =	vand.u32 $0x7, v3  }
0x30: {  	v3 =	vor.u32 v3, v4  }
0x31: {  	v4 =	vperm.xlane v3, v0;
	_ =	sdelay $0x1  }
0x32: {  	v4 =	vadd.s32 v1, v4;
	_ =	sdelay $0x1  }
0x33: {  	v3 =	vperm.xlane v3, v2;
	_ =	sdelay $0x1  }
0x34: {  	v3 =	vadd.s32 v1, v3  }
0x35: {  	[hbm4b:s3+s2] =	stream.indirect_vreg.scatter [tilespmem:s2], [sflag:$0x7], $0x80, v4, vm0, $0x2000b8;
	[tilespmem:$0x18200] =	vst v63  }
0x36: {  	s17 =	simm.s32 $0x800  }
0x37: {  	[hbm4b:s4+s2] =	stream.indirect_vreg.scatter [tilespmem:s17], [sflag:$0x7], $0x80, v4, vm1, $0x2000b8;
	[tilespmem:$0x18200] =	vst v63  }
0x38: {  	s18 =	simm.s32 $0xC00  }
0x39: {  	[hbm4b:s3+s2] =	stream.indirect_vreg.scatter [tilespmem:s18], [sflag:$0x7], $0x80, v3, vm0, $0x2000b8;
	[tilespmem:$0x18200] =	vst v63  }
0x3a: {  	s19 =	simm.s32 $0x1400  }
0x3b: {  	[hbm4b:s4+s2] =	stream.indirect_vreg.scatter [tilespmem:s19], [sflag:$0x7], $0x80, v3, vm1, $0x2000b8;
	[tilespmem:$0x18200] =	vst v63  }
0x3c: {  	v3 =	vld [tilespmem:$0x18010];
	_ =	sdelay $0x4  }
0x3d: {  	v49 =	vshrl.u32 v3, $0x3  }
0x3e: {  	v4 =	vmul.u32 $0x18, v49  }
0x3f: {  	v3 =	vand.u32 $0x7, v3  }
0x40: {  	v3 =	vor.u32 v3, v4  }
0x41: {  	v4 =	vperm.xlane v3, v0;
	_ =	sdelay $0x1  }
0x42: {  	v4 =	vadd.s32 v1, v4;
	_ =	sdelay $0x1  }
0x43: {  	v3 =	vperm.xlane v3, v2;
	_ =	sdelay $0x1  }
0x44: {  	s20 =	simm.s32 $0x1800;
	v3 =	vadd.s32 v1, v3  }
0x45: {  	[hbm4b:s3+s2] =	stream.indirect_vreg.scatter [tilespmem:s20], [sflag:$0x7], $0x80, v4, vm0, $0x2000b8;
	[tilespmem:$0x18200] =	vst v63  }
0x46: {  	_ = 	snop  }
0x47: {  	[hbm4b:s4+s2] =	stream.indirect_vreg.scatter [tilespmem:s21], [sflag:$0x7], $0x80, v4, vm1, $0x2000b8;
	[tilespmem:$0x18200] =	vst v63  }
0x48: {  	_ = 	snop  }
0x49: {  	[hbm4b:s3+s2] =	stream.indirect_vreg.scatter [tilespmem:s22], [sflag:$0x7], $0x80, v3, vm0, $0x2000b8;
	[tilespmem:$0x18200] =	vst v63  }
0x4a: {  	_ = 	snop  }
0x4b: {  	[hbm4b:s4+s2] =	stream.indirect_vreg.scatter [tilespmem:s23], [sflag:$0x7], $0x80, v3, vm1, $0x2000b8;
	[tilespmem:$0x18200] =	vst v63  }
0x4c: {  	v3 =	vld [tilespmem:$0x18020];
	_ =	sdelay $0x4  }
0x4d: {  	v50 =	vshrl.u32 v3, $0x3  }
0x4e: {  	v4 =	vmul.u32 $0x18, v50  }
0x4f: {  	v3 =	vand.u32 $0x7, v3  }
0x50: {  	v3 =	vor.u32 v3, v4  }
0x51: {  	v4 =	vperm.xlane v3, v0;
	_ =	sdelay $0x1  }
0x52: {  	v4 =	vadd.s32 v1, v4;
	_ =	sdelay $0x1  }
0x53: {  	v3 =	vperm.xlane v3, v2;
	_ =	sdelay $0x1  }
0x54: {  	v3 =	vadd.s32 v1, v3  }
0x55: {  	[hbm4b:s3+s2] =	stream.indirect_vreg.scatter [tilespmem:s24], [sflag:$0x7], $0x80, v4, vm0, $0x2000b8;
	[tilespmem:$0x18200] =	vst v63  }
0x56: {  	_ = 	snop  }
0x57: {  	[hbm4b:s4+s2] =	stream.indirect_vreg.scatter [tilespmem:s25], [sflag:$0x7], $0x80, v4, vm1, $0x2000b8;
	[tilespmem:$0x18200] =	vst v63  }
0x58: {  	_ = 	snop  }
0x59: {  	[hbm4b:s3+s2] =	stream.indirect_vreg.scatter [tilespmem:s26], [sflag:$0x7], $0x80, v3, vm0, $0x2000b8;
	[tilespmem:$0x18200] =	vst v63  }
0x5a: {  	_ = 	snop  }
0x5b: {  	[hbm4b:s4+s2] =	stream.indirect_vreg.scatter [tilespmem:s28], [sflag:$0x7], $0x80, v3, vm1, $0x2000b8;
	[tilespmem:$0x18200] =	vst v63  }
0x5c: {  	v3 =	vld [tilespmem:$0x18030];
	_ =	sdelay $0x4  }
0x5d: {  	v51 =	vshrl.u32 v3, $0x3  }
0x5e: {  	v4 =	vmul.u32 $0x18, v51  }
0x5f: {  	v3 =	vand.u32 $0x7, v3  }
0x60: {  	v3 =	vor.u32 v3, v4  }
0x61: {  	v4 =	vperm.xlane v3, v0;
	_ =	sdelay $0x1  }
0x62: {  	v4 =	vadd.s32 v1, v4;
	_ =	sdelay $0x1  }
0x63: {  	v3 =	vperm.xlane v3, v2;
	_ =	sdelay $0x1  }
0x64: {  	v3 =	vadd.s32 v1, v3  }
0x65: {  	[hbm4b:s3+s2] =	stream.indirect_vreg.scatter [tilespmem:s29], [sflag:$0x7], $0x80, v4, vm0, $0x2000b8;
	[tilespmem:$0x18200] =	vst v63  }
0x66: {  	_ = 	snop  }
0x67: {  	[hbm4b:s4+s2] =	stream.indirect_vreg.scatter [tilespmem:s30], [sflag:$0x7], $0x80, v4, vm1, $0x2000b8;
	[tilespmem:$0x18200] =	vst v63  }
0x68: {  	_ = 	snop  }
0x69: {  	[hbm4b:s3+s2] =	stream.indirect_vreg.scatter [tilespmem:s31], [sflag:$0x7], $0x80, v3, vm0, $0x2000b8;
	[tilespmem:$0x18200] =	vst v63  }
0x6a: {  	s1 =	simm.s32 $0x5C00  }
0x6b: {  	[hbm4b:s4+s2] =	stream.indirect_vreg.scatter [tilespmem:s1], [sflag:$0x7], $0x80, v3, vm1, $0x2000b8;
	[tilespmem:$0x18200] =	vst v63  }
0x6c: {  	v3 =	vld [tilespmem:$0x18040];
	_ =	sdelay $0x4  }
0x6d: {  	v52 =	vshrl.u32 v3, $0x3  }
0x6e: {  	v4 =	vmul.u32 $0x18, v52  }
0x6f: {  	v3 =	vand.u32 $0x7, v3  }
0x70: {  	v3 =	vor.u32 v3, v4  }
0x71: {  	v4 =	vperm.xlane v3, v0;
	_ =	sdelay $0x1  }
0x72: {  	v4 =	vadd.s32 v1, v4;
	_ =	sdelay $0x1  }
0x73: {  	v3 =	vperm.xlane v3, v2;
	_ =	sdelay $0x1  }
0x74: {  	s0 =	simm.s32 $0x6000;
	v3 =	vadd.s32 v1, v3  }
0x75: {  	[hbm4b:s3+s2] =	stream.indirect_vreg.scatter [tilespmem:s0], [sflag:$0x7], $0x80, v4, vm0, $0x2000b8;
	[tilespmem:$0x18200] =	vst v63  }
0x76: {  	_ = 	snop  }
0x77: {  	[hbm4b:s4+s2] =	stream.indirect_vreg.scatter [tilespmem:s9], [sflag:$0x7], $0x80, v4, vm1, $0x2000b8;
	[tilespmem:$0x18200] =	vst v63  }
0x78: {  	_ = 	snop  }
0x79: {  	[hbm4b:s3+s2] =	stream.indirect_vreg.scatter [tilespmem:s10], [sflag:$0x7], $0x80, v3, vm0, $0x2000b8;
	[tilespmem:$0x18200] =	vst v63  }
0x7a: {  	_ = 	snop  }
0x7b: {  	[hbm4b:s4+s2] =	stream.indirect_vreg.scatter [tilespmem:s11], [sflag:$0x7], $0x80, v3, vm1, $0x2000b8;
	[tilespmem:$0x18200] =	vst v63  }
0x7c: {  	v3 =	vld [tilespmem:$0x18050];
	_ =	sdelay $0x4  }
0x7d: {  	v53 =	vshrl.u32 v3, $0x3  }
0x7e: {  	v4 =	vmul.u32 $0x18, v53  }
0x7f: {  	v3 =	vand.u32 $0x7, v3  }
0x80: {  	v3 =	vor.u32 v3, v4  }
0x81: {  	v4 =	vperm.xlane v3, v0;
	_ =	sdelay $0x1  }
0x82: {  	v4 =	vadd.s32 v1, v4;
	_ =	sdelay $0x1  }
0x83: {  	v3 =	vperm.xlane v3, v2;
	_ =	sdelay $0x1  }
0x84: {  	v3 =	vadd.s32 v1, v3  }
0x85: {  	[hbm4b:s3+s2] =	stream.indirect_vreg.scatter [tilespmem:s12], [sflag:$0x7], $0x80, v4, vm0, $0x2000b8;
	[tilespmem:$0x18200] =	vst v63  }
0x86: {  	_ = 	snop  }
0x87: {  	[hbm4b:s4+s2] =	stream.indirect_vreg.scatter [tilespmem:s13], [sflag:$0x7], $0x80, v4, vm1, $0x2000b8;
	[tilespmem:$0x18200] =	vst v63  }
0x88: {  	_ = 	snop  }
0x89: {  	[hbm4b:s3+s2] =	stream.indirect_vreg.scatter [tilespmem:s14], [sflag:$0x7], $0x80, v3, vm0, $0x2000b8;
	[tilespmem:$0x18200] =	vst v63  }
0x8a: {  	_ = 	snop  }
0x8b: {  	[hbm4b:s4+s2] =	stream.indirect_vreg.scatter [tilespmem:s15], [sflag:$0x7], $0x80, v3, vm1, $0x2000b8;
	[tilespmem:$0x18200] =	vst v63  }
0x8c: {  	v3 =	vld [tilespmem:$0x18060];
	_ =	sdelay $0x4  }
0x8d: {  	v54 =	vshrl.u32 v3, $0x3  }
0x8e: {  	v4 =	vmul.u32 $0x18, v54  }
0x8f: {  	v3 =	vand.u32 $0x7, v3  }
0x90: {  	v3 =	vor.u32 v3, v4  }
0x91: {  	v4 =	vperm.xlane v3, v0;
	_ =	sdelay $0x1  }
0x92: {  	v4 =	vadd.s32 v1, v4;
	_ =	sdelay $0x1  }
0x93: {  	v3 =	vperm.xlane v3, v2;
	_ =	sdelay $0x1  }
0x94: {  	v3 =	vadd.s32 v1, v3  }
0x95: {  	[hbm4b:s3+s2] =	stream.indirect_vreg.scatter [tilespmem:s6], [sflag:$0x7], $0x80, v4, vm0, $0x2000b8;
	[tilespmem:$0x18200] =	vst v63  }
0x96: {  	_ = 	snop  }
0x97: {  	[hbm4b:s4+s2] =	stream.indirect_vreg.scatter [tilespmem:s7], [sflag:$0x7], $0x80, v4, vm1, $0x2000b8;
	[tilespmem:$0x18200] =	vst v63  }
0x98: {  	_ = 	snop  }
0x99: {  	[hbm4b:s3+s2] =	stream.indirect_vreg.scatter [tilespmem:s8], [sflag:$0x7], $0x80, v3, vm0, $0x2000b8;
	[tilespmem:$0x18200] =	vst v63  }
0x9a: {  	_ = 	snop  }
0x9b: {  	[hbm4b:s4+s2] =	stream.indirect_vreg.scatter [tilespmem:s16], [sflag:$0x7], $0x80, v3, vm1, $0x2000b8;
	[tilespmem:$0x18200] =	vst v63  }
0x9c: {  	v3 =	vld [tilespmem:$0x18070];
	_ =	sdelay $0x4  }
0x9d: {  	v55 =	vshrl.u32 v3, $0x3  }
0x9e: {  	v4 =	vmul.u32 $0x18, v55  }
0x9f: {  	v3 =	vand.u32 $0x7, v3  }
0xa0: {  	v3 =	vor.u32 v3, v4  }
0xa1: {  	v4 =	vperm.xlane v3, v0;
	_ =	sdelay $0x1  }
0xa2: {  	v4 =	vadd.s32 v1, v4;
	_ =	sdelay $0x1  }
0xa3: {  	v3 =	vperm.xlane v3, v2;
	_ =	sdelay $0x1  }
0xa4: {  	s0 =	simm.s32 $0xA800;
	v3 =	vadd.s32 v1, v3  }
0xa5: {  	[hbm4b:s3+s2] =	stream.indirect_vreg.scatter [tilespmem:s0], [sflag:$0x7], $0x80, v4, vm0, $0x2000b8;
	[tilespmem:$0x18200] =	vst v63  }
0xa6: {  	s0 =	simm.s32 $0xB000  }
0xa7: {  	[hbm4b:s4+s2] =	stream.indirect_vreg.scatter [tilespmem:s0], [sflag:$0x7], $0x80, v4, vm1, $0x2000b8;
	[tilespmem:$0x18200] =	vst v63  }
0xa8: {  	s0 =	simm.s32 $0xB400  }
0xa9: {  	[hbm4b:s3+s2] =	stream.indirect_vreg.scatter [tilespmem:s0], [sflag:$0x7], $0x80, v3, vm0, $0x2000b8;
	[tilespmem:$0x18200] =	vst v63  }
0xaa: {  	s0 =	simm.s32 $0xBC00  }
0xab: {  	[hbm4b:s4+s2] =	stream.indirect_vreg.scatter [tilespmem:s0], [sflag:$0x7], $0x80, v3, vm1, $0x2000b8;
	[tilespmem:$0x18200] =	vst v63  }
0xac: {  	s0 =	simm.s32 $0x7  }
0xad: {  	_ =	swait.ge [sflag:s0], $0xC000  }
0xae: {  	[sflag:s0] =	ssyncset.done $0x0  }
0xaf: {  	[sflag:s0] =	ssyncadd.s32 $0xFFFF4000  }
0xb0: {  	v3 =	vld [tilespmem:$0x18100];
	_ =	sdelay $0x4  }
0xb1: {  	v56 =	vshrl.u32 v3, $0x3  }
0xb2: {  	v4 =	vmul.u32 $0x18, v56  }
0xb3: {  	v3 =	vand.u32 $0x7, v3  }
0xb4: {  	v3 =	vor.u32 v3, v4  }
0xb5: {  	v4 =	vperm.xlane v3, v0;
	_ =	sdelay $0x1  }
0xb6: {  	v4 =	vadd.s32 v1, v4;
	_ =	sdelay $0x1  }
0xb7: {  	v3 =	vperm.xlane v3, v2;
	_ =	sdelay $0x1  }
0xb8: {  	v3 =	vadd.s32 v1, v3  }
0xb9: {  	[hbm4b:s3+s2] =	stream.indirect_vreg.scatter [tilespmem:s2], [sflag:$0x7], $0x80, v4, vm0, $0x2000b8;
	[tilespmem:$0x18200] =	vst v63  }
0xba: {  	_ = 	snop  }
0xbb: {  	[hbm4b:s4+s2] =	stream.indirect_vreg.scatter [tilespmem:s17], [sflag:$0x7], $0x80, v4, vm1, $0x2000b8;
	[tilespmem:$0x18200] =	vst v63  }
0xbc: {  	_ = 	snop  }
0xbd: {  	[hbm4b:s3+s2] =	stream.indirect_vreg.scatter [tilespmem:s18], [sflag:$0x7], $0x80, v3, vm0, $0x2000b8;
	[tilespmem:$0x18200] =	vst v63  }
0xbe: {  	_ = 	snop  }
0xbf: {  	[hbm4b:s4+s2] =	stream.indirect_vreg.scatter [tilespmem:s19], [sflag:$0x7], $0x80, v3, vm1, $0x2000b8;
	[tilespmem:$0x18200] =	vst v63  }
0xc0: {  	v3 =	vld [tilespmem:$0x18110];
	_ =	sdelay $0x4  }
0xc1: {  	v57 =	vshrl.u32 v3, $0x3  }
0xc2: {  	v4 =	vmul.u32 $0x18, v57  }
0xc3: {  	v3 =	vand.u32 $0x7, v3  }
0xc4: {  	v3 =	vor.u32 v3, v4  }
0xc5: {  	v4 =	vperm.xlane v3, v0;
	_ =	sdelay $0x1  }
0xc6: {  	v4 =	vadd.s32 v1, v4;
	_ =	sdelay $0x1  }
0xc7: {  	v3 =	vperm.xlane v3, v2;
	_ =	sdelay $0x1  }
0xc8: {  	v3 =	vadd.s32 v1, v3  }
0xc9: {  	[hbm4b:s3+s2] =	stream.indirect_vreg.scatter [tilespmem:s20], [sflag:$0x7], $0x80, v4, vm0, $0x2000b8;
	[tilespmem:$0x18200] =	vst v63  }
0xca: {  	_ = 	snop  }
0xcb: {  	[hbm4b:s4+s2] =	stream.indirect_vreg.scatter [tilespmem:s21], [sflag:$0x7], $0x80, v4, vm1, $0x2000b8;
	[tilespmem:$0x18200] =	vst v63  }
0xcc: {  	_ = 	snop  }
0xcd: {  	[hbm4b:s3+s2] =	stream.indirect_vreg.scatter [tilespmem:s22], [sflag:$0x7], $0x80, v3, vm0, $0x2000b8;
	[tilespmem:$0x18200] =	vst v63  }
0xce: {  	_ = 	snop  }
0xcf: {  	[hbm4b:s4+s2] =	stream.indirect_vreg.scatter [tilespmem:s23], [sflag:$0x7], $0x80, v3, vm1, $0x2000b8;
	[tilespmem:$0x18200] =	vst v63  }
0xd0: {  	v3 =	vld [tilespmem:$0x18120];
	_ =	sdelay $0x4  }
0xd1: {  	v58 =	vshrl.u32 v3, $0x3  }
0xd2: {  	v4 =	vmul.u32 $0x18, v58  }
0xd3: {  	v3 =	vand.u32 $0x7, v3  }
0xd4: {  	v3 =	vor.u32 v3, v4  }
0xd5: {  	v4 =	vperm.xlane v3, v0;
	_ =	sdelay $0x1  }
0xd6: {  	v4 =	vadd.s32 v1, v4;
	_ =	sdelay $0x1  }
0xd7: {  	v3 =	vperm.xlane v3, v2;
	_ =	sdelay $0x1  }
0xd8: {  	v3 =	vadd.s32 v1, v3  }
0xd9: {  	[hbm4b:s3+s2] =	stream.indirect_vreg.scatter [tilespmem:s24], [sflag:$0x7], $0x80, v4, vm0, $0x2000b8;
	[tilespmem:$0x18200] =	vst v63  }
0xda: {  	_ = 	snop  }
0xdb: {  	[hbm4b:s4+s2] =	stream.indirect_vreg.scatter [tilespmem:s25], [sflag:$0x7], $0x80, v4, vm1, $0x2000b8;
	[tilespmem:$0x18200] =	vst v63  }
0xdc: {  	_ = 	snop  }
0xdd: {  	[hbm4b:s3+s2] =	stream.indirect_vreg.scatter [tilespmem:s26], [sflag:$0x7], $0x80, v3, vm0, $0x2000b8;
	[tilespmem:$0x18200] =	vst v63  }
0xde: {  	_ = 	snop  }
0xdf: {  	[hbm4b:s4+s2] =	stream.indirect_vreg.scatter [tilespmem:s28], [sflag:$0x7], $0x80, v3, vm1, $0x2000b8;
	[tilespmem:$0x18200] =	vst v63  }
0xe0: {  	v3 =	vld [tilespmem:$0x18130];
	_ =	sdelay $0x4  }
0xe1: {  	v59 =	vshrl.u32 v3, $0x3  }
0xe2: {  	v4 =	vmul.u32 $0x18, v59  }
0xe3: {  	v3 =	vand.u32 $0x7, v3  }
0xe4: {  	v3 =	vor.u32 v3, v4  }
0xe5: {  	v4 =	vperm.xlane v3, v0;
	_ =	sdelay $0x1  }
0xe6: {  	v4 =	vadd.s32 v1, v4;
	_ =	sdelay $0x1  }
0xe7: {  	v3 =	vperm.xlane v3, v2;
	_ =	sdelay $0x1  }
0xe8: {  	v3 =	vadd.s32 v1, v3  }
0xe9: {  	[hbm4b:s3+s2] =	stream.indirect_vreg.scatter [tilespmem:s29], [sflag:$0x7], $0x80, v4, vm0, $0x2000b8;
	[tilespmem:$0x18200] =	vst v63  }
0xea: {  	_ = 	snop  }
0xeb: {  	[hbm4b:s4+s2] =	stream.indirect_vreg.scatter [tilespmem:s30], [sflag:$0x7], $0x80, v4, vm1, $0x2000b8;
	[tilespmem:$0x18200] =	vst v63  }
0xec: {  	_ = 	snop  }
0xed: {  	[hbm4b:s3+s2] =	stream.indirect_vreg.scatter [tilespmem:s31], [sflag:$0x7], $0x80, v3, vm0, $0x2000b8;
	[tilespmem:$0x18200] =	vst v63  }
0xee: {  	_ = 	snop  }
0xef: {  	[hbm4b:s4+s2] =	stream.indirect_vreg.scatter [tilespmem:s1], [sflag:$0x7], $0x80, v3, vm1, $0x2000b8;
	[tilespmem:$0x18200] =	vst v63  }
0xf0: {  	v3 =	vld [tilespmem:$0x18140];
	_ =	sdelay $0x4  }
0xf1: {  	v60 =	vshrl.u32 v3, $0x3  }
0xf2: {  	v4 =	vmul.u32 $0x18, v60  }
0xf3: {  	v3 =	vand.u32 $0x7, v3  }
0xf4: {  	v3 =	vor.u32 v3, v4  }
0xf5: {  	v4 =	vperm.xlane v3, v0;
	_ =	sdelay $0x1  }
0xf6: {  	v4 =	vadd.s32 v1, v4;
	_ =	sdelay $0x1  }
0xf7: {  	v3 =	vperm.xlane v3, v2;
	_ =	sdelay $0x1  }
0xf8: {  	s20 =	simm.s32 $0x6000;
	v3 =	vadd.s32 v1, v3  }
0xf9: {  	[hbm4b:s3+s2] =	stream.indirect_vreg.scatter [tilespmem:s20], [sflag:$0x7], $0x80, v4, vm0, $0x2000b8;
	[tilespmem:$0x18200] =	vst v63  }
0xfa: {  	_ = 	snop  }
0xfb: {  	[hbm4b:s4+s2] =	stream.indirect_vreg.scatter [tilespmem:s9], [sflag:$0x7], $0x80, v4, vm1, $0x2000b8;
	[tilespmem:$0x18200] =	vst v63  }
0xfc: {  	_ = 	snop  }
0xfd: {  	[hbm4b:s3+s2] =	stream.indirect_vreg.scatter [tilespmem:s10], [sflag:$0x7], $0x80, v3, vm0, $0x2000b8;
	[tilespmem:$0x18200] =	vst v63  }
0xfe: {  	_ = 	snop  }
0xff: {  	[hbm4b:s4+s2] =	stream.indirect_vreg.scatter [tilespmem:s11], [sflag:$0x7], $0x80, v3, vm1, $0x2000b8;
	[tilespmem:$0x18200] =	vst v63  }
0x100: {  	v3 =	vld [tilespmem:$0x18150];
	_ =	sdelay $0x4  }
0x101: {  	v61 =	vshrl.u32 v3, $0x3  }
0x102: {  	v4 =	vmul.u32 $0x18, v61  }
0x103: {  	v3 =	vand.u32 $0x7, v3  }
0x104: {  	v3 =	vor.u32 v3, v4  }
0x105: {  	v4 =	vperm.xlane v3, v0;
	_ =	sdelay $0x1  }
0x106: {  	v4 =	vadd.s32 v1, v4;
	_ =	sdelay $0x1  }
0x107: {  	v3 =	vperm.xlane v3, v2;
	_ =	sdelay $0x1  }
0x108: {  	v3 =	vadd.s32 v1, v3  }
0x109: {  	[hbm4b:s3+s2] =	stream.indirect_vreg.scatter [tilespmem:s12], [sflag:$0x7], $0x80, v4, vm0, $0x2000b8;
	[tilespmem:$0x18200] =	vst v63  }
0x10a: {  	_ = 	snop  }
0x10b: {  	[hbm4b:s4+s2] =	stream.indirect_vreg.scatter [tilespmem:s13], [sflag:$0x7], $0x80, v4, vm1, $0x2000b8;
	[tilespmem:$0x18200] =	vst v63  }
0x10c: {  	_ = 	snop  }
0x10d: {  	[hbm4b:s3+s2] =	stream.indirect_vreg.scatter [tilespmem:s14], [sflag:$0x7], $0x80, v3, vm0, $0x2000b8;
	[tilespmem:$0x18200] =	vst v63  }
0x10e: {  	_ = 	snop  }
0x10f: {  	[hbm4b:s4+s2] =	stream.indirect_vreg.scatter [tilespmem:s15], [sflag:$0x7], $0x80, v3, vm1, $0x2000b8;
	[tilespmem:$0x18200] =	vst v63  }
0x110: {  	v3 =	vld [tilespmem:$0x18160];
	_ =	sdelay $0x4  }
0x111: {  	v62 =	vshrl.u32 v3, $0x3  }
0x112: {  	v4 =	vmul.u32 $0x18, v62  }
0x113: {  	v3 =	vand.u32 $0x7, v3  }
0x114: {  	v3 =	vor.u32 v3, v4  }
0x115: {  	v4 =	vperm.xlane v3, v0;
	_ =	sdelay $0x1  }
0x116: {  	v4 =	vadd.s32 v1, v4;
	_ =	sdelay $0x1  }
0x117: {  	v3 =	vperm.xlane v3, v2;
	_ =	sdelay $0x1  }
0x118: {  	v3 =	vadd.s32 v1, v3  }
0x119: {  	[hbm4b:s3+s2] =	stream.indirect_vreg.scatter [tilespmem:s6], [sflag:$0x7], $0x80, v4, vm0, $0x2000b8;
	[tilespmem:$0x18200] =	vst v63  }
0x11a: {  	_ = 	snop  }
0x11b: {  	[hbm4b:s4+s2] =	stream.indirect_vreg.scatter [tilespmem:s7], [sflag:$0x7], $0x80, v4, vm1, $0x2000b8;
	[tilespmem:$0x18200] =	vst v63  }
0x11c: {  	_ = 	snop  }
0x11d: {  	[hbm4b:s3+s2] =	stream.indirect_vreg.scatter [tilespmem:s8], [sflag:$0x7], $0x80, v3, vm0, $0x2000b8;
	[tilespmem:$0x18200] =	vst v63  }
0x11e: {  	_ = 	snop  }
0x11f: {  	[hbm4b:s4+s2] =	stream.indirect_vreg.scatter [tilespmem:s16], [sflag:$0x7], $0x80, v3, vm1, $0x2000b8;
	[tilespmem:$0x18200] =	vst v63  }
0x120: {  	v3 =	vld [tilespmem:$0x18170];
	_ =	sdelay $0x4  }
0x121: {  	v63 =	vshrl.u32 v3, $0x3  }
0x122: {  	v4 =	vmul.u32 $0x18, v63  }
0x123: {  	v3 =	vand.u32 $0x7, v3  }
0x124: {  	v3 =	vor.u32 v3, v4  }
0x125: {  	v4 =	vperm.xlane v3, v0;
	_ =	sdelay $0x1  }
0x126: {  	v4 =	vadd.s32 v1, v4;
	_ =	sdelay $0x1  }
0x127: {  	v3 =	vperm.xlane v3, v2;
	_ =	sdelay $0x1  }
0x128: {  	s17 =	simm.s32 $0xA800;
	v3 =	vadd.s32 v1, v3  }
0x129: {  	[hbm4b:s3+s2] =	stream.indirect_vreg.scatter [tilespmem:s17], [sflag:$0x7], $0x80, v4, vm0, $0x2000b8;
	[tilespmem:$0x18200] =	vst v63  }
0x12a: {  	s18 =	simm.s32 $0xB000  }
0x12b: {  	[hbm4b:s4+s2] =	stream.indirect_vreg.scatter [tilespmem:s18], [sflag:$0x7], $0x80, v4, vm1, $0x2000b8;
	[tilespmem:$0x18200] =	vst v63  }
0x12c: {  	s19 =	simm.s32 $0xB400  }
0x12d: {  	[hbm4b:s3+s2] =	stream.indirect_vreg.scatter [tilespmem:s19], [sflag:$0x7], $0x80, v3, vm0, $0x2000b8;
	[tilespmem:$0x18200] =	vst v63  }
0x12e: {  	p0 =	sne.s32 s5, $0x1;
	s20 =	simm.s32 $0xBC00  }
0x12f: {  	[hbm4b:s4+s2] =	stream.indirect_vreg.scatter [tilespmem:s20], [sflag:$0x7], $0x80, v3, vm1, $0x2000b8;
	[tilespmem:$0x18200] =	vst v63  }
.Ltmp0:
0x130: {  	_ = 	snop;
	(pc) =	sbr.rel @p0 .LBB2_1-.Ltmp0, $4  }
0x131: {  	_ =	swait.ge [sflag:s0], $0xC000  }
0x132: {  	[sflag:s0] =	ssyncset.done $0x0  }
0x133: {  	[sflag:s0] =	ssyncadd.s32 $0xFFFF4000  }
0x134: {  	s5 =	sadd.s32 $0xFFFFFFFF, s5;
	_ =	strace $0x9000004C  }
0x135: {  	_ =	sfence.sel $0x180000  }
0x136: {  	[bflag:$0x0] =	sbarrier.arrive $0xFFFF  }
0x137: {  	_ =	strace $0x90000047  }
0x138: {  	s0 =	stileid.u32;
	[bflag:$0x2] =	sbarrier.arrive $0xFFFF  }
0x139: {  	p0 =	sne.s32 s0, $0x0;
	s0 =	rddreg [dreg:$0x2]  }
0x13a: {  	s0 =	sadd.s32 @!p0 $0x100000, s0  }
0x13b: {  	[sflag:s0] =	ssyncadd.tile.s32 @!p0 $0x1;
	_ =	shalt  }
.Lfunc_end2:
_tile_overlayer_lowered:
.L_overlay_start_2:
0x13c: {  	(tag) =	ssettag $0x2  }
0x13d: {  	s0 =	rddreg [dreg:$0x0];
	s2 =	stileid.u32  }
0x13e: {  	s1 =	rddreg [dreg:$0x1];
	p0 =	sne.s32 s2, $0x0  }
0x13f: {  	s3 =	rddreg [dreg:$0x2];
	[bflag:$0x3] =	sbarrier.arrive $0xFFFF;
	s2 =	simm.s32 @!p0 $0x1C01  }
0x140: {  	[timem:s3], [sflag:s2] =	dma.local @!p0 [hbm:s0], s1  }
0x141: {  	s0 =	simm.s32 @!p0 $0x1  }
0x142: {  	_ =	swait.ge @!p0 [sflag:s0], s1  }
0x143: {  	s1 =	ssub.s32 @!p0 $0x0, s1;
	[sflag:s0] =	ssyncset.done @!p0 $0x0  }
0x144: {  	[sflag:s0] =	ssyncadd.s32 @!p0 s1  }
0x145: {  	[bflag:$0x3] =	sbarrier.arrive $0xFFFF  }
0x146: {  	_ =	shalt  }

</sc_bundles>
